<compile_context>
chip_gen: v7x
topology: tpu7x:2x2x1
jax: 0.10.2.dev20260603
libtpu: 0.0.44.dev20260713+nightly
codegen_flags: <defaults>
</compile_context>

<pallas_src>
import functools

import jax
import jax.numpy as jnp
from jax import lax
from jax.experimental import pallas as pl
from jax.experimental.pallas import tpu as pltpu
from jax.experimental.pallas import tpu_sc as plsc

B = 16384
V = 5000
D = 786
DP = 896
NC, NS = 2, 16
NW = NC * NS
B_PER_W = B // NW
CHUNK = 32
NCHUNK = B_PER_W // CHUNK


def _tr_body(in_ref, out_ref):
    out_ref[...] = in_ref[...].T


_tc_tr_in = pl.pallas_call(
    _tr_body,
    grid=(7,),
    in_specs=[pl.BlockSpec((128, V), lambda d: (d, 0))],
    out_specs=pl.BlockSpec((V, 128), lambda d: (0, d)),
    out_shape=jax.ShapeDtypeStruct((V, DP), jnp.float32),
)

_tc_tr_out = pl.pallas_call(
    _tr_body,
    grid=(2, 4),
    in_specs=[pl.BlockSpec((8192, 256), lambda i, d: (i, d))],
    out_specs=pl.BlockSpec((256, 8192), lambda i, d: (d, i)),
    out_shape=jax.ShapeDtypeStruct((D, B), jnp.float32),
)


def _make_sc_gather():
    mesh = plsc.VectorSubcoreMesh(core_axis_name="c", subcore_axis_name="s")

    @functools.partial(
        pl.kernel,
        mesh=mesh,
        out_type=jax.ShapeDtypeStruct((B, DP), jnp.float32),
        scratch_types=[
            pltpu.VMEM((B_PER_W,), jnp.int32),
            pltpu.VMEM((4, CHUNK, DP), jnp.float32),
            pltpu.SemaphoreType.DMA((4,)),
            pltpu.SemaphoreType.DMA((4,)),
        ],
        compiler_params=pltpu.CompilerParams(use_tc_tiling_on_sc=True),
    )
    def run(t_hbm, table_hbm, out_hbm, idx_v, rows_v, gsem, osem):
        wid = lax.axis_index("s") * NC + lax.axis_index("c")
        base = wid * B_PER_W
        pltpu.sync_copy(t_hbm.at[wid], idx_v)

        def gather_args(c):
            return (
                table_hbm.at[idx_v.at[pl.ds(c * CHUNK, CHUNK)]],
                rows_v.at[c % 4],
                gsem.at[c % 4],
            )

        def out_args(c):
            return (
                rows_v.at[c % 4],
                out_hbm.at[pl.ds(base + c * CHUNK, CHUNK)],
                osem.at[c % 4],
            )

        pltpu.async_copy(*gather_args(0))
        pltpu.async_copy(*gather_args(1))
        for c in range(NCHUNK):
            if c >= 2:
                pltpu.make_async_copy(*out_args(c - 2)).wait()
            if c + 2 < NCHUNK:
                pltpu.async_copy(*gather_args(c + 2))
            pltpu.make_async_copy(*gather_args(c)).wait()
            pltpu.async_copy(*out_args(c))
        pltpu.make_async_copy(*out_args(NCHUNK - 2)).wait()
        pltpu.make_async_copy(*out_args(NCHUNK - 1)).wait()

    return run


_sc_gather = _make_sc_gather()


def kernel(t, sinusoidal_embeddings):
    t_r = t.astype(jnp.int32).reshape(NW, B_PER_W)
    table_p = _tc_tr_in(sinusoidal_embeddings.T)
    out_sc = _sc_gather(t_r, table_p)
    return _tc_tr_out(out_sc).T

# --- scband reference (transcript-rebuilt; emitter-appended) ---
"""Pipeline reference for scband-timestep-embedder-6940667151036 (READ-ONLY COPY).

The authoritative reference and input builder live on the scoring server;
editing this copy changes nothing except your own understanding.
"""

import jax, jax.numpy as jnp
import numpy as np


def gen_pos_encoding(n_pos, dim):
    # Standard sinusoidal positional encoding:
    # pe[pos, 2i]   = sin(pos / 10000^(2i/dim))
    # pe[pos, 2i+1] = cos(pos / 10000^(2i/dim))
    position = np.arange(n_pos, dtype=np.float32)[:, None]
    div_term = np.exp(np.arange(0, dim, 2, dtype=np.float32) * (-np.log(10000.0) / dim))
    pe = np.zeros((n_pos, dim), dtype=np.float32)
    pe[:, 0::2] = np.sin(position * div_term)
    pe[:, 1::2] = np.cos(position * div_term)
    return jnp.asarray(pe)


def setup_inputs(seed: int = 0) -> dict:
    key = jax.random.key(seed)
    t = jax.random.randint(key, (16384,), 0, 5000, dtype=jnp.int64 if jax.config.jax_enable_x64 else jnp.int32)
    sinusoidal_embeddings = gen_pos_encoding(5000, 786)  # registered buffer
    return {"t": t, "sinusoidal_embeddings": sinusoidal_embeddings}


def reference(t, sinusoidal_embeddings):
    # self.sinusoidalEmbeddings[t, :]
    return jnp.take(sinusoidal_embeddings, t, axis=0)

if __name__ == "__main__":
    import jax
    _d = setup_inputs()
    print(jax.jit(kernel)(*tuple(_d.values())))

</pallas_src>

<mosaic_0001>
#map = affine_map<(d0, d1) -> (0, 0)>
module attributes {stable_mosaic.version = 14 : i64} {
  func.func @run(%arg0: i32, %arg1: i32, %arg2: memref<32x512xi32, #tpu.memory_space<hbm>>, %arg3: memref<5000x896xf32, #tpu.memory_space<hbm>>, %arg4: memref<16384x896xf32, #tpu.memory_space<hbm>>, %arg5: memref<512xi32, #tpu.memory_space<vmem>>, %arg6: memref<4x32x896xf32, #tpu.memory_space<vmem>>, %arg7: memref<4x!tpu.dma_semaphore, #tpu.memory_space<semaphore_mem>>, %arg8: memref<4x!tpu.dma_semaphore, #tpu.memory_space<semaphore_mem>>) attributes {dimension_semantics = [#tpu.dimension_semantics<core_parallel>, #tpu.dimension_semantics<subcore_parallel>], iteration_bounds = array<i64: 2, 16>, scalar_prefetch = 0 : i64, scratch_operands = 4 : i64, tpu.core_type = #tpu.core_type<sc_vector_subcore>, window_params = [{transform_indices = #map}, {transform_indices = #map}, {transform_indices = #map}]} {
    %mul3A = arith.constant 2 : i32
    %mul3A_0 = arith.muli %arg1, %mul3A : i32
    %add3A = arith.addi %mul3A_0, %arg0 : i32
    %mul3A_1 = arith.constant 512 : i32
    %mul3A_2 = arith.muli %add3A, %mul3A_1 : i32
    "tpu.region"() ({
      %run_scoped3A = tpu.sem_alloc : memref<!tpu.dma_semaphore, #tpu.memory_space<semaphore_mem>>
      %dma_start3A_993 = arith.constant 0 : i32
      %dma_start3A_994 = tpu.memref_slice %arg2[%add3A, %dma_start3A_993] : memref<32x512xi32, #tpu.memory_space<hbm>> -> memref<1x512xi32, #tpu.memory_space<hbm>>
      %dma_start3A_995 = tpu.memref_squeeze %dma_start3A_994 : memref<1x512xi32, #tpu.memory_space<hbm>> -> memref<512xi32, #tpu.memory_space<hbm>>
      %dma_start3A_996 = arith.constant 0 : i32
      %dma_start3A_997 = tpu.memref_slice %arg2[%add3A, %dma_start3A_996] : memref<32x512xi32, #tpu.memory_space<hbm>> -> memref<1x512xi32, #tpu.memory_space<hbm>>
      %dma_start3A_998 = tpu.memref_squeeze %dma_start3A_997 : memref<1x512xi32, #tpu.memory_space<hbm>> -> memref<512xi32, #tpu.memory_space<hbm>>
      tpu.enqueue_dma source(%dma_start3A_998 : memref<512xi32, #tpu.memory_space<hbm>>) target(%arg5 : memref<512xi32, #tpu.memory_space<vmem>>) target_semaphore(%run_scoped3A : memref<!tpu.dma_semaphore, #tpu.memory_space<semaphore_mem>>)
      %dma_wait3A_999 = arith.constant 0 : i32
      %dma_wait3A_1000 = tpu.memref_slice %arg2[%add3A, %dma_wait3A_999] : memref<32x512xi32, #tpu.memory_space<hbm>> -> memref<1x512xi32, #tpu.memory_space<hbm>>
      %dma_wait3A_1001 = tpu.memref_squeeze %dma_wait3A_1000 : memref<1x512xi32, #tpu.memory_space<hbm>> -> memref<512xi32, #tpu.memory_space<hbm>>
      %dma_wait3A_1002 = arith.constant 0 : i32
      %dma_wait3A_1003 = tpu.memref_slice %arg2[%add3A, %dma_wait3A_1002] : memref<32x512xi32, #tpu.memory_space<hbm>> -> memref<1x512xi32, #tpu.memory_space<hbm>>
      %dma_wait3A_1004 = tpu.memref_squeeze %dma_wait3A_1003 : memref<1x512xi32, #tpu.memory_space<hbm>> -> memref<512xi32, #tpu.memory_space<hbm>>
      tpu.wait_dma2 semaphore(%run_scoped3A : memref<!tpu.dma_semaphore, #tpu.memory_space<semaphore_mem>>) src(%dma_wait3A_1004 : memref<512xi32, #tpu.memory_space<hbm>>) dst(%arg5 : memref<512xi32, #tpu.memory_space<vmem>>)
      tpu.yield
    }) : () -> ()
    %dma_start3A = arith.constant 0 : i32
    %dma_start3A_3 = arith.constant 0 : i32
    %dma_start3A_4 = arith.constant 0 : i32
    %dma_start3A_5 = arith.constant 0 : i32
    %dma_start3A_6 = tpu.memref_slice %arg6[%dma_start3A, %dma_start3A_4, %dma_start3A_5] : memref<4x32x896xf32, #tpu.memory_space<vmem>> -> memref<1x32x896xf32, #tpu.memory_space<vmem>>
    %dma_start3A_7 = tpu.memref_squeeze %dma_start3A_6 : memref<1x32x896xf32, #tpu.memory_space<vmem>> -> memref<32x896xf32, #tpu.memory_space<vmem>>
    %dma_start3A_8 = arith.constant 0 : i32
    %dma_start3A_9 = tpu.memref_slice %arg5[%dma_start3A_8] : memref<512xi32, #tpu.memory_space<vmem>> -> memref<32xi32, #tpu.memory_space<vmem>>
    %dma_start3A_10 = arith.constant 0 : i32
    %dma_start3A_11 = arith.constant 0 : i32
    %dma_start3A_12 = tpu.memref_slice %arg3[%dma_start3A_10, %dma_start3A_11] : memref<5000x896xf32, #tpu.memory_space<hbm>> -> memref<5000x896xf32, #tpu.memory_space<hbm>>
    %dma_start3A_13 = tpu.memref_slice %arg7[%dma_start3A_3] : memref<4x!tpu.dma_semaphore, #tpu.memory_space<semaphore_mem>> -> memref<1x!tpu.dma_semaphore, #tpu.memory_space<semaphore_mem>>
    %dma_start3A_14 = tpu.memref_squeeze %dma_start3A_13 : memref<1x!tpu.dma_semaphore, #tpu.memory_space<semaphore_mem>> -> memref<!tpu.dma_semaphore, #tpu.memory_space<semaphore_mem>>
    tpu.enqueue_indirect_dma source(%dma_start3A_12 : memref<5000x896xf32, #tpu.memory_space<hbm>>) target(%dma_start3A_7 : memref<32x896xf32, #tpu.memory_space<vmem>>) offsets(%dma_start3A_9 : memref<32xi32, #tpu.memory_space<vmem>>) semaphore(%dma_start3A_14 : memref<!tpu.dma_semaphore, #tpu.memory_space<semaphore_mem>>)
    %dma_start3A_15 = arith.constant 1 : i32
    %dma_start3A_16 = arith.constant 1 : i32
    %dma_start3A_17 = arith.constant 0 : i32
    %dma_start3A_18 = arith.constant 0 : i32
    %dma_start3A_19 = tpu.memref_slice %arg6[%dma_start3A_15, %dma_start3A_17, %dma_start3A_18] : memref<4x32x896xf32, #tpu.memory_space<vmem>> -> memref<1x32x896xf32, #tpu.memory_space<vmem>>
    %dma_start3A_20 = tpu.memref_squeeze %dma_start3A_19 : memref<1x32x896xf32, #tpu.memory_space<vmem>> -> memref<32x896xf32, #tpu.memory_space<vmem>>
    %dma_start3A_21 = arith.constant 32 : i32
    %dma_start3A_22 = tpu.memref_slice %arg5[%dma_start3A_21] : memref<512xi32, #tpu.memory_space<vmem>> -> memref<32xi32, #tpu.memory_space<vmem>>
    %dma_start3A_23 = arith.constant 0 : i32
    %dma_start3A_24 = arith.constant 0 : i32
    %dma_start3A_25 = tpu.memref_slice %arg3[%dma_start3A_23, %dma_start3A_24] : memref<5000x896xf32, #tpu.memory_space<hbm>> -> memref<5000x896xf32, #tpu.memory_space<hbm>>
    %dma_start3A_26 = tpu.memref_slice %arg7[%dma_start3A_16] : memref<4x!tpu.dma_semaphore, #tpu.memory_space<semaphore_mem>> -> memref<1x!tpu.dma_semaphore, #tpu.memory_space<semaphore_mem>>
    %dma_start3A_27 = tpu.memref_squeeze %dma_start3A_26 : memref<1x!tpu.dma_semaphore, #tpu.memory_space<semaphore_mem>> -> memref<!tpu.dma_semaphore, #tpu.memory_space<semaphore_mem>>
    tpu.enqueue_indirect_dma source(%dma_start3A_25 : memref<5000x896xf32, #tpu.memory_space<hbm>>) target(%dma_start3A_20 : memref<32x896xf32, #tpu.memory_space<vmem>>) offsets(%dma_start3A_22 : memref<32xi32, #tpu.memory_space<vmem>>) semaphore(%dma_start3A_27 : memref<!tpu.dma_semaphore, #tpu.memory_space<semaphore_mem>>)
    %dma_start3A_28 = arith.constant 2 : i32
    %dma_start3A_29 = arith.constant 2 : i32
    %dma_start3A_30 = arith.constant 0 : i32
    %dma_start3A_31 = arith.constant 0 : i32
    %dma_start3A_32 = tpu.memref_slice %arg6[%dma_start3A_28, %dma_start3A_30, %dma_start3A_31] : memref<4x32x896xf32, #tpu.memory_space<vmem>> -> memref<1x32x896xf32, #tpu.memory_space<vmem>>
    %dma_start3A_33 = tpu.memref_squeeze %dma_start3A_32 : memref<1x32x896xf32, #tpu.memory_space<vmem>> -> memref<32x896xf32, #tpu.memory_space<vmem>>
    %dma_start3A_34 = arith.constant 64 : i32
    %dma_start3A_35 = tpu.memref_slice %arg5[%dma_start3A_34] : memref<512xi32, #tpu.memory_space<vmem>> -> memref<32xi32, #tpu.memory_space<vmem>>
    %dma_start3A_36 = arith.constant 0 : i32
    %dma_start3A_37 = arith.constant 0 : i32
    %dma_start3A_38 = tpu.memref_slice %arg3[%dma_start3A_36, %dma_start3A_37] : memref<5000x896xf32, #tpu.memory_space<hbm>> -> memref<5000x896xf32, #tpu.memory_space<hbm>>
    %dma_start3A_39 = tpu.memref_slice %arg7[%dma_start3A_29] : memref<4x!tpu.dma_semaphore, #tpu.memory_space<semaphore_mem>> -> memref<1x!tpu.dma_semaphore, #tpu.memory_space<semaphore_mem>>
    %dma_start3A_40 = tpu.memref_squeeze %dma_start3A_39 : memref<1x!tpu.dma_semaphore, #tpu.memory_space<semaphore_mem>> -> memref<!tpu.dma_semaphore, #tpu.memory_space<semaphore_mem>>
    tpu.enqueue_indirect_dma source(%dma_start3A_38 : memref<5000x896xf32, #tpu.memory_space<hbm>>) target(%dma_start3A_33 : memref<32x896xf32, #tpu.memory_space<vmem>>) offsets(%dma_start3A_35 : memref<32xi32, #tpu.memory_space<vmem>>) semaphore(%dma_start3A_40 : memref<!tpu.dma_semaphore, #tpu.memory_space<semaphore_mem>>)
    %dma_wait3A = arith.constant 0 : i32
    %dma_wait3A_41 = arith.constant 0 : i32
    %dma_wait3A_42 = arith.constant 0 : i32
    %dma_wait3A_43 = arith.constant 0 : i32
    %dma_wait3A_44 = tpu.memref_slice %arg6[%dma_wait3A, %dma_wait3A_42, %dma_wait3A_43] : memref<4x32x896xf32, #tpu.memory_space<vmem>> -> memref<1x32x896xf32, #tpu.memory_space<vmem>>
    %dma_wait3A_45 = tpu.memref_squeeze %dma_wait3A_44 : memref<1x32x896xf32, #tpu.memory_space<vmem>> -> memref<32x896xf32, #tpu.memory_space<vmem>>
    %dma_wait3A_46 = arith.constant 0 : i32
    %dma_wait3A_47 = tpu.memref_slice %arg5[%dma_wait3A_46] : memref<512xi32, #tpu.memory_space<vmem>> -> memref<32xi32, #tpu.memory_space<vmem>>
    %dma_wait3A_48 = arith.constant 0 : i32
    %dma_wait3A_49 = arith.constant 0 : i32
    %dma_wait3A_50 = tpu.memref_slice %arg3[%dma_wait3A_48, %dma_wait3A_49] : memref<5000x896xf32, #tpu.memory_space<hbm>> -> memref<5000x896xf32, #tpu.memory_space<hbm>>
    %dma_wait3A_51 = tpu.memref_slice %arg7[%dma_wait3A_41] : memref<4x!tpu.dma_semaphore, #tpu.memory_space<semaphore_mem>> -> memref<1x!tpu.dma_semaphore, #tpu.memory_space<semaphore_mem>>
    %dma_wait3A_52 = tpu.memref_squeeze %dma_wait3A_51 : memref<1x!tpu.dma_semaphore, #tpu.memory_space<semaphore_mem>> -> memref<!tpu.dma_semaphore, #tpu.memory_space<semaphore_mem>>
    tpu.wait_indirect_dma semaphore(%dma_wait3A_52 : memref<!tpu.dma_semaphore, #tpu.memory_space<semaphore_mem>>) src(%dma_wait3A_50 : memref<5000x896xf32, #tpu.memory_space<hbm>>) dst(%dma_wait3A_45 : memref<32x896xf32, #tpu.memory_space<vmem>>)
    %add3A_53 = arith.constant 0 : i32
    %add3A_54 = arith.addi %mul3A_2, %add3A_53 : i32
    %dma_start3A_55 = arith.constant 0 : i32
    %dma_start3A_56 = arith.constant 0 : i32
    %dma_start3A_57 = arith.constant 0 : i32
    %dma_start3A_58 = arith.constant 0 : i32
    %dma_start3A_59 = tpu.memref_slice %arg6[%dma_start3A_55, %dma_start3A_57, %dma_start3A_58] : memref<4x32x896xf32, #tpu.memory_space<vmem>> -> memref<1x32x896xf32, #tpu.memory_space<vmem>>
    %dma_start3A_60 = tpu.memref_squeeze %dma_start3A_59 : memref<1x32x896xf32, #tpu.memory_space<vmem>> -> memref<32x896xf32, #tpu.memory_space<vmem>>
    %dma_start3A_61 = arith.constant 0 : i32
    %dma_start3A_62 = tpu.memref_slice %arg4[%add3A_54, %dma_start3A_61] : memref<16384x896xf32, #tpu.memory_space<hbm>> -> memref<32x896xf32, #tpu.memory_space<hbm>>
    %dma_start3A_63 = tpu.memref_slice %arg8[%dma_start3A_56] : memref<4x!tpu.dma_semaphore, #tpu.memory_space<semaphore_mem>> -> memref<1x!tpu.dma_semaphore, #tpu.memory_space<semaphore_mem>>
    %dma_start3A_64 = tpu.memref_squeeze %dma_start3A_63 : memref<1x!tpu.dma_semaphore, #tpu.memory_space<semaphore_mem>> -> memref<!tpu.dma_semaphore, #tpu.memory_space<semaphore_mem>>
    %dma_start3A_65 = arith.constant 0 : i32
    %dma_start3A_66 = tpu.memref_slice %arg4[%add3A_54, %dma_start3A_65] : memref<16384x896xf32, #tpu.memory_space<hbm>> -> memref<32x896xf32, #tpu.memory_space<hbm>>
    %dma_start3A_67 = arith.constant 0 : i32
    %dma_start3A_68 = arith.constant 0 : i32
    %dma_start3A_69 = tpu.memref_slice %arg6[%dma_start3A_55, %dma_start3A_67, %dma_start3A_68] : memref<4x32x896xf32, #tpu.memory_space<vmem>> -> memref<1x32x896xf32, #tpu.memory_space<vmem>>
    %dma_start3A_70 = tpu.memref_squeeze %dma_start3A_69 : memref<1x32x896xf32, #tpu.memory_space<vmem>> -> memref<32x896xf32, #tpu.memory_space<vmem>>
    tpu.enqueue_dma source(%dma_start3A_70 : memref<32x896xf32, #tpu.memory_space<vmem>>) target(%dma_start3A_66 : memref<32x896xf32, #tpu.memory_space<hbm>>) target_semaphore(%dma_start3A_64 : memref<!tpu.dma_semaphore, #tpu.memory_space<semaphore_mem>>)
    %dma_start3A_71 = arith.constant 3 : i32
    %dma_start3A_72 = arith.constant 3 : i32
    %dma_start3A_73 = arith.constant 0 : i32
    %dma_start3A_74 = arith.constant 0 : i32
    %dma_start3A_75 = tpu.memref_slice %arg6[%dma_start3A_71, %dma_start3A_73, %dma_start3A_74] : memref<4x32x896xf32, #tpu.memory_space<vmem>> -> memref<1x32x896xf32, #tpu.memory_space<vmem>>
    %dma_start3A_76 = tpu.memref_squeeze %dma_start3A_75 : memref<1x32x896xf32, #tpu.memory_space<vmem>> -> memref<32x896xf32, #tpu.memory_space<vmem>>
    %dma_start3A_77 = arith.constant 96 : i32
    %dma_start3A_78 = tpu.memref_slice %arg5[%dma_start3A_77] : memref<512xi32, #tpu.memory_space<vmem>> -> memref<32xi32, #tpu.memory_space<vmem>>
    %dma_start3A_79 = arith.constant 0 : i32
    %dma_start3A_80 = arith.constant 0 : i32
    %dma_start3A_81 = tpu.memref_slice %arg3[%dma_start3A_79, %dma_start3A_80] : memref<5000x896xf32, #tpu.memory_space<hbm>> -> memref<5000x896xf32, #tpu.memory_space<hbm>>
    %dma_start3A_82 = tpu.memref_slice %arg7[%dma_start3A_72] : memref<4x!tpu.dma_semaphore, #tpu.memory_space<semaphore_mem>> -> memref<1x!tpu.dma_semaphore, #tpu.memory_space<semaphore_mem>>
    %dma_start3A_83 = tpu.memref_squeeze %dma_start3A_82 : memref<1x!tpu.dma_semaphore, #tpu.memory_space<semaphore_mem>> -> memref<!tpu.dma_semaphore, #tpu.memory_space<semaphore_mem>>
    tpu.enqueue_indirect_dma source(%dma_start3A_81 : memref<5000x896xf32, #tpu.memory_space<hbm>>) target(%dma_start3A_76 : memref<32x896xf32, #tpu.memory_space<vmem>>) offsets(%dma_start3A_78 : memref<32xi32, #tpu.memory_space<vmem>>) semaphore(%dma_start3A_83 : memref<!tpu.dma_semaphore, #tpu.memory_space<semaphore_mem>>)
    %dma_wait3A_84 = arith.constant 1 : i32
    %dma_wait3A_85 = arith.constant 1 : i32
    %dma_wait3A_86 = arith.constant 0 : i32
    %dma_wait3A_87 = arith.constant 0 : i32
    %dma_wait3A_88 = tpu.memref_slice %arg6[%dma_wait3A_84, %dma_wait3A_86, %dma_wait3A_87] : memref<4x32x896xf32, #tpu.memory_space<vmem>> -> memref<1x32x896xf32, #tpu.memory_space<vmem>>
    %dma_wait3A_89 = tpu.memref_squeeze %dma_wait3A_88 : memref<1x32x896xf32, #tpu.memory_space<vmem>> -> memref<32x896xf32, #tpu.memory_space<vmem>>
    %dma_wait3A_90 = arith.constant 32 : i32
    %dma_wait3A_91 = tpu.memref_slice %arg5[%dma_wait3A_90] : memref<512xi32, #tpu.memory_space<vmem>> -> memref<32xi32, #tpu.memory_space<vmem>>
    %dma_wait3A_92 = arith.constant 0 : i32
    %dma_wait3A_93 = arith.constant 0 : i32
    %dma_wait3A_94 = tpu.memref_slice %arg3[%dma_wait3A_92, %dma_wait3A_93] : memref<5000x896xf32, #tpu.memory_space<hbm>> -> memref<5000x896xf32, #tpu.memory_space<hbm>>
    %dma_wait3A_95 = tpu.memref_slice %arg7[%dma_wait3A_85] : memref<4x!tpu.dma_semaphore, #tpu.memory_space<semaphore_mem>> -> memref<1x!tpu.dma_semaphore, #tpu.memory_space<semaphore_mem>>
    %dma_wait3A_96 = tpu.memref_squeeze %dma_wait3A_95 : memref<1x!tpu.dma_semaphore, #tpu.memory_space<semaphore_mem>> -> memref<!tpu.dma_semaphore, #tpu.memory_space<semaphore_mem>>
    tpu.wait_indirect_dma semaphore(%dma_wait3A_96 : memref<!tpu.dma_semaphore, #tpu.memory_space<semaphore_mem>>) src(%dma_wait3A_94 : memref<5000x896xf32, #tpu.memory_space<hbm>>) dst(%dma_wait3A_89 : memref<32x896xf32, #tpu.memory_space<vmem>>)
    %add3A_97 = arith.constant 32 : i32
    %add3A_98 = arith.addi %mul3A_2, %add3A_97 : i32
    %dma_start3A_99 = arith.constant 1 : i32
    %dma_start3A_100 = arith.constant 1 : i32
    %dma_start3A_101 = arith.constant 0 : i32
    %dma_start3A_102 = arith.constant 0 : i32
    %dma_start3A_103 = tpu.memref_slice %arg6[%dma_start3A_99, %dma_start3A_101, %dma_start3A_102] : memref<4x32x896xf32, #tpu.memory_space<vmem>> -> memref<1x32x896xf32, #tpu.memory_space<vmem>>
    %dma_start3A_104 = tpu.memref_squeeze %dma_start3A_103 : memref<1x32x896xf32, #tpu.memory_space<vmem>> -> memref<32x896xf32, #tpu.memory_space<vmem>>
    %dma_start3A_105 = arith.constant 0 : i32
    %dma_start3A_106 = tpu.memref_slice %arg4[%add3A_98, %dma_start3A_105] : memref<16384x896xf32, #tpu.memory_space<hbm>> -> memref<32x896xf32, #tpu.memory_space<hbm>>
    %dma_start3A_107 = tpu.memref_slice %arg8[%dma_start3A_100] : memref<4x!tpu.dma_semaphore, #tpu.memory_space<semaphore_mem>> -> memref<1x!tpu.dma_semaphore, #tpu.memory_space<semaphore_mem>>
    %dma_start3A_108 = tpu.memref_squeeze %dma_start3A_107 : memref<1x!tpu.dma_semaphore, #tpu.memory_space<semaphore_mem>> -> memref<!tpu.dma_semaphore, #tpu.memory_space<semaphore_mem>>
    %dma_start3A_109 = arith.constant 0 : i32
    %dma_start3A_110 = tpu.memref_slice %arg4[%add3A_98, %dma_start3A_109] : memref<16384x896xf32, #tpu.memory_space<hbm>> -> memref<32x896xf32, #tpu.memory_space<hbm>>
    %dma_start3A_111 = arith.constant 0 : i32
    %dma_start3A_112 = arith.constant 0 : i32
    %dma_start3A_113 = tpu.memref_slice %arg6[%dma_start3A_99, %dma_start3A_111, %dma_start3A_112] : memref<4x32x896xf32, #tpu.memory_space<vmem>> -> memref<1x32x896xf32, #tpu.memory_space<vmem>>
    %dma_start3A_114 = tpu.memref_squeeze %dma_start3A_113 : memref<1x32x896xf32, #tpu.memory_space<vmem>> -> memref<32x896xf32, #tpu.memory_space<vmem>>
    tpu.enqueue_dma source(%dma_start3A_114 : memref<32x896xf32, #tpu.memory_space<vmem>>) target(%dma_start3A_110 : memref<32x896xf32, #tpu.memory_space<hbm>>) target_semaphore(%dma_start3A_108 : memref<!tpu.dma_semaphore, #tpu.memory_space<semaphore_mem>>)
    %add3A_115 = arith.constant 0 : i32
    %add3A_116 = arith.addi %mul3A_2, %add3A_115 : i32
    %dma_wait3A_117 = arith.constant 0 : i32
    %dma_wait3A_118 = arith.constant 0 : i32
    %dma_wait3A_119 = arith.constant 0 : i32
    %dma_wait3A_120 = arith.constant 0 : i32
    %dma_wait3A_121 = tpu.memref_slice %arg6[%dma_wait3A_117, %dma_wait3A_119, %dma_wait3A_120] : memref<4x32x896xf32, #tpu.memory_space<vmem>> -> memref<1x32x896xf32, #tpu.memory_space<vmem>>
    %dma_wait3A_122 = tpu.memref_squeeze %dma_wait3A_121 : memref<1x32x896xf32, #tpu.memory_space<vmem>> -> memref<32x896xf32, #tpu.memory_space<vmem>>
    %dma_wait3A_123 = arith.constant 0 : i32
    %dma_wait3A_124 = tpu.memref_slice %arg4[%add3A_116, %dma_wait3A_123] : memref<16384x896xf32, #tpu.memory_space<hbm>> -> memref<32x896xf32, #tpu.memory_space<hbm>>
    %dma_wait3A_125 = tpu.memref_slice %arg8[%dma_wait3A_118] : memref<4x!tpu.dma_semaphore, #tpu.memory_space<semaphore_mem>> -> memref<1x!tpu.dma_semaphore, #tpu.memory_space<semaphore_mem>>
    %dma_wait3A_126 = tpu.memref_squeeze %dma_wait3A_125 : memref<1x!tpu.dma_semaphore, #tpu.memory_space<semaphore_mem>> -> memref<!tpu.dma_semaphore, #tpu.memory_space<semaphore_mem>>
    %dma_wait3A_127 = arith.constant 0 : i32
    %dma_wait3A_128 = tpu.memref_slice %arg4[%add3A_116, %dma_wait3A_127] : memref<16384x896xf32, #tpu.memory_space<hbm>> -> memref<32x896xf32, #tpu.memory_space<hbm>>
    %dma_wait3A_129 = arith.constant 0 : i32
    %dma_wait3A_130 = arith.constant 0 : i32
    %dma_wait3A_131 = tpu.memref_slice %arg6[%dma_wait3A_117, %dma_wait3A_129, %dma_wait3A_130] : memref<4x32x896xf32, #tpu.memory_space<vmem>> -> memref<1x32x896xf32, #tpu.memory_space<vmem>>
    %dma_wait3A_132 = tpu.memref_squeeze %dma_wait3A_131 : memref<1x32x896xf32, #tpu.memory_space<vmem>> -> memref<32x896xf32, #tpu.memory_space<vmem>>
    tpu.wait_dma2 semaphore(%dma_wait3A_126 : memref<!tpu.dma_semaphore, #tpu.memory_space<semaphore_mem>>) src(%dma_wait3A_132 : memref<32x896xf32, #tpu.memory_space<vmem>>) dst(%dma_wait3A_128 : memref<32x896xf32, #tpu.memory_space<hbm>>)
    %dma_start3A_133 = arith.constant 0 : i32
    %dma_start3A_134 = arith.constant 0 : i32
    %dma_start3A_135 = arith.constant 0 : i32
    %dma_start3A_136 = arith.constant 0 : i32
    %dma_start3A_137 = tpu.memref_slice %arg6[%dma_start3A_133, %dma_start3A_135, %dma_start3A_136] : memref<4x32x896xf32, #tpu.memory_space<vmem>> -> memref<1x32x896xf32, #tpu.memory_space<vmem>>
    %dma_start3A_138 = tpu.memref_squeeze %dma_start3A_137 : memref<1x32x896xf32, #tpu.memory_space<vmem>> -> memref<32x896xf32, #tpu.memory_space<vmem>>
    %dma_start3A_139 = arith.constant 128 : i32
    %dma_start3A_140 = tpu.memref_slice %arg5[%dma_start3A_139] : memref<512xi32, #tpu.memory_space<vmem>> -> memref<32xi32, #tpu.memory_space<vmem>>
    %dma_start3A_141 = arith.constant 0 : i32
    %dma_start3A_142 = arith.constant 0 : i32
    %dma_start3A_143 = tpu.memref_slice %arg3[%dma_start3A_141, %dma_start3A_142] : memref<5000x896xf32, #tpu.memory_space<hbm>> -> memref<5000x896xf32, #tpu.memory_space<hbm>>
    %dma_start3A_144 = tpu.memref_slice %arg7[%dma_start3A_134] : memref<4x!tpu.dma_semaphore, #tpu.memory_space<semaphore_mem>> -> memref<1x!tpu.dma_semaphore, #tpu.memory_space<semaphore_mem>>
    %dma_start3A_145 = tpu.memref_squeeze %dma_start3A_144 : memref<1x!tpu.dma_semaphore, #tpu.memory_space<semaphore_mem>> -> memref<!tpu.dma_semaphore, #tpu.memory_space<semaphore_mem>>
    tpu.enqueue_indirect_dma source(%dma_start3A_143 : memref<5000x896xf32, #tpu.memory_space<hbm>>) target(%dma_start3A_138 : memref<32x896xf32, #tpu.memory_space<vmem>>) offsets(%dma_start3A_140 : memref<32xi32, #tpu.memory_space<vmem>>) semaphore(%dma_start3A_145 : memref<!tpu.dma_semaphore, #tpu.memory_space<semaphore_mem>>)
    %dma_wait3A_146 = arith.constant 2 : i32
    %dma_wait3A_147 = arith.constant 2 : i32
    %dma_wait3A_148 = arith.constant 0 : i32
    %dma_wait3A_149 = arith.constant 0 : i32
    %dma_wait3A_150 = tpu.memref_slice %arg6[%dma_wait3A_146, %dma_wait3A_148, %dma_wait3A_149] : memref<4x32x896xf32, #tpu.memory_space<vmem>> -> memref<1x32x896xf32, #tpu.memory_space<vmem>>
    %dma_wait3A_151 = tpu.memref_squeeze %dma_wait3A_150 : memref<1x32x896xf32, #tpu.memory_space<vmem>> -> memref<32x896xf32, #tpu.memory_space<vmem>>
    %dma_wait3A_152 = arith.constant 64 : i32
    %dma_wait3A_153 = tpu.memref_slice %arg5[%dma_wait3A_152] : memref<512xi32, #tpu.memory_space<vmem>> -> memref<32xi32, #tpu.memory_space<vmem>>
    %dma_wait3A_154 = arith.constant 0 : i32
    %dma_wait3A_155 = arith.constant 0 : i32
    %dma_wait3A_156 = tpu.memref_slice %arg3[%dma_wait3A_154, %dma_wait3A_155] : memref<5000x896xf32, #tpu.memory_space<hbm>> -> memref<5000x896xf32, #tpu.memory_space<hbm>>
    %dma_wait3A_157 = tpu.memref_slice %arg7[%dma_wait3A_147] : memref<4x!tpu.dma_semaphore, #tpu.memory_space<semaphore_mem>> -> memref<1x!tpu.dma_semaphore, #tpu.memory_space<semaphore_mem>>
    %dma_wait3A_158 = tpu.memref_squeeze %dma_wait3A_157 : memref<1x!tpu.dma_semaphore, #tpu.memory_space<semaphore_mem>> -> memref<!tpu.dma_semaphore, #tpu.memory_space<semaphore_mem>>
    tpu.wait_indirect_dma semaphore(%dma_wait3A_158 : memref<!tpu.dma_semaphore, #tpu.memory_space<semaphore_mem>>) src(%dma_wait3A_156 : memref<5000x896xf32, #tpu.memory_space<hbm>>) dst(%dma_wait3A_151 : memref<32x896xf32, #tpu.memory_space<vmem>>)
    %add3A_159 = arith.constant 64 : i32
    %add3A_160 = arith.addi %mul3A_2, %add3A_159 : i32
    %dma_start3A_161 = arith.constant 2 : i32
    %dma_start3A_162 = arith.constant 2 : i32
    %dma_start3A_163 = arith.constant 0 : i32
    %dma_start3A_164 = arith.constant 0 : i32
    %dma_start3A_165 = tpu.memref_slice %arg6[%dma_start3A_161, %dma_start3A_163, %dma_start3A_164] : memref<4x32x896xf32, #tpu.memory_space<vmem>> -> memref<1x32x896xf32, #tpu.memory_space<vmem>>
    %dma_start3A_166 = tpu.memref_squeeze %dma_start3A_165 : memref<1x32x896xf32, #tpu.memory_space<vmem>> -> memref<32x896xf32, #tpu.memory_space<vmem>>
    %dma_start3A_167 = arith.constant 0 : i32
    %dma_start3A_168 = tpu.memref_slice %arg4[%add3A_160, %dma_start3A_167] : memref<16384x896xf32, #tpu.memory_space<hbm>> -> memref<32x896xf32, #tpu.memory_space<hbm>>
    %dma_start3A_169 = tpu.memref_slice %arg8[%dma_start3A_162] : memref<4x!tpu.dma_semaphore, #tpu.memory_space<semaphore_mem>> -> memref<1x!tpu.dma_semaphore, #tpu.memory_space<semaphore_mem>>
    %dma_start3A_170 = tpu.memref_squeeze %dma_start3A_169 : memref<1x!tpu.dma_semaphore, #tpu.memory_space<semaphore_mem>> -> memref<!tpu.dma_semaphore, #tpu.memory_space<semaphore_mem>>
    %dma_start3A_171 = arith.constant 0 : i32
    %dma_start3A_172 = tpu.memref_slice %arg4[%add3A_160, %dma_start3A_171] : memref<16384x896xf32, #tpu.memory_space<hbm>> -> memref<32x896xf32, #tpu.memory_space<hbm>>
    %dma_start3A_173 = arith.constant 0 : i32
    %dma_start3A_174 = arith.constant 0 : i32
    %dma_start3A_175 = tpu.memref_slice %arg6[%dma_start3A_161, %dma_start3A_173, %dma_start3A_174] : memref<4x32x896xf32, #tpu.memory_space<vmem>> -> memref<1x32x896xf32, #tpu.memory_space<vmem>>
    %dma_start3A_176 = tpu.memref_squeeze %dma_start3A_175 : memref<1x32x896xf32, #tpu.memory_space<vmem>> -> memref<32x896xf32, #tpu.memory_space<vmem>>
    tpu.enqueue_dma source(%dma_start3A_176 : memref<32x896xf32, #tpu.memory_space<vmem>>) target(%dma_start3A_172 : memref<32x896xf32, #tpu.memory_space<hbm>>) target_semaphore(%dma_start3A_170 : memref<!tpu.dma_semaphore, #tpu.memory_space<semaphore_mem>>)
    %add3A_177 = arith.constant 32 : i32
    %add3A_178 = arith.addi %mul3A_2, %add3A_177 : i32
    %dma_wait3A_179 = arith.constant 1 : i32
    %dma_wait3A_180 = arith.constant 1 : i32
    %dma_wait3A_181 = arith.constant 0 : i32
    %dma_wait3A_182 = arith.constant 0 : i32
    %dma_wait3A_183 = tpu.memref_slice %arg6[%dma_wait3A_179, %dma_wait3A_181, %dma_wait3A_182] : memref<4x32x896xf32, #tpu.memory_space<vmem>> -> memref<1x32x896xf32, #tpu.memory_space<vmem>>
    %dma_wait3A_184 = tpu.memref_squeeze %dma_wait3A_183 : memref<1x32x896xf32, #tpu.memory_space<vmem>> -> memref<32x896xf32, #tpu.memory_space<vmem>>
    %dma_wait3A_185 = arith.constant 0 : i32
    %dma_wait3A_186 = tpu.memref_slice %arg4[%add3A_178, %dma_wait3A_185] : memref<16384x896xf32, #tpu.memory_space<hbm>> -> memref<32x896xf32, #tpu.memory_space<hbm>>
    %dma_wait3A_187 = tpu.memref_slice %arg8[%dma_wait3A_180] : memref<4x!tpu.dma_semaphore, #tpu.memory_space<semaphore_mem>> -> memref<1x!tpu.dma_semaphore, #tpu.memory_space<semaphore_mem>>
    %dma_wait3A_188 = tpu.memref_squeeze %dma_wait3A_187 : memref<1x!tpu.dma_semaphore, #tpu.memory_space<semaphore_mem>> -> memref<!tpu.dma_semaphore, #tpu.memory_space<semaphore_mem>>
    %dma_wait3A_189 = arith.constant 0 : i32
    %dma_wait3A_190 = tpu.memref_slice %arg4[%add3A_178, %dma_wait3A_189] : memref<16384x896xf32, #tpu.memory_space<hbm>> -> memref<32x896xf32, #tpu.memory_space<hbm>>
    %dma_wait3A_191 = arith.constant 0 : i32
    %dma_wait3A_192 = arith.constant 0 : i32
    %dma_wait3A_193 = tpu.memref_slice %arg6[%dma_wait3A_179, %dma_wait3A_191, %dma_wait3A_192] : memref<4x32x896xf32, #tpu.memory_space<vmem>> -> memref<1x32x896xf32, #tpu.memory_space<vmem>>
    %dma_wait3A_194 = tpu.memref_squeeze %dma_wait3A_193 : memref<1x32x896xf32, #tpu.memory_space<vmem>> -> memref<32x896xf32, #tpu.memory_space<vmem>>
    tpu.wait_dma2 semaphore(%dma_wait3A_188 : memref<!tpu.dma_semaphore, #tpu.memory_space<semaphore_mem>>) src(%dma_wait3A_194 : memref<32x896xf32, #tpu.memory_space<vmem>>) dst(%dma_wait3A_190 : memref<32x896xf32, #tpu.memory_space<hbm>>)
    %dma_start3A_195 = arith.constant 1 : i32
    %dma_start3A_196 = arith.constant 1 : i32
    %dma_start3A_197 = arith.constant 0 : i32
    %dma_start3A_198 = arith.constant 0 : i32
    %dma_start3A_199 = tpu.memref_slice %arg6[%dma_start3A_195, %dma_start3A_197, %dma_start3A_198] : memref<4x32x896xf32, #tpu.memory_space<vmem>> -> memref<1x32x896xf32, #tpu.memory_space<vmem>>
    %dma_start3A_200 = tpu.memref_squeeze %dma_start3A_199 : memref<1x32x896xf32, #tpu.memory_space<vmem>> -> memref<32x896xf32, #tpu.memory_space<vmem>>
    %dma_start3A_201 = arith.constant 160 : i32
    %dma_start3A_202 = tpu.memref_slice %arg5[%dma_start3A_201] : memref<512xi32, #tpu.memory_space<vmem>> -> memref<32xi32, #tpu.memory_space<vmem>>
    %dma_start3A_203 = arith.constant 0 : i32
    %dma_start3A_204 = arith.constant 0 : i32
    %dma_start3A_205 = tpu.memref_slice %arg3[%dma_start3A_203, %dma_start3A_204] : memref<5000x896xf32, #tpu.memory_space<hbm>> -> memref<5000x896xf32, #tpu.memory_space<hbm>>
    %dma_start3A_206 = tpu.memref_slice %arg7[%dma_start3A_196] : memref<4x!tpu.dma_semaphore, #tpu.memory_space<semaphore_mem>> -> memref<1x!tpu.dma_semaphore, #tpu.memory_space<semaphore_mem>>
    %dma_start3A_207 = tpu.memref_squeeze %dma_start3A_206 : memref<1x!tpu.dma_semaphore, #tpu.memory_space<semaphore_mem>> -> memref<!tpu.dma_semaphore, #tpu.memory_space<semaphore_mem>>
    tpu.enqueue_indirect_dma source(%dma_start3A_205 : memref<5000x896xf32, #tpu.memory_space<hbm>>) target(%dma_start3A_200 : memref<32x896xf32, #tpu.memory_space<vmem>>) offsets(%dma_start3A_202 : memref<32xi32, #tpu.memory_space<vmem>>) semaphore(%dma_start3A_207 : memref<!tpu.dma_semaphore, #tpu.memory_space<semaphore_mem>>)
    %dma_wait3A_208 = arith.constant 3 : i32
    %dma_wait3A_209 = arith.constant 3 : i32
    %dma_wait3A_210 = arith.constant 0 : i32
    %dma_wait3A_211 = arith.constant 0 : i32
    %dma_wait3A_212 = tpu.memref_slice %arg6[%dma_wait3A_208, %dma_wait3A_210, %dma_wait3A_211] : memref<4x32x896xf32, #tpu.memory_space<vmem>> -> memref<1x32x896xf32, #tpu.memory_space<vmem>>
    %dma_wait3A_213 = tpu.memref_squeeze %dma_wait3A_212 : memref<1x32x896xf32, #tpu.memory_space<vmem>> -> memref<32x896xf32, #tpu.memory_space<vmem>>
    %dma_wait3A_214 = arith.constant 96 : i32
    %dma_wait3A_215 = tpu.memref_slice %arg5[%dma_wait3A_214] : memref<512xi32, #tpu.memory_space<vmem>> -> memref<32xi32, #tpu.memory_space<vmem>>
    %dma_wait3A_216 = arith.constant 0 : i32
    %dma_wait3A_217 = arith.constant 0 : i32
    %dma_wait3A_218 = tpu.memref_slice %arg3[%dma_wait3A_216, %dma_wait3A_217] : memref<5000x896xf32, #tpu.memory_space<hbm>> -> memref<5000x896xf32, #tpu.memory_space<hbm>>
    %dma_wait3A_219 = tpu.memref_slice %arg7[%dma_wait3A_209] : memref<4x!tpu.dma_semaphore, #tpu.memory_space<semaphore_mem>> -> memref<1x!tpu.dma_semaphore, #tpu.memory_space<semaphore_mem>>
    %dma_wait3A_220 = tpu.memref_squeeze %dma_wait3A_219 : memref<1x!tpu.dma_semaphore, #tpu.memory_space<semaphore_mem>> -> memref<!tpu.dma_semaphore, #tpu.memory_space<semaphore_mem>>
    tpu.wait_indirect_dma semaphore(%dma_wait3A_220 : memref<!tpu.dma_semaphore, #tpu.memory_space<semaphore_mem>>) src(%dma_wait3A_218 : memref<5000x896xf32, #tpu.memory_space<hbm>>) dst(%dma_wait3A_213 : memref<32x896xf32, #tpu.memory_space<vmem>>)
    %add3A_221 = arith.constant 96 : i32
    %add3A_222 = arith.addi %mul3A_2, %add3A_221 : i32
    %dma_start3A_223 = arith.constant 3 : i32
    %dma_start3A_224 = arith.constant 3 : i32
    %dma_start3A_225 = arith.constant 0 : i32
    %dma_start3A_226 = arith.constant 0 : i32
    %dma_start3A_227 = tpu.memref_slice %arg6[%dma_start3A_223, %dma_start3A_225, %dma_start3A_226] : memref<4x32x896xf32, #tpu.memory_space<vmem>> -> memref<1x32x896xf32, #tpu.memory_space<vmem>>
    %dma_start3A_228 = tpu.memref_squeeze %dma_start3A_227 : memref<1x32x896xf32, #tpu.memory_space<vmem>> -> memref<32x896xf32, #tpu.memory_space<vmem>>
    %dma_start3A_229 = arith.constant 0 : i32
    %dma_start3A_230 = tpu.memref_slice %arg4[%add3A_222, %dma_start3A_229] : memref<16384x896xf32, #tpu.memory_space<hbm>> -> memref<32x896xf32, #tpu.memory_space<hbm>>
    %dma_start3A_231 = tpu.memref_slice %arg8[%dma_start3A_224] : memref<4x!tpu.dma_semaphore, #tpu.memory_space<semaphore_mem>> -> memref<1x!tpu.dma_semaphore, #tpu.memory_space<semaphore_mem>>
    %dma_start3A_232 = tpu.memref_squeeze %dma_start3A_231 : memref<1x!tpu.dma_semaphore, #tpu.memory_space<semaphore_mem>> -> memref<!tpu.dma_semaphore, #tpu.memory_space<semaphore_mem>>
    %dma_start3A_233 = arith.constant 0 : i32
    %dma_start3A_234 = tpu.memref_slice %arg4[%add3A_222, %dma_start3A_233] : memref<16384x896xf32, #tpu.memory_space<hbm>> -> memref<32x896xf32, #tpu.memory_space<hbm>>
    %dma_start3A_235 = arith.constant 0 : i32
    %dma_start3A_236 = arith.constant 0 : i32
    %dma_start3A_237 = tpu.memref_slice %arg6[%dma_start3A_223, %dma_start3A_235, %dma_start3A_236] : memref<4x32x896xf32, #tpu.memory_space<vmem>> -> memref<1x32x896xf32, #tpu.memory_space<vmem>>
    %dma_start3A_238 = tpu.memref_squeeze %dma_start3A_237 : memref<1x32x896xf32, #tpu.memory_space<vmem>> -> memref<32x896xf32, #tpu.memory_space<vmem>>
    tpu.enqueue_dma source(%dma_start3A_238 : memref<32x896xf32, #tpu.memory_space<vmem>>) target(%dma_start3A_234 : memref<32x896xf32, #tpu.memory_space<hbm>>) target_semaphore(%dma_start3A_232 : memref<!tpu.dma_semaphore, #tpu.memory_space<semaphore_mem>>)
    %add3A_239 = arith.constant 64 : i32
    %add3A_240 = arith.addi %mul3A_2, %add3A_239 : i32
    %dma_wait3A_241 = arith.constant 2 : i32
    %dma_wait3A_242 = arith.constant 2 : i32
    %dma_wait3A_243 = arith.constant 0 : i32
    %dma_wait3A_244 = arith.constant 0 : i32
    %dma_wait3A_245 = tpu.memref_slice %arg6[%dma_wait3A_241, %dma_wait3A_243, %dma_wait3A_244] : memref<4x32x896xf32, #tpu.memory_space<vmem>> -> memref<1x32x896xf32, #tpu.memory_space<vmem>>
    %dma_wait3A_246 = tpu.memref_squeeze %dma_wait3A_245 : memref<1x32x896xf32, #tpu.memory_space<vmem>> -> memref<32x896xf32, #tpu.memory_space<vmem>>
    %dma_wait3A_247 = arith.constant 0 : i32
    %dma_wait3A_248 = tpu.memref_slice %arg4[%add3A_240, %dma_wait3A_247] : memref<16384x896xf32, #tpu.memory_space<hbm>> -> memref<32x896xf32, #tpu.memory_space<hbm>>
    %dma_wait3A_249 = tpu.memref_slice %arg8[%dma_wait3A_242] : memref<4x!tpu.dma_semaphore, #tpu.memory_space<semaphore_mem>> -> memref<1x!tpu.dma_semaphore, #tpu.memory_space<semaphore_mem>>
    %dma_wait3A_250 = tpu.memref_squeeze %dma_wait3A_249 : memref<1x!tpu.dma_semaphore, #tpu.memory_space<semaphore_mem>> -> memref<!tpu.dma_semaphore, #tpu.memory_space<semaphore_mem>>
    %dma_wait3A_251 = arith.constant 0 : i32
    %dma_wait3A_252 = tpu.memref_slice %arg4[%add3A_240, %dma_wait3A_251] : memref<16384x896xf32, #tpu.memory_space<hbm>> -> memref<32x896xf32, #tpu.memory_space<hbm>>
    %dma_wait3A_253 = arith.constant 0 : i32
    %dma_wait3A_254 = arith.constant 0 : i32
    %dma_wait3A_255 = tpu.memref_slice %arg6[%dma_wait3A_241, %dma_wait3A_253, %dma_wait3A_254] : memref<4x32x896xf32, #tpu.memory_space<vmem>> -> memref<1x32x896xf32, #tpu.memory_space<vmem>>
    %dma_wait3A_256 = tpu.memref_squeeze %dma_wait3A_255 : memref<1x32x896xf32, #tpu.memory_space<vmem>> -> memref<32x896xf32, #tpu.memory_space<vmem>>
    tpu.wait_dma2 semaphore(%dma_wait3A_250 : memref<!tpu.dma_semaphore, #tpu.memory_space<semaphore_mem>>) src(%dma_wait3A_256 : memref<32x896xf32, #tpu.memory_space<vmem>>) dst(%dma_wait3A_252 : memref<32x896xf32, #tpu.memory_space<hbm>>)
    %dma_start3A_257 = arith.constant 2 : i32
    %dma_start3A_258 = arith.constant 2 : i32
    %dma_start3A_259 = arith.constant 0 : i32
    %dma_start3A_260 = arith.constant 0 : i32
    %dma_start3A_261 = tpu.memref_slice %arg6[%dma_start3A_257, %dma_start3A_259, %dma_start3A_260] : memref<4x32x896xf32, #tpu.memory_space<vmem>> -> memref<1x32x896xf32, #tpu.memory_space<vmem>>
    %dma_start3A_262 = tpu.memref_squeeze %dma_start3A_261 : memref<1x32x896xf32, #tpu.memory_space<vmem>> -> memref<32x896xf32, #tpu.memory_space<vmem>>
    %dma_start3A_263 = arith.constant 192 : i32
    %dma_start3A_264 = tpu.memref_slice %arg5[%dma_start3A_263] : memref<512xi32, #tpu.memory_space<vmem>> -> memref<32xi32, #tpu.memory_space<vmem>>
    %dma_start3A_265 = arith.constant 0 : i32
    %dma_start3A_266 = arith.constant 0 : i32
    %dma_start3A_267 = tpu.memref_slice %arg3[%dma_start3A_265, %dma_start3A_266] : memref<5000x896xf32, #tpu.memory_space<hbm>> -> memref<5000x896xf32, #tpu.memory_space<hbm>>
    %dma_start3A_268 = tpu.memref_slice %arg7[%dma_start3A_258] : memref<4x!tpu.dma_semaphore, #tpu.memory_space<semaphore_mem>> -> memref<1x!tpu.dma_semaphore, #tpu.memory_space<semaphore_mem>>
    %dma_start3A_269 = tpu.memref_squeeze %dma_start3A_268 : memref<1x!tpu.dma_semaphore, #tpu.memory_space<semaphore_mem>> -> memref<!tpu.dma_semaphore, #tpu.memory_space<semaphore_mem>>
    tpu.enqueue_indirect_dma source(%dma_start3A_267 : memref<5000x896xf32, #tpu.memory_space<hbm>>) target(%dma_start3A_262 : memref<32x896xf32, #tpu.memory_space<vmem>>) offsets(%dma_start3A_264 : memref<32xi32, #tpu.memory_space<vmem>>) semaphore(%dma_start3A_269 : memref<!tpu.dma_semaphore, #tpu.memory_space<semaphore_mem>>)
    %dma_wait3A_270 = arith.constant 0 : i32
    %dma_wait3A_271 = arith.constant 0 : i32
    %dma_wait3A_272 = arith.constant 0 : i32
    %dma_wait3A_273 = arith.constant 0 : i32
    %dma_wait3A_274 = tpu.memref_slice %arg6[%dma_wait3A_270, %dma_wait3A_272, %dma_wait3A_273] : memref<4x32x896xf32, #tpu.memory_space<vmem>> -> memref<1x32x896xf32, #tpu.memory_space<vmem>>
    %dma_wait3A_275 = tpu.memref_squeeze %dma_wait3A_274 : memref<1x32x896xf32, #tpu.memory_space<vmem>> -> memref<32x896xf32, #tpu.memory_space<vmem>>
    %dma_wait3A_276 = arith.constant 128 : i32
    %dma_wait3A_277 = tpu.memref_slice %arg5[%dma_wait3A_276] : memref<512xi32, #tpu.memory_space<vmem>> -> memref<32xi32, #tpu.memory_space<vmem>>
    %dma_wait3A_278 = arith.constant 0 : i32
    %dma_wait3A_279 = arith.constant 0 : i32
    %dma_wait3A_280 = tpu.memref_slice %arg3[%dma_wait3A_278, %dma_wait3A_279] : memref<5000x896xf32, #tpu.memory_space<hbm>> -> memref<5000x896xf32, #tpu.memory_space<hbm>>
    %dma_wait3A_281 = tpu.memref_slice %arg7[%dma_wait3A_271] : memref<4x!tpu.dma_semaphore, #tpu.memory_space<semaphore_mem>> -> memref<1x!tpu.dma_semaphore, #tpu.memory_space<semaphore_mem>>
    %dma_wait3A_282 = tpu.memref_squeeze %dma_wait3A_281 : memref<1x!tpu.dma_semaphore, #tpu.memory_space<semaphore_mem>> -> memref<!tpu.dma_semaphore, #tpu.memory_space<semaphore_mem>>
    tpu.wait_indirect_dma semaphore(%dma_wait3A_282 : memref<!tpu.dma_semaphore, #tpu.memory_space<semaphore_mem>>) src(%dma_wait3A_280 : memref<5000x896xf32, #tpu.memory_space<hbm>>) dst(%dma_wait3A_275 : memref<32x896xf32, #tpu.memory_space<vmem>>)
    %add3A_283 = arith.constant 128 : i32
    %add3A_284 = arith.addi %mul3A_2, %add3A_283 : i32
    %dma_start3A_285 = arith.constant 0 : i32
    %dma_start3A_286 = arith.constant 0 : i32
    %dma_start3A_287 = arith.constant 0 : i32
    %dma_start3A_288 = arith.constant 0 : i32
    %dma_start3A_289 = tpu.memref_slice %arg6[%dma_start3A_285, %dma_start3A_287, %dma_start3A_288] : memref<4x32x896xf32, #tpu.memory_space<vmem>> -> memref<1x32x896xf32, #tpu.memory_space<vmem>>
    %dma_start3A_290 = tpu.memref_squeeze %dma_start3A_289 : memref<1x32x896xf32, #tpu.memory_space<vmem>> -> memref<32x896xf32, #tpu.memory_space<vmem>>
    %dma_start3A_291 = arith.constant 0 : i32
    %dma_start3A_292 = tpu.memref_slice %arg4[%add3A_284, %dma_start3A_291] : memref<16384x896xf32, #tpu.memory_space<hbm>> -> memref<32x896xf32, #tpu.memory_space<hbm>>
    %dma_start3A_293 = tpu.memref_slice %arg8[%dma_start3A_286] : memref<4x!tpu.dma_semaphore, #tpu.memory_space<semaphore_mem>> -> memref<1x!tpu.dma_semaphore, #tpu.memory_space<semaphore_mem>>
    %dma_start3A_294 = tpu.memref_squeeze %dma_start3A_293 : memref<1x!tpu.dma_semaphore, #tpu.memory_space<semaphore_mem>> -> memref<!tpu.dma_semaphore, #tpu.memory_space<semaphore_mem>>
    %dma_start3A_295 = arith.constant 0 : i32
    %dma_start3A_296 = tpu.memref_slice %arg4[%add3A_284, %dma_start3A_295] : memref<16384x896xf32, #tpu.memory_space<hbm>> -> memref<32x896xf32, #tpu.memory_space<hbm>>
    %dma_start3A_297 = arith.constant 0 : i32
    %dma_start3A_298 = arith.constant 0 : i32
    %dma_start3A_299 = tpu.memref_slice %arg6[%dma_start3A_285, %dma_start3A_297, %dma_start3A_298] : memref<4x32x896xf32, #tpu.memory_space<vmem>> -> memref<1x32x896xf32, #tpu.memory_space<vmem>>
    %dma_start3A_300 = tpu.memref_squeeze %dma_start3A_299 : memref<1x32x896xf32, #tpu.memory_space<vmem>> -> memref<32x896xf32, #tpu.memory_space<vmem>>
    tpu.enqueue_dma source(%dma_start3A_300 : memref<32x896xf32, #tpu.memory_space<vmem>>) target(%dma_start3A_296 : memref<32x896xf32, #tpu.memory_space<hbm>>) target_semaphore(%dma_start3A_294 : memref<!tpu.dma_semaphore, #tpu.memory_space<semaphore_mem>>)
    %add3A_301 = arith.constant 96 : i32
    %add3A_302 = arith.addi %mul3A_2, %add3A_301 : i32
    %dma_wait3A_303 = arith.constant 3 : i32
    %dma_wait3A_304 = arith.constant 3 : i32
    %dma_wait3A_305 = arith.constant 0 : i32
    %dma_wait3A_306 = arith.constant 0 : i32
    %dma_wait3A_307 = tpu.memref_slice %arg6[%dma_wait3A_303, %dma_wait3A_305, %dma_wait3A_306] : memref<4x32x896xf32, #tpu.memory_space<vmem>> -> memref<1x32x896xf32, #tpu.memory_space<vmem>>
    %dma_wait3A_308 = tpu.memref_squeeze %dma_wait3A_307 : memref<1x32x896xf32, #tpu.memory_space<vmem>> -> memref<32x896xf32, #tpu.memory_space<vmem>>
    %dma_wait3A_309 = arith.constant 0 : i32
    %dma_wait3A_310 = tpu.memref_slice %arg4[%add3A_302, %dma_wait3A_309] : memref<16384x896xf32, #tpu.memory_space<hbm>> -> memref<32x896xf32, #tpu.memory_space<hbm>>
    %dma_wait3A_311 = tpu.memref_slice %arg8[%dma_wait3A_304] : memref<4x!tpu.dma_semaphore, #tpu.memory_space<semaphore_mem>> -> memref<1x!tpu.dma_semaphore, #tpu.memory_space<semaphore_mem>>
    %dma_wait3A_312 = tpu.memref_squeeze %dma_wait3A_311 : memref<1x!tpu.dma_semaphore, #tpu.memory_space<semaphore_mem>> -> memref<!tpu.dma_semaphore, #tpu.memory_space<semaphore_mem>>
    %dma_wait3A_313 = arith.constant 0 : i32
    %dma_wait3A_314 = tpu.memref_slice %arg4[%add3A_302, %dma_wait3A_313] : memref<16384x896xf32, #tpu.memory_space<hbm>> -> memref<32x896xf32, #tpu.memory_space<hbm>>
    %dma_wait3A_315 = arith.constant 0 : i32
    %dma_wait3A_316 = arith.constant 0 : i32
    %dma_wait3A_317 = tpu.memref_slice %arg6[%dma_wait3A_303, %dma_wait3A_315, %dma_wait3A_316] : memref<4x32x896xf32, #tpu.memory_space<vmem>> -> memref<1x32x896xf32, #tpu.memory_space<vmem>>
    %dma_wait3A_318 = tpu.memref_squeeze %dma_wait3A_317 : memref<1x32x896xf32, #tpu.memory_space<vmem>> -> memref<32x896xf32, #tpu.memory_space<vmem>>
    tpu.wait_dma2 semaphore(%dma_wait3A_312 : memref<!tpu.dma_semaphore, #tpu.memory_space<semaphore_mem>>) src(%dma_wait3A_318 : memref<32x896xf32, #tpu.memory_space<vmem>>) dst(%dma_wait3A_314 : memref<32x896xf32, #tpu.memory_space<hbm>>)
    %dma_start3A_319 = arith.constant 3 : i32
    %dma_start3A_320 = arith.constant 3 : i32
    %dma_start3A_321 = arith.constant 0 : i32
    %dma_start3A_322 = arith.constant 0 : i32
    %dma_start3A_323 = tpu.memref_slice %arg6[%dma_start3A_319, %dma_start3A_321, %dma_start3A_322] : memref<4x32x896xf32, #tpu.memory_space<vmem>> -> memref<1x32x896xf32, #tpu.memory_space<vmem>>
    %dma_start3A_324 = tpu.memref_squeeze %dma_start3A_323 : memref<1x32x896xf32, #tpu.memory_space<vmem>> -> memref<32x896xf32, #tpu.memory_space<vmem>>
    %dma_start3A_325 = arith.constant 224 : i32
    %dma_start3A_326 = tpu.memref_slice %arg5[%dma_start3A_325] : memref<512xi32, #tpu.memory_space<vmem>> -> memref<32xi32, #tpu.memory_space<vmem>>
    %dma_start3A_327 = arith.constant 0 : i32
    %dma_start3A_328 = arith.constant 0 : i32
    %dma_start3A_329 = tpu.memref_slice %arg3[%dma_start3A_327, %dma_start3A_328] : memref<5000x896xf32, #tpu.memory_space<hbm>> -> memref<5000x896xf32, #tpu.memory_space<hbm>>
    %dma_start3A_330 = tpu.memref_slice %arg7[%dma_start3A_320] : memref<4x!tpu.dma_semaphore, #tpu.memory_space<semaphore_mem>> -> memref<1x!tpu.dma_semaphore, #tpu.memory_space<semaphore_mem>>
    %dma_start3A_331 = tpu.memref_squeeze %dma_start3A_330 : memref<1x!tpu.dma_semaphore, #tpu.memory_space<semaphore_mem>> -> memref<!tpu.dma_semaphore, #tpu.memory_space<semaphore_mem>>
    tpu.enqueue_indirect_dma source(%dma_start3A_329 : memref<5000x896xf32, #tpu.memory_space<hbm>>) target(%dma_start3A_324 : memref<32x896xf32, #tpu.memory_space<vmem>>) offsets(%dma_start3A_326 : memref<32xi32, #tpu.memory_space<vmem>>) semaphore(%dma_start3A_331 : memref<!tpu.dma_semaphore, #tpu.memory_space<semaphore_mem>>)
    %dma_wait3A_332 = arith.constant 1 : i32
    %dma_wait3A_333 = arith.constant 1 : i32
    %dma_wait3A_334 = arith.constant 0 : i32
    %dma_wait3A_335 = arith.constant 0 : i32
    %dma_wait3A_336 = tpu.memref_slice %arg6[%dma_wait3A_332, %dma_wait3A_334, %dma_wait3A_335] : memref<4x32x896xf32, #tpu.memory_space<vmem>> -> memref<1x32x896xf32, #tpu.memory_space<vmem>>
    %dma_wait3A_337 = tpu.memref_squeeze %dma_wait3A_336 : memref<1x32x896xf32, #tpu.memory_space<vmem>> -> memref<32x896xf32, #tpu.memory_space<vmem>>
    %dma_wait3A_338 = arith.constant 160 : i32
    %dma_wait3A_339 = tpu.memref_slice %arg5[%dma_wait3A_338] : memref<512xi32, #tpu.memory_space<vmem>> -> memref<32xi32, #tpu.memory_space<vmem>>
    %dma_wait3A_340 = arith.constant 0 : i32
    %dma_wait3A_341 = arith.constant 0 : i32
    %dma_wait3A_342 = tpu.memref_slice %arg3[%dma_wait3A_340, %dma_wait3A_341] : memref<5000x896xf32, #tpu.memory_space<hbm>> -> memref<5000x896xf32, #tpu.memory_space<hbm>>
    %dma_wait3A_343 = tpu.memref_slice %arg7[%dma_wait3A_333] : memref<4x!tpu.dma_semaphore, #tpu.memory_space<semaphore_mem>> -> memref<1x!tpu.dma_semaphore, #tpu.memory_space<semaphore_mem>>
    %dma_wait3A_344 = tpu.memref_squeeze %dma_wait3A_343 : memref<1x!tpu.dma_semaphore, #tpu.memory_space<semaphore_mem>> -> memref<!tpu.dma_semaphore, #tpu.memory_space<semaphore_mem>>
    tpu.wait_indirect_dma semaphore(%dma_wait3A_344 : memref<!tpu.dma_semaphore, #tpu.memory_space<semaphore_mem>>) src(%dma_wait3A_342 : memref<5000x896xf32, #tpu.memory_space<hbm>>) dst(%dma_wait3A_337 : memref<32x896xf32, #tpu.memory_space<vmem>>)
    %add3A_345 = arith.constant 160 : i32
    %add3A_346 = arith.addi %mul3A_2, %add3A_345 : i32
    %dma_start3A_347 = arith.constant 1 : i32
    %dma_start3A_348 = arith.constant 1 : i32
    %dma_start3A_349 = arith.constant 0 : i32
    %dma_start3A_350 = arith.constant 0 : i32
    %dma_start3A_351 = tpu.memref_slice %arg6[%dma_start3A_347, %dma_start3A_349, %dma_start3A_350] : memref<4x32x896xf32, #tpu.memory_space<vmem>> -> memref<1x32x896xf32, #tpu.memory_space<vmem>>
    %dma_start3A_352 = tpu.memref_squeeze %dma_start3A_351 : memref<1x32x896xf32, #tpu.memory_space<vmem>> -> memref<32x896xf32, #tpu.memory_space<vmem>>
    %dma_start3A_353 = arith.constant 0 : i32
    %dma_start3A_354 = tpu.memref_slice %arg4[%add3A_346, %dma_start3A_353] : memref<16384x896xf32, #tpu.memory_space<hbm>> -> memref<32x896xf32, #tpu.memory_space<hbm>>
    %dma_start3A_355 = tpu.memref_slice %arg8[%dma_start3A_348] : memref<4x!tpu.dma_semaphore, #tpu.memory_space<semaphore_mem>> -> memref<1x!tpu.dma_semaphore, #tpu.memory_space<semaphore_mem>>
    %dma_start3A_356 = tpu.memref_squeeze %dma_start3A_355 : memref<1x!tpu.dma_semaphore, #tpu.memory_space<semaphore_mem>> -> memref<!tpu.dma_semaphore, #tpu.memory_space<semaphore_mem>>
    %dma_start3A_357 = arith.constant 0 : i32
    %dma_start3A_358 = tpu.memref_slice %arg4[%add3A_346, %dma_start3A_357] : memref<16384x896xf32, #tpu.memory_space<hbm>> -> memref<32x896xf32, #tpu.memory_space<hbm>>
    %dma_start3A_359 = arith.constant 0 : i32
    %dma_start3A_360 = arith.constant 0 : i32
    %dma_start3A_361 = tpu.memref_slice %arg6[%dma_start3A_347, %dma_start3A_359, %dma_start3A_360] : memref<4x32x896xf32, #tpu.memory_space<vmem>> -> memref<1x32x896xf32, #tpu.memory_space<vmem>>
    %dma_start3A_362 = tpu.memref_squeeze %dma_start3A_361 : memref<1x32x896xf32, #tpu.memory_space<vmem>> -> memref<32x896xf32, #tpu.memory_space<vmem>>
    tpu.enqueue_dma source(%dma_start3A_362 : memref<32x896xf32, #tpu.memory_space<vmem>>) target(%dma_start3A_358 : memref<32x896xf32, #tpu.memory_space<hbm>>) target_semaphore(%dma_start3A_356 : memref<!tpu.dma_semaphore, #tpu.memory_space<semaphore_mem>>)
    %add3A_363 = arith.constant 128 : i32
    %add3A_364 = arith.addi %mul3A_2, %add3A_363 : i32
    %dma_wait3A_365 = arith.constant 0 : i32
    %dma_wait3A_366 = arith.constant 0 : i32
    %dma_wait3A_367 = arith.constant 0 : i32
    %dma_wait3A_368 = arith.constant 0 : i32
    %dma_wait3A_369 = tpu.memref_slice %arg6[%dma_wait3A_365, %dma_wait3A_367, %dma_wait3A_368] : memref<4x32x896xf32, #tpu.memory_space<vmem>> -> memref<1x32x896xf32, #tpu.memory_space<vmem>>
    %dma_wait3A_370 = tpu.memref_squeeze %dma_wait3A_369 : memref<1x32x896xf32, #tpu.memory_space<vmem>> -> memref<32x896xf32, #tpu.memory_space<vmem>>
    %dma_wait3A_371 = arith.constant 0 : i32
    %dma_wait3A_372 = tpu.memref_slice %arg4[%add3A_364, %dma_wait3A_371] : memref<16384x896xf32, #tpu.memory_space<hbm>> -> memref<32x896xf32, #tpu.memory_space<hbm>>
    %dma_wait3A_373 = tpu.memref_slice %arg8[%dma_wait3A_366] : memref<4x!tpu.dma_semaphore, #tpu.memory_space<semaphore_mem>> -> memref<1x!tpu.dma_semaphore, #tpu.memory_space<semaphore_mem>>
    %dma_wait3A_374 = tpu.memref_squeeze %dma_wait3A_373 : memref<1x!tpu.dma_semaphore, #tpu.memory_space<semaphore_mem>> -> memref<!tpu.dma_semaphore, #tpu.memory_space<semaphore_mem>>
    %dma_wait3A_375 = arith.constant 0 : i32
    %dma_wait3A_376 = tpu.memref_slice %arg4[%add3A_364, %dma_wait3A_375] : memref<16384x896xf32, #tpu.memory_space<hbm>> -> memref<32x896xf32, #tpu.memory_space<hbm>>
    %dma_wait3A_377 = arith.constant 0 : i32
    %dma_wait3A_378 = arith.constant 0 : i32
    %dma_wait3A_379 = tpu.memref_slice %arg6[%dma_wait3A_365, %dma_wait3A_377, %dma_wait3A_378] : memref<4x32x896xf32, #tpu.memory_space<vmem>> -> memref<1x32x896xf32, #tpu.memory_space<vmem>>
    %dma_wait3A_380 = tpu.memref_squeeze %dma_wait3A_379 : memref<1x32x896xf32, #tpu.memory_space<vmem>> -> memref<32x896xf32, #tpu.memory_space<vmem>>
    tpu.wait_dma2 semaphore(%dma_wait3A_374 : memref<!tpu.dma_semaphore, #tpu.memory_space<semaphore_mem>>) src(%dma_wait3A_380 : memref<32x896xf32, #tpu.memory_space<vmem>>) dst(%dma_wait3A_376 : memref<32x896xf32, #tpu.memory_space<hbm>>)
    %dma_start3A_381 = arith.constant 0 : i32
    %dma_start3A_382 = arith.constant 0 : i32
    %dma_start3A_383 = arith.constant 0 : i32
    %dma_start3A_384 = arith.constant 0 : i32
    %dma_start3A_385 = tpu.memref_slice %arg6[%dma_start3A_381, %dma_start3A_383, %dma_start3A_384] : memref<4x32x896xf32, #tpu.memory_space<vmem>> -> memref<1x32x896xf32, #tpu.memory_space<vmem>>
    %dma_start3A_386 = tpu.memref_squeeze %dma_start3A_385 : memref<1x32x896xf32, #tpu.memory_space<vmem>> -> memref<32x896xf32, #tpu.memory_space<vmem>>
    %dma_start3A_387 = arith.constant 256 : i32
    %dma_start3A_388 = tpu.memref_slice %arg5[%dma_start3A_387] : memref<512xi32, #tpu.memory_space<vmem>> -> memref<32xi32, #tpu.memory_space<vmem>>
    %dma_start3A_389 = arith.constant 0 : i32
    %dma_start3A_390 = arith.constant 0 : i32
    %dma_start3A_391 = tpu.memref_slice %arg3[%dma_start3A_389, %dma_start3A_390] : memref<5000x896xf32, #tpu.memory_space<hbm>> -> memref<5000x896xf32, #tpu.memory_space<hbm>>
    %dma_start3A_392 = tpu.memref_slice %arg7[%dma_start3A_382] : memref<4x!tpu.dma_semaphore, #tpu.memory_space<semaphore_mem>> -> memref<1x!tpu.dma_semaphore, #tpu.memory_space<semaphore_mem>>
    %dma_start3A_393 = tpu.memref_squeeze %dma_start3A_392 : memref<1x!tpu.dma_semaphore, #tpu.memory_space<semaphore_mem>> -> memref<!tpu.dma_semaphore, #tpu.memory_space<semaphore_mem>>
    tpu.enqueue_indirect_dma source(%dma_start3A_391 : memref<5000x896xf32, #tpu.memory_space<hbm>>) target(%dma_start3A_386 : memref<32x896xf32, #tpu.memory_space<vmem>>) offsets(%dma_start3A_388 : memref<32xi32, #tpu.memory_space<vmem>>) semaphore(%dma_start3A_393 : memref<!tpu.dma_semaphore, #tpu.memory_space<semaphore_mem>>)
    %dma_wait3A_394 = arith.constant 2 : i32
    %dma_wait3A_395 = arith.constant 2 : i32
    %dma_wait3A_396 = arith.constant 0 : i32
    %dma_wait3A_397 = arith.constant 0 : i32
    %dma_wait3A_398 = tpu.memref_slice %arg6[%dma_wait3A_394, %dma_wait3A_396, %dma_wait3A_397] : memref<4x32x896xf32, #tpu.memory_space<vmem>> -> memref<1x32x896xf32, #tpu.memory_space<vmem>>
    %dma_wait3A_399 = tpu.memref_squeeze %dma_wait3A_398 : memref<1x32x896xf32, #tpu.memory_space<vmem>> -> memref<32x896xf32, #tpu.memory_space<vmem>>
    %dma_wait3A_400 = arith.constant 192 : i32
    %dma_wait3A_401 = tpu.memref_slice %arg5[%dma_wait3A_400] : memref<512xi32, #tpu.memory_space<vmem>> -> memref<32xi32, #tpu.memory_space<vmem>>
    %dma_wait3A_402 = arith.constant 0 : i32
    %dma_wait3A_403 = arith.constant 0 : i32
    %dma_wait3A_404 = tpu.memref_slice %arg3[%dma_wait3A_402, %dma_wait3A_403] : memref<5000x896xf32, #tpu.memory_space<hbm>> -> memref<5000x896xf32, #tpu.memory_space<hbm>>
    %dma_wait3A_405 = tpu.memref_slice %arg7[%dma_wait3A_395] : memref<4x!tpu.dma_semaphore, #tpu.memory_space<semaphore_mem>> -> memref<1x!tpu.dma_semaphore, #tpu.memory_space<semaphore_mem>>
    %dma_wait3A_406 = tpu.memref_squeeze %dma_wait3A_405 : memref<1x!tpu.dma_semaphore, #tpu.memory_space<semaphore_mem>> -> memref<!tpu.dma_semaphore, #tpu.memory_space<semaphore_mem>>
    tpu.wait_indirect_dma semaphore(%dma_wait3A_406 : memref<!tpu.dma_semaphore, #tpu.memory_space<semaphore_mem>>) src(%dma_wait3A_404 : memref<5000x896xf32, #tpu.memory_space<hbm>>) dst(%dma_wait3A_399 : memref<32x896xf32, #tpu.memory_space<vmem>>)
    %add3A_407 = arith.constant 192 : i32
    %add3A_408 = arith.addi %mul3A_2, %add3A_407 : i32
    %dma_start3A_409 = arith.constant 2 : i32
    %dma_start3A_410 = arith.constant 2 : i32
    %dma_start3A_411 = arith.constant 0 : i32
    %dma_start3A_412 = arith.constant 0 : i32
    %dma_start3A_413 = tpu.memref_slice %arg6[%dma_start3A_409, %dma_start3A_411, %dma_start3A_412] : memref<4x32x896xf32, #tpu.memory_space<vmem>> -> memref<1x32x896xf32, #tpu.memory_space<vmem>>
    %dma_start3A_414 = tpu.memref_squeeze %dma_start3A_413 : memref<1x32x896xf32, #tpu.memory_space<vmem>> -> memref<32x896xf32, #tpu.memory_space<vmem>>
    %dma_start3A_415 = arith.constant 0 : i32
    %dma_start3A_416 = tpu.memref_slice %arg4[%add3A_408, %dma_start3A_415] : memref<16384x896xf32, #tpu.memory_space<hbm>> -> memref<32x896xf32, #tpu.memory_space<hbm>>
    %dma_start3A_417 = tpu.memref_slice %arg8[%dma_start3A_410] : memref<4x!tpu.dma_semaphore, #tpu.memory_space<semaphore_mem>> -> memref<1x!tpu.dma_semaphore, #tpu.memory_space<semaphore_mem>>
    %dma_start3A_418 = tpu.memref_squeeze %dma_start3A_417 : memref<1x!tpu.dma_semaphore, #tpu.memory_space<semaphore_mem>> -> memref<!tpu.dma_semaphore, #tpu.memory_space<semaphore_mem>>
    %dma_start3A_419 = arith.constant 0 : i32
    %dma_start3A_420 = tpu.memref_slice %arg4[%add3A_408, %dma_start3A_419] : memref<16384x896xf32, #tpu.memory_space<hbm>> -> memref<32x896xf32, #tpu.memory_space<hbm>>
    %dma_start3A_421 = arith.constant 0 : i32
    %dma_start3A_422 = arith.constant 0 : i32
    %dma_start3A_423 = tpu.memref_slice %arg6[%dma_start3A_409, %dma_start3A_421, %dma_start3A_422] : memref<4x32x896xf32, #tpu.memory_space<vmem>> -> memref<1x32x896xf32, #tpu.memory_space<vmem>>
    %dma_start3A_424 = tpu.memref_squeeze %dma_start3A_423 : memref<1x32x896xf32, #tpu.memory_space<vmem>> -> memref<32x896xf32, #tpu.memory_space<vmem>>
    tpu.enqueue_dma source(%dma_start3A_424 : memref<32x896xf32, #tpu.memory_space<vmem>>) target(%dma_start3A_420 : memref<32x896xf32, #tpu.memory_space<hbm>>) target_semaphore(%dma_start3A_418 : memref<!tpu.dma_semaphore, #tpu.memory_space<semaphore_mem>>)
    %add3A_425 = arith.constant 160 : i32
    %add3A_426 = arith.addi %mul3A_2, %add3A_425 : i32
    %dma_wait3A_427 = arith.constant 1 : i32
    %dma_wait3A_428 = arith.constant 1 : i32
    %dma_wait3A_429 = arith.constant 0 : i32
    %dma_wait3A_430 = arith.constant 0 : i32
    %dma_wait3A_431 = tpu.memref_slice %arg6[%dma_wait3A_427, %dma_wait3A_429, %dma_wait3A_430] : memref<4x32x896xf32, #tpu.memory_space<vmem>> -> memref<1x32x896xf32, #tpu.memory_space<vmem>>
    %dma_wait3A_432 = tpu.memref_squeeze %dma_wait3A_431 : memref<1x32x896xf32, #tpu.memory_space<vmem>> -> memref<32x896xf32, #tpu.memory_space<vmem>>
    %dma_wait3A_433 = arith.constant 0 : i32
    %dma_wait3A_434 = tpu.memref_slice %arg4[%add3A_426, %dma_wait3A_433] : memref<16384x896xf32, #tpu.memory_space<hbm>> -> memref<32x896xf32, #tpu.memory_space<hbm>>
    %dma_wait3A_435 = tpu.memref_slice %arg8[%dma_wait3A_428] : memref<4x!tpu.dma_semaphore, #tpu.memory_space<semaphore_mem>> -> memref<1x!tpu.dma_semaphore, #tpu.memory_space<semaphore_mem>>
    %dma_wait3A_436 = tpu.memref_squeeze %dma_wait3A_435 : memref<1x!tpu.dma_semaphore, #tpu.memory_space<semaphore_mem>> -> memref<!tpu.dma_semaphore, #tpu.memory_space<semaphore_mem>>
    %dma_wait3A_437 = arith.constant 0 : i32
    %dma_wait3A_438 = tpu.memref_slice %arg4[%add3A_426, %dma_wait3A_437] : memref<16384x896xf32, #tpu.memory_space<hbm>> -> memref<32x896xf32, #tpu.memory_space<hbm>>
    %dma_wait3A_439 = arith.constant 0 : i32
    %dma_wait3A_440 = arith.constant 0 : i32
    %dma_wait3A_441 = tpu.memref_slice %arg6[%dma_wait3A_427, %dma_wait3A_439, %dma_wait3A_440] : memref<4x32x896xf32, #tpu.memory_space<vmem>> -> memref<1x32x896xf32, #tpu.memory_space<vmem>>
    %dma_wait3A_442 = tpu.memref_squeeze %dma_wait3A_441 : memref<1x32x896xf32, #tpu.memory_space<vmem>> -> memref<32x896xf32, #tpu.memory_space<vmem>>
    tpu.wait_dma2 semaphore(%dma_wait3A_436 : memref<!tpu.dma_semaphore, #tpu.memory_space<semaphore_mem>>) src(%dma_wait3A_442 : memref<32x896xf32, #tpu.memory_space<vmem>>) dst(%dma_wait3A_438 : memref<32x896xf32, #tpu.memory_space<hbm>>)
    %dma_start3A_443 = arith.constant 1 : i32
    %dma_start3A_444 = arith.constant 1 : i32
    %dma_start3A_445 = arith.constant 0 : i32
    %dma_start3A_446 = arith.constant 0 : i32
    %dma_start3A_447 = tpu.memref_slice %arg6[%dma_start3A_443, %dma_start3A_445, %dma_start3A_446] : memref<4x32x896xf32, #tpu.memory_space<vmem>> -> memref<1x32x896xf32, #tpu.memory_space<vmem>>
    %dma_start3A_448 = tpu.memref_squeeze %dma_start3A_447 : memref<1x32x896xf32, #tpu.memory_space<vmem>> -> memref<32x896xf32, #tpu.memory_space<vmem>>
    %dma_start3A_449 = arith.constant 288 : i32
    %dma_start3A_450 = tpu.memref_slice %arg5[%dma_start3A_449] : memref<512xi32, #tpu.memory_space<vmem>> -> memref<32xi32, #tpu.memory_space<vmem>>
    %dma_start3A_451 = arith.constant 0 : i32
    %dma_start3A_452 = arith.constant 0 : i32
    %dma_start3A_453 = tpu.memref_slice %arg3[%dma_start3A_451, %dma_start3A_452] : memref<5000x896xf32, #tpu.memory_space<hbm>> -> memref<5000x896xf32, #tpu.memory_space<hbm>>
    %dma_start3A_454 = tpu.memref_slice %arg7[%dma_start3A_444] : memref<4x!tpu.dma_semaphore, #tpu.memory_space<semaphore_mem>> -> memref<1x!tpu.dma_semaphore, #tpu.memory_space<semaphore_mem>>
    %dma_start3A_455 = tpu.memref_squeeze %dma_start3A_454 : memref<1x!tpu.dma_semaphore, #tpu.memory_space<semaphore_mem>> -> memref<!tpu.dma_semaphore, #tpu.memory_space<semaphore_mem>>
    tpu.enqueue_indirect_dma source(%dma_start3A_453 : memref<5000x896xf32, #tpu.memory_space<hbm>>) target(%dma_start3A_448 : memref<32x896xf32, #tpu.memory_space<vmem>>) offsets(%dma_start3A_450 : memref<32xi32, #tpu.memory_space<vmem>>) semaphore(%dma_start3A_455 : memref<!tpu.dma_semaphore, #tpu.memory_space<semaphore_mem>>)
    %dma_wait3A_456 = arith.constant 3 : i32
    %dma_wait3A_457 = arith.constant 3 : i32
    %dma_wait3A_458 = arith.constant 0 : i32
    %dma_wait3A_459 = arith.constant 0 : i32
    %dma_wait3A_460 = tpu.memref_slice %arg6[%dma_wait3A_456, %dma_wait3A_458, %dma_wait3A_459] : memref<4x32x896xf32, #tpu.memory_space<vmem>> -> memref<1x32x896xf32, #tpu.memory_space<vmem>>
    %dma_wait3A_461 = tpu.memref_squeeze %dma_wait3A_460 : memref<1x32x896xf32, #tpu.memory_space<vmem>> -> memref<32x896xf32, #tpu.memory_space<vmem>>
    %dma_wait3A_462 = arith.constant 224 : i32
    %dma_wait3A_463 = tpu.memref_slice %arg5[%dma_wait3A_462] : memref<512xi32, #tpu.memory_space<vmem>> -> memref<32xi32, #tpu.memory_space<vmem>>
    %dma_wait3A_464 = arith.constant 0 : i32
    %dma_wait3A_465 = arith.constant 0 : i32
    %dma_wait3A_466 = tpu.memref_slice %arg3[%dma_wait3A_464, %dma_wait3A_465] : memref<5000x896xf32, #tpu.memory_space<hbm>> -> memref<5000x896xf32, #tpu.memory_space<hbm>>
    %dma_wait3A_467 = tpu.memref_slice %arg7[%dma_wait3A_457] : memref<4x!tpu.dma_semaphore, #tpu.memory_space<semaphore_mem>> -> memref<1x!tpu.dma_semaphore, #tpu.memory_space<semaphore_mem>>
    %dma_wait3A_468 = tpu.memref_squeeze %dma_wait3A_467 : memref<1x!tpu.dma_semaphore, #tpu.memory_space<semaphore_mem>> -> memref<!tpu.dma_semaphore, #tpu.memory_space<semaphore_mem>>
    tpu.wait_indirect_dma semaphore(%dma_wait3A_468 : memref<!tpu.dma_semaphore, #tpu.memory_space<semaphore_mem>>) src(%dma_wait3A_466 : memref<5000x896xf32, #tpu.memory_space<hbm>>) dst(%dma_wait3A_461 : memref<32x896xf32, #tpu.memory_space<vmem>>)
    %add3A_469 = arith.constant 224 : i32
    %add3A_470 = arith.addi %mul3A_2, %add3A_469 : i32
    %dma_start3A_471 = arith.constant 3 : i32
    %dma_start3A_472 = arith.constant 3 : i32
    %dma_start3A_473 = arith.constant 0 : i32
    %dma_start3A_474 = arith.constant 0 : i32
    %dma_start3A_475 = tpu.memref_slice %arg6[%dma_start3A_471, %dma_start3A_473, %dma_start3A_474] : memref<4x32x896xf32, #tpu.memory_space<vmem>> -> memref<1x32x896xf32, #tpu.memory_space<vmem>>
    %dma_start3A_476 = tpu.memref_squeeze %dma_start3A_475 : memref<1x32x896xf32, #tpu.memory_space<vmem>> -> memref<32x896xf32, #tpu.memory_space<vmem>>
    %dma_start3A_477 = arith.constant 0 : i32
    %dma_start3A_478 = tpu.memref_slice %arg4[%add3A_470, %dma_start3A_477] : memref<16384x896xf32, #tpu.memory_space<hbm>> -> memref<32x896xf32, #tpu.memory_space<hbm>>
    %dma_start3A_479 = tpu.memref_slice %arg8[%dma_start3A_472] : memref<4x!tpu.dma_semaphore, #tpu.memory_space<semaphore_mem>> -> memref<1x!tpu.dma_semaphore, #tpu.memory_space<semaphore_mem>>
    %dma_start3A_480 = tpu.memref_squeeze %dma_start3A_479 : memref<1x!tpu.dma_semaphore, #tpu.memory_space<semaphore_mem>> -> memref<!tpu.dma_semaphore, #tpu.memory_space<semaphore_mem>>
    %dma_start3A_481 = arith.constant 0 : i32
    %dma_start3A_482 = tpu.memref_slice %arg4[%add3A_470, %dma_start3A_481] : memref<16384x896xf32, #tpu.memory_space<hbm>> -> memref<32x896xf32, #tpu.memory_space<hbm>>
    %dma_start3A_483 = arith.constant 0 : i32
    %dma_start3A_484 = arith.constant 0 : i32
    %dma_start3A_485 = tpu.memref_slice %arg6[%dma_start3A_471, %dma_start3A_483, %dma_start3A_484] : memref<4x32x896xf32, #tpu.memory_space<vmem>> -> memref<1x32x896xf32, #tpu.memory_space<vmem>>
    %dma_start3A_486 = tpu.memref_squeeze %dma_start3A_485 : memref<1x32x896xf32, #tpu.memory_space<vmem>> -> memref<32x896xf32, #tpu.memory_space<vmem>>
    tpu.enqueue_dma source(%dma_start3A_486 : memref<32x896xf32, #tpu.memory_space<vmem>>) target(%dma_start3A_482 : memref<32x896xf32, #tpu.memory_space<hbm>>) target_semaphore(%dma_start3A_480 : memref<!tpu.dma_semaphore, #tpu.memory_space<semaphore_mem>>)
    %add3A_487 = arith.constant 192 : i32
    %add3A_488 = arith.addi %mul3A_2, %add3A_487 : i32
    %dma_wait3A_489 = arith.constant 2 : i32
    %dma_wait3A_490 = arith.constant 2 : i32
    %dma_wait3A_491 = arith.constant 0 : i32
    %dma_wait3A_492 = arith.constant 0 : i32
    %dma_wait3A_493 = tpu.memref_slice %arg6[%dma_wait3A_489, %dma_wait3A_491, %dma_wait3A_492] : memref<4x32x896xf32, #tpu.memory_space<vmem>> -> memref<1x32x896xf32, #tpu.memory_space<vmem>>
    %dma_wait3A_494 = tpu.memref_squeeze %dma_wait3A_493 : memref<1x32x896xf32, #tpu.memory_space<vmem>> -> memref<32x896xf32, #tpu.memory_space<vmem>>
    %dma_wait3A_495 = arith.constant 0 : i32
    %dma_wait3A_496 = tpu.memref_slice %arg4[%add3A_488, %dma_wait3A_495] : memref<16384x896xf32, #tpu.memory_space<hbm>> -> memref<32x896xf32, #tpu.memory_space<hbm>>
    %dma_wait3A_497 = tpu.memref_slice %arg8[%dma_wait3A_490] : memref<4x!tpu.dma_semaphore, #tpu.memory_space<semaphore_mem>> -> memref<1x!tpu.dma_semaphore, #tpu.memory_space<semaphore_mem>>
    %dma_wait3A_498 = tpu.memref_squeeze %dma_wait3A_497 : memref<1x!tpu.dma_semaphore, #tpu.memory_space<semaphore_mem>> -> memref<!tpu.dma_semaphore, #tpu.memory_space<semaphore_mem>>
    %dma_wait3A_499 = arith.constant 0 : i32
    %dma_wait3A_500 = tpu.memref_slice %arg4[%add3A_488, %dma_wait3A_499] : memref<16384x896xf32, #tpu.memory_space<hbm>> -> memref<32x896xf32, #tpu.memory_space<hbm>>
    %dma_wait3A_501 = arith.constant 0 : i32
    %dma_wait3A_502 = arith.constant 0 : i32
    %dma_wait3A_503 = tpu.memref_slice %arg6[%dma_wait3A_489, %dma_wait3A_501, %dma_wait3A_502] : memref<4x32x896xf32, #tpu.memory_space<vmem>> -> memref<1x32x896xf32, #tpu.memory_space<vmem>>
    %dma_wait3A_504 = tpu.memref_squeeze %dma_wait3A_503 : memref<1x32x896xf32, #tpu.memory_space<vmem>> -> memref<32x896xf32, #tpu.memory_space<vmem>>
    tpu.wait_dma2 semaphore(%dma_wait3A_498 : memref<!tpu.dma_semaphore, #tpu.memory_space<semaphore_mem>>) src(%dma_wait3A_504 : memref<32x896xf32, #tpu.memory_space<vmem>>) dst(%dma_wait3A_500 : memref<32x896xf32, #tpu.memory_space<hbm>>)
    %dma_start3A_505 = arith.constant 2 : i32
    %dma_start3A_506 = arith.constant 2 : i32
    %dma_start3A_507 = arith.constant 0 : i32
    %dma_start3A_508 = arith.constant 0 : i32
    %dma_start3A_509 = tpu.memref_slice %arg6[%dma_start3A_505, %dma_start3A_507, %dma_start3A_508] : memref<4x32x896xf32, #tpu.memory_space<vmem>> -> memref<1x32x896xf32, #tpu.memory_space<vmem>>
    %dma_start3A_510 = tpu.memref_squeeze %dma_start3A_509 : memref<1x32x896xf32, #tpu.memory_space<vmem>> -> memref<32x896xf32, #tpu.memory_space<vmem>>
    %dma_start3A_511 = arith.constant 320 : i32
    %dma_start3A_512 = tpu.memref_slice %arg5[%dma_start3A_511] : memref<512xi32, #tpu.memory_space<vmem>> -> memref<32xi32, #tpu.memory_space<vmem>>
    %dma_start3A_513 = arith.constant 0 : i32
    %dma_start3A_514 = arith.constant 0 : i32
    %dma_start3A_515 = tpu.memref_slice %arg3[%dma_start3A_513, %dma_start3A_514] : memref<5000x896xf32, #tpu.memory_space<hbm>> -> memref<5000x896xf32, #tpu.memory_space<hbm>>
    %dma_start3A_516 = tpu.memref_slice %arg7[%dma_start3A_506] : memref<4x!tpu.dma_semaphore, #tpu.memory_space<semaphore_mem>> -> memref<1x!tpu.dma_semaphore, #tpu.memory_space<semaphore_mem>>
    %dma_start3A_517 = tpu.memref_squeeze %dma_start3A_516 : memref<1x!tpu.dma_semaphore, #tpu.memory_space<semaphore_mem>> -> memref<!tpu.dma_semaphore, #tpu.memory_space<semaphore_mem>>
    tpu.enqueue_indirect_dma source(%dma_start3A_515 : memref<5000x896xf32, #tpu.memory_space<hbm>>) target(%dma_start3A_510 : memref<32x896xf32, #tpu.memory_space<vmem>>) offsets(%dma_start3A_512 : memref<32xi32, #tpu.memory_space<vmem>>) semaphore(%dma_start3A_517 : memref<!tpu.dma_semaphore, #tpu.memory_space<semaphore_mem>>)
    %dma_wait3A_518 = arith.constant 0 : i32
    %dma_wait3A_519 = arith.constant 0 : i32
    %dma_wait3A_520 = arith.constant 0 : i32
    %dma_wait3A_521 = arith.constant 0 : i32
    %dma_wait3A_522 = tpu.memref_slice %arg6[%dma_wait3A_518, %dma_wait3A_520, %dma_wait3A_521] : memref<4x32x896xf32, #tpu.memory_space<vmem>> -> memref<1x32x896xf32, #tpu.memory_space<vmem>>
    %dma_wait3A_523 = tpu.memref_squeeze %dma_wait3A_522 : memref<1x32x896xf32, #tpu.memory_space<vmem>> -> memref<32x896xf32, #tpu.memory_space<vmem>>
    %dma_wait3A_524 = arith.constant 256 : i32
    %dma_wait3A_525 = tpu.memref_slice %arg5[%dma_wait3A_524] : memref<512xi32, #tpu.memory_space<vmem>> -> memref<32xi32, #tpu.memory_space<vmem>>
    %dma_wait3A_526 = arith.constant 0 : i32
    %dma_wait3A_527 = arith.constant 0 : i32
    %dma_wait3A_528 = tpu.memref_slice %arg3[%dma_wait3A_526, %dma_wait3A_527] : memref<5000x896xf32, #tpu.memory_space<hbm>> -> memref<5000x896xf32, #tpu.memory_space<hbm>>
    %dma_wait3A_529 = tpu.memref_slice %arg7[%dma_wait3A_519] : memref<4x!tpu.dma_semaphore, #tpu.memory_space<semaphore_mem>> -> memref<1x!tpu.dma_semaphore, #tpu.memory_space<semaphore_mem>>
    %dma_wait3A_530 = tpu.memref_squeeze %dma_wait3A_529 : memref<1x!tpu.dma_semaphore, #tpu.memory_space<semaphore_mem>> -> memref<!tpu.dma_semaphore, #tpu.memory_space<semaphore_mem>>
    tpu.wait_indirect_dma semaphore(%dma_wait3A_530 : memref<!tpu.dma_semaphore, #tpu.memory_space<semaphore_mem>>) src(%dma_wait3A_528 : memref<5000x896xf32, #tpu.memory_space<hbm>>) dst(%dma_wait3A_523 : memref<32x896xf32, #tpu.memory_space<vmem>>)
    %add3A_531 = arith.constant 256 : i32
    %add3A_532 = arith.addi %mul3A_2, %add3A_531 : i32
    %dma_start3A_533 = arith.constant 0 : i32
    %dma_start3A_534 = arith.constant 0 : i32
    %dma_start3A_535 = arith.constant 0 : i32
    %dma_start3A_536 = arith.constant 0 : i32
    %dma_start3A_537 = tpu.memref_slice %arg6[%dma_start3A_533, %dma_start3A_535, %dma_start3A_536] : memref<4x32x896xf32, #tpu.memory_space<vmem>> -> memref<1x32x896xf32, #tpu.memory_space<vmem>>
    %dma_start3A_538 = tpu.memref_squeeze %dma_start3A_537 : memref<1x32x896xf32, #tpu.memory_space<vmem>> -> memref<32x896xf32, #tpu.memory_space<vmem>>
    %dma_start3A_539 = arith.constant 0 : i32
    %dma_start3A_540 = tpu.memref_slice %arg4[%add3A_532, %dma_start3A_539] : memref<16384x896xf32, #tpu.memory_space<hbm>> -> memref<32x896xf32, #tpu.memory_space<hbm>>
    %dma_start3A_541 = tpu.memref_slice %arg8[%dma_start3A_534] : memref<4x!tpu.dma_semaphore, #tpu.memory_space<semaphore_mem>> -> memref<1x!tpu.dma_semaphore, #tpu.memory_space<semaphore_mem>>
    %dma_start3A_542 = tpu.memref_squeeze %dma_start3A_541 : memref<1x!tpu.dma_semaphore, #tpu.memory_space<semaphore_mem>> -> memref<!tpu.dma_semaphore, #tpu.memory_space<semaphore_mem>>
    %dma_start3A_543 = arith.constant 0 : i32
    %dma_start3A_544 = tpu.memref_slice %arg4[%add3A_532, %dma_start3A_543] : memref<16384x896xf32, #tpu.memory_space<hbm>> -> memref<32x896xf32, #tpu.memory_space<hbm>>
    %dma_start3A_545 = arith.constant 0 : i32
    %dma_start3A_546 = arith.constant 0 : i32
    %dma_start3A_547 = tpu.memref_slice %arg6[%dma_start3A_533, %dma_start3A_545, %dma_start3A_546] : memref<4x32x896xf32, #tpu.memory_space<vmem>> -> memref<1x32x896xf32, #tpu.memory_space<vmem>>
    %dma_start3A_548 = tpu.memref_squeeze %dma_start3A_547 : memref<1x32x896xf32, #tpu.memory_space<vmem>> -> memref<32x896xf32, #tpu.memory_space<vmem>>
    tpu.enqueue_dma source(%dma_start3A_548 : memref<32x896xf32, #tpu.memory_space<vmem>>) target(%dma_start3A_544 : memref<32x896xf32, #tpu.memory_space<hbm>>) target_semaphore(%dma_start3A_542 : memref<!tpu.dma_semaphore, #tpu.memory_space<semaphore_mem>>)
    %add3A_549 = arith.constant 224 : i32
    %add3A_550 = arith.addi %mul3A_2, %add3A_549 : i32
    %dma_wait3A_551 = arith.constant 3 : i32
    %dma_wait3A_552 = arith.constant 3 : i32
    %dma_wait3A_553 = arith.constant 0 : i32
    %dma_wait3A_554 = arith.constant 0 : i32
    %dma_wait3A_555 = tpu.memref_slice %arg6[%dma_wait3A_551, %dma_wait3A_553, %dma_wait3A_554] : memref<4x32x896xf32, #tpu.memory_space<vmem>> -> memref<1x32x896xf32, #tpu.memory_space<vmem>>
    %dma_wait3A_556 = tpu.memref_squeeze %dma_wait3A_555 : memref<1x32x896xf32, #tpu.memory_space<vmem>> -> memref<32x896xf32, #tpu.memory_space<vmem>>
    %dma_wait3A_557 = arith.constant 0 : i32
    %dma_wait3A_558 = tpu.memref_slice %arg4[%add3A_550, %dma_wait3A_557] : memref<16384x896xf32, #tpu.memory_space<hbm>> -> memref<32x896xf32, #tpu.memory_space<hbm>>
    %dma_wait3A_559 = tpu.memref_slice %arg8[%dma_wait3A_552] : memref<4x!tpu.dma_semaphore, #tpu.memory_space<semaphore_mem>> -> memref<1x!tpu.dma_semaphore, #tpu.memory_space<semaphore_mem>>
    %dma_wait3A_560 = tpu.memref_squeeze %dma_wait3A_559 : memref<1x!tpu.dma_semaphore, #tpu.memory_space<semaphore_mem>> -> memref<!tpu.dma_semaphore, #tpu.memory_space<semaphore_mem>>
    %dma_wait3A_561 = arith.constant 0 : i32
    %dma_wait3A_562 = tpu.memref_slice %arg4[%add3A_550, %dma_wait3A_561] : memref<16384x896xf32, #tpu.memory_space<hbm>> -> memref<32x896xf32, #tpu.memory_space<hbm>>
    %dma_wait3A_563 = arith.constant 0 : i32
    %dma_wait3A_564 = arith.constant 0 : i32
    %dma_wait3A_565 = tpu.memref_slice %arg6[%dma_wait3A_551, %dma_wait3A_563, %dma_wait3A_564] : memref<4x32x896xf32, #tpu.memory_space<vmem>> -> memref<1x32x896xf32, #tpu.memory_space<vmem>>
    %dma_wait3A_566 = tpu.memref_squeeze %dma_wait3A_565 : memref<1x32x896xf32, #tpu.memory_space<vmem>> -> memref<32x896xf32, #tpu.memory_space<vmem>>
    tpu.wait_dma2 semaphore(%dma_wait3A_560 : memref<!tpu.dma_semaphore, #tpu.memory_space<semaphore_mem>>) src(%dma_wait3A_566 : memref<32x896xf32, #tpu.memory_space<vmem>>) dst(%dma_wait3A_562 : memref<32x896xf32, #tpu.memory_space<hbm>>)
    %dma_start3A_567 = arith.constant 3 : i32
    %dma_start3A_568 = arith.constant 3 : i32
    %dma_start3A_569 = arith.constant 0 : i32
    %dma_start3A_570 = arith.constant 0 : i32
    %dma_start3A_571 = tpu.memref_slice %arg6[%dma_start3A_567, %dma_start3A_569, %dma_start3A_570] : memref<4x32x896xf32, #tpu.memory_space<vmem>> -> memref<1x32x896xf32, #tpu.memory_space<vmem>>
    %dma_start3A_572 = tpu.memref_squeeze %dma_start3A_571 : memref<1x32x896xf32, #tpu.memory_space<vmem>> -> memref<32x896xf32, #tpu.memory_space<vmem>>
    %dma_start3A_573 = arith.constant 352 : i32
    %dma_start3A_574 = tpu.memref_slice %arg5[%dma_start3A_573] : memref<512xi32, #tpu.memory_space<vmem>> -> memref<32xi32, #tpu.memory_space<vmem>>
    %dma_start3A_575 = arith.constant 0 : i32
    %dma_start3A_576 = arith.constant 0 : i32
    %dma_start3A_577 = tpu.memref_slice %arg3[%dma_start3A_575, %dma_start3A_576] : memref<5000x896xf32, #tpu.memory_space<hbm>> -> memref<5000x896xf32, #tpu.memory_space<hbm>>
    %dma_start3A_578 = tpu.memref_slice %arg7[%dma_start3A_568] : memref<4x!tpu.dma_semaphore, #tpu.memory_space<semaphore_mem>> -> memref<1x!tpu.dma_semaphore, #tpu.memory_space<semaphore_mem>>
    %dma_start3A_579 = tpu.memref_squeeze %dma_start3A_578 : memref<1x!tpu.dma_semaphore, #tpu.memory_space<semaphore_mem>> -> memref<!tpu.dma_semaphore, #tpu.memory_space<semaphore_mem>>
    tpu.enqueue_indirect_dma source(%dma_start3A_577 : memref<5000x896xf32, #tpu.memory_space<hbm>>) target(%dma_start3A_572 : memref<32x896xf32, #tpu.memory_space<vmem>>) offsets(%dma_start3A_574 : memref<32xi32, #tpu.memory_space<vmem>>) semaphore(%dma_start3A_579 : memref<!tpu.dma_semaphore, #tpu.memory_space<semaphore_mem>>)
    %dma_wait3A_580 = arith.constant 1 : i32
    %dma_wait3A_581 = arith.constant 1 : i32
    %dma_wait3A_582 = arith.constant 0 : i32
    %dma_wait3A_583 = arith.constant 0 : i32
    %dma_wait3A_584 = tpu.memref_slice %arg6[%dma_wait3A_580, %dma_wait3A_582, %dma_wait3A_583] : memref<4x32x896xf32, #tpu.memory_space<vmem>> -> memref<1x32x896xf32, #tpu.memory_space<vmem>>
    %dma_wait3A_585 = tpu.memref_squeeze %dma_wait3A_584 : memref<1x32x896xf32, #tpu.memory_space<vmem>> -> memref<32x896xf32, #tpu.memory_space<vmem>>
    %dma_wait3A_586 = arith.constant 288 : i32
    %dma_wait3A_587 = tpu.memref_slice %arg5[%dma_wait3A_586] : memref<512xi32, #tpu.memory_space<vmem>> -> memref<32xi32, #tpu.memory_space<vmem>>
    %dma_wait3A_588 = arith.constant 0 : i32
    %dma_wait3A_589 = arith.constant 0 : i32
    %dma_wait3A_590 = tpu.memref_slice %arg3[%dma_wait3A_588, %dma_wait3A_589] : memref<5000x896xf32, #tpu.memory_space<hbm>> -> memref<5000x896xf32, #tpu.memory_space<hbm>>
    %dma_wait3A_591 = tpu.memref_slice %arg7[%dma_wait3A_581] : memref<4x!tpu.dma_semaphore, #tpu.memory_space<semaphore_mem>> -> memref<1x!tpu.dma_semaphore, #tpu.memory_space<semaphore_mem>>
    %dma_wait3A_592 = tpu.memref_squeeze %dma_wait3A_591 : memref<1x!tpu.dma_semaphore, #tpu.memory_space<semaphore_mem>> -> memref<!tpu.dma_semaphore, #tpu.memory_space<semaphore_mem>>
    tpu.wait_indirect_dma semaphore(%dma_wait3A_592 : memref<!tpu.dma_semaphore, #tpu.memory_space<semaphore_mem>>) src(%dma_wait3A_590 : memref<5000x896xf32, #tpu.memory_space<hbm>>) dst(%dma_wait3A_585 : memref<32x896xf32, #tpu.memory_space<vmem>>)
    %add3A_593 = arith.constant 288 : i32
    %add3A_594 = arith.addi %mul3A_2, %add3A_593 : i32
    %dma_start3A_595 = arith.constant 1 : i32
    %dma_start3A_596 = arith.constant 1 : i32
    %dma_start3A_597 = arith.constant 0 : i32
    %dma_start3A_598 = arith.constant 0 : i32
    %dma_start3A_599 = tpu.memref_slice %arg6[%dma_start3A_595, %dma_start3A_597, %dma_start3A_598] : memref<4x32x896xf32, #tpu.memory_space<vmem>> -> memref<1x32x896xf32, #tpu.memory_space<vmem>>
    %dma_start3A_600 = tpu.memref_squeeze %dma_start3A_599 : memref<1x32x896xf32, #tpu.memory_space<vmem>> -> memref<32x896xf32, #tpu.memory_space<vmem>>
    %dma_start3A_601 = arith.constant 0 : i32
    %dma_start3A_602 = tpu.memref_slice %arg4[%add3A_594, %dma_start3A_601] : memref<16384x896xf32, #tpu.memory_space<hbm>> -> memref<32x896xf32, #tpu.memory_space<hbm>>
    %dma_start3A_603 = tpu.memref_slice %arg8[%dma_start3A_596] : memref<4x!tpu.dma_semaphore, #tpu.memory_space<semaphore_mem>> -> memref<1x!tpu.dma_semaphore, #tpu.memory_space<semaphore_mem>>
    %dma_start3A_604 = tpu.memref_squeeze %dma_start3A_603 : memref<1x!tpu.dma_semaphore, #tpu.memory_space<semaphore_mem>> -> memref<!tpu.dma_semaphore, #tpu.memory_space<semaphore_mem>>
    %dma_start3A_605 = arith.constant 0 : i32
    %dma_start3A_606 = tpu.memref_slice %arg4[%add3A_594, %dma_start3A_605] : memref<16384x896xf32, #tpu.memory_space<hbm>> -> memref<32x896xf32, #tpu.memory_space<hbm>>
    %dma_start3A_607 = arith.constant 0 : i32
    %dma_start3A_608 = arith.constant 0 : i32
    %dma_start3A_609 = tpu.memref_slice %arg6[%dma_start3A_595, %dma_start3A_607, %dma_start3A_608] : memref<4x32x896xf32, #tpu.memory_space<vmem>> -> memref<1x32x896xf32, #tpu.memory_space<vmem>>
    %dma_start3A_610 = tpu.memref_squeeze %dma_start3A_609 : memref<1x32x896xf32, #tpu.memory_space<vmem>> -> memref<32x896xf32, #tpu.memory_space<vmem>>
    tpu.enqueue_dma source(%dma_start3A_610 : memref<32x896xf32, #tpu.memory_space<vmem>>) target(%dma_start3A_606 : memref<32x896xf32, #tpu.memory_space<hbm>>) target_semaphore(%dma_start3A_604 : memref<!tpu.dma_semaphore, #tpu.memory_space<semaphore_mem>>)
    %add3A_611 = arith.constant 256 : i32
    %add3A_612 = arith.addi %mul3A_2, %add3A_611 : i32
    %dma_wait3A_613 = arith.constant 0 : i32
    %dma_wait3A_614 = arith.constant 0 : i32
    %dma_wait3A_615 = arith.constant 0 : i32
    %dma_wait3A_616 = arith.constant 0 : i32
    %dma_wait3A_617 = tpu.memref_slice %arg6[%dma_wait3A_613, %dma_wait3A_615, %dma_wait3A_616] : memref<4x32x896xf32, #tpu.memory_space<vmem>> -> memref<1x32x896xf32, #tpu.memory_space<vmem>>
    %dma_wait3A_618 = tpu.memref_squeeze %dma_wait3A_617 : memref<1x32x896xf32, #tpu.memory_space<vmem>> -> memref<32x896xf32, #tpu.memory_space<vmem>>
    %dma_wait3A_619 = arith.constant 0 : i32
    %dma_wait3A_620 = tpu.memref_slice %arg4[%add3A_612, %dma_wait3A_619] : memref<16384x896xf32, #tpu.memory_space<hbm>> -> memref<32x896xf32, #tpu.memory_space<hbm>>
    %dma_wait3A_621 = tpu.memref_slice %arg8[%dma_wait3A_614] : memref<4x!tpu.dma_semaphore, #tpu.memory_space<semaphore_mem>> -> memref<1x!tpu.dma_semaphore, #tpu.memory_space<semaphore_mem>>
    %dma_wait3A_622 = tpu.memref_squeeze %dma_wait3A_621 : memref<1x!tpu.dma_semaphore, #tpu.memory_space<semaphore_mem>> -> memref<!tpu.dma_semaphore, #tpu.memory_space<semaphore_mem>>
    %dma_wait3A_623 = arith.constant 0 : i32
    %dma_wait3A_624 = tpu.memref_slice %arg4[%add3A_612, %dma_wait3A_623] : memref<16384x896xf32, #tpu.memory_space<hbm>> -> memref<32x896xf32, #tpu.memory_space<hbm>>
    %dma_wait3A_625 = arith.constant 0 : i32
    %dma_wait3A_626 = arith.constant 0 : i32
    %dma_wait3A_627 = tpu.memref_slice %arg6[%dma_wait3A_613, %dma_wait3A_625, %dma_wait3A_626] : memref<4x32x896xf32, #tpu.memory_space<vmem>> -> memref<1x32x896xf32, #tpu.memory_space<vmem>>
    %dma_wait3A_628 = tpu.memref_squeeze %dma_wait3A_627 : memref<1x32x896xf32, #tpu.memory_space<vmem>> -> memref<32x896xf32, #tpu.memory_space<vmem>>
    tpu.wait_dma2 semaphore(%dma_wait3A_622 : memref<!tpu.dma_semaphore, #tpu.memory_space<semaphore_mem>>) src(%dma_wait3A_628 : memref<32x896xf32, #tpu.memory_space<vmem>>) dst(%dma_wait3A_624 : memref<32x896xf32, #tpu.memory_space<hbm>>)
    %dma_start3A_629 = arith.constant 0 : i32
    %dma_start3A_630 = arith.constant 0 : i32
    %dma_start3A_631 = arith.constant 0 : i32
    %dma_start3A_632 = arith.constant 0 : i32
    %dma_start3A_633 = tpu.memref_slice %arg6[%dma_start3A_629, %dma_start3A_631, %dma_start3A_632] : memref<4x32x896xf32, #tpu.memory_space<vmem>> -> memref<1x32x896xf32, #tpu.memory_space<vmem>>
    %dma_start3A_634 = tpu.memref_squeeze %dma_start3A_633 : memref<1x32x896xf32, #tpu.memory_space<vmem>> -> memref<32x896xf32, #tpu.memory_space<vmem>>
    %dma_start3A_635 = arith.constant 384 : i32
    %dma_start3A_636 = tpu.memref_slice %arg5[%dma_start3A_635] : memref<512xi32, #tpu.memory_space<vmem>> -> memref<32xi32, #tpu.memory_space<vmem>>
    %dma_start3A_637 = arith.constant 0 : i32
    %dma_start3A_638 = arith.constant 0 : i32
    %dma_start3A_639 = tpu.memref_slice %arg3[%dma_start3A_637, %dma_start3A_638] : memref<5000x896xf32, #tpu.memory_space<hbm>> -> memref<5000x896xf32, #tpu.memory_space<hbm>>
    %dma_start3A_640 = tpu.memref_slice %arg7[%dma_start3A_630] : memref<4x!tpu.dma_semaphore, #tpu.memory_space<semaphore_mem>> -> memref<1x!tpu.dma_semaphore, #tpu.memory_space<semaphore_mem>>
    %dma_start3A_641 = tpu.memref_squeeze %dma_start3A_640 : memref<1x!tpu.dma_semaphore, #tpu.memory_space<semaphore_mem>> -> memref<!tpu.dma_semaphore, #tpu.memory_space<semaphore_mem>>
    tpu.enqueue_indirect_dma source(%dma_start3A_639 : memref<5000x896xf32, #tpu.memory_space<hbm>>) target(%dma_start3A_634 : memref<32x896xf32, #tpu.memory_space<vmem>>) offsets(%dma_start3A_636 : memref<32xi32, #tpu.memory_space<vmem>>) semaphore(%dma_start3A_641 : memref<!tpu.dma_semaphore, #tpu.memory_space<semaphore_mem>>)
    %dma_wait3A_642 = arith.constant 2 : i32
    %dma_wait3A_643 = arith.constant 2 : i32
    %dma_wait3A_644 = arith.constant 0 : i32
    %dma_wait3A_645 = arith.constant 0 : i32
    %dma_wait3A_646 = tpu.memref_slice %arg6[%dma_wait3A_642, %dma_wait3A_644, %dma_wait3A_645] : memref<4x32x896xf32, #tpu.memory_space<vmem>> -> memref<1x32x896xf32, #tpu.memory_space<vmem>>
    %dma_wait3A_647 = tpu.memref_squeeze %dma_wait3A_646 : memref<1x32x896xf32, #tpu.memory_space<vmem>> -> memref<32x896xf32, #tpu.memory_space<vmem>>
    %dma_wait3A_648 = arith.constant 320 : i32
    %dma_wait3A_649 = tpu.memref_slice %arg5[%dma_wait3A_648] : memref<512xi32, #tpu.memory_space<vmem>> -> memref<32xi32, #tpu.memory_space<vmem>>
    %dma_wait3A_650 = arith.constant 0 : i32
    %dma_wait3A_651 = arith.constant 0 : i32
    %dma_wait3A_652 = tpu.memref_slice %arg3[%dma_wait3A_650, %dma_wait3A_651] : memref<5000x896xf32, #tpu.memory_space<hbm>> -> memref<5000x896xf32, #tpu.memory_space<hbm>>
    %dma_wait3A_653 = tpu.memref_slice %arg7[%dma_wait3A_643] : memref<4x!tpu.dma_semaphore, #tpu.memory_space<semaphore_mem>> -> memref<1x!tpu.dma_semaphore, #tpu.memory_space<semaphore_mem>>
    %dma_wait3A_654 = tpu.memref_squeeze %dma_wait3A_653 : memref<1x!tpu.dma_semaphore, #tpu.memory_space<semaphore_mem>> -> memref<!tpu.dma_semaphore, #tpu.memory_space<semaphore_mem>>
    tpu.wait_indirect_dma semaphore(%dma_wait3A_654 : memref<!tpu.dma_semaphore, #tpu.memory_space<semaphore_mem>>) src(%dma_wait3A_652 : memref<5000x896xf32, #tpu.memory_space<hbm>>) dst(%dma_wait3A_647 : memref<32x896xf32, #tpu.memory_space<vmem>>)
    %add3A_655 = arith.constant 320 : i32
    %add3A_656 = arith.addi %mul3A_2, %add3A_655 : i32
    %dma_start3A_657 = arith.constant 2 : i32
    %dma_start3A_658 = arith.constant 2 : i32
    %dma_start3A_659 = arith.constant 0 : i32
    %dma_start3A_660 = arith.constant 0 : i32
    %dma_start3A_661 = tpu.memref_slice %arg6[%dma_start3A_657, %dma_start3A_659, %dma_start3A_660] : memref<4x32x896xf32, #tpu.memory_space<vmem>> -> memref<1x32x896xf32, #tpu.memory_space<vmem>>
    %dma_start3A_662 = tpu.memref_squeeze %dma_start3A_661 : memref<1x32x896xf32, #tpu.memory_space<vmem>> -> memref<32x896xf32, #tpu.memory_space<vmem>>
    %dma_start3A_663 = arith.constant 0 : i32
    %dma_start3A_664 = tpu.memref_slice %arg4[%add3A_656, %dma_start3A_663] : memref<16384x896xf32, #tpu.memory_space<hbm>> -> memref<32x896xf32, #tpu.memory_space<hbm>>
    %dma_start3A_665 = tpu.memref_slice %arg8[%dma_start3A_658] : memref<4x!tpu.dma_semaphore, #tpu.memory_space<semaphore_mem>> -> memref<1x!tpu.dma_semaphore, #tpu.memory_space<semaphore_mem>>
    %dma_start3A_666 = tpu.memref_squeeze %dma_start3A_665 : memref<1x!tpu.dma_semaphore, #tpu.memory_space<semaphore_mem>> -> memref<!tpu.dma_semaphore, #tpu.memory_space<semaphore_mem>>
    %dma_start3A_667 = arith.constant 0 : i32
    %dma_start3A_668 = tpu.memref_slice %arg4[%add3A_656, %dma_start3A_667] : memref<16384x896xf32, #tpu.memory_space<hbm>> -> memref<32x896xf32, #tpu.memory_space<hbm>>
    %dma_start3A_669 = arith.constant 0 : i32
    %dma_start3A_670 = arith.constant 0 : i32
    %dma_start3A_671 = tpu.memref_slice %arg6[%dma_start3A_657, %dma_start3A_669, %dma_start3A_670] : memref<4x32x896xf32, #tpu.memory_space<vmem>> -> memref<1x32x896xf32, #tpu.memory_space<vmem>>
    %dma_start3A_672 = tpu.memref_squeeze %dma_start3A_671 : memref<1x32x896xf32, #tpu.memory_space<vmem>> -> memref<32x896xf32, #tpu.memory_space<vmem>>
    tpu.enqueue_dma source(%dma_start3A_672 : memref<32x896xf32, #tpu.memory_space<vmem>>) target(%dma_start3A_668 : memref<32x896xf32, #tpu.memory_space<hbm>>) target_semaphore(%dma_start3A_666 : memref<!tpu.dma_semaphore, #tpu.memory_space<semaphore_mem>>)
    %add3A_673 = arith.constant 288 : i32
    %add3A_674 = arith.addi %mul3A_2, %add3A_673 : i32
    %dma_wait3A_675 = arith.constant 1 : i32
    %dma_wait3A_676 = arith.constant 1 : i32
    %dma_wait3A_677 = arith.constant 0 : i32
    %dma_wait3A_678 = arith.constant 0 : i32
    %dma_wait3A_679 = tpu.memref_slice %arg6[%dma_wait3A_675, %dma_wait3A_677, %dma_wait3A_678] : memref<4x32x896xf32, #tpu.memory_space<vmem>> -> memref<1x32x896xf32, #tpu.memory_space<vmem>>
    %dma_wait3A_680 = tpu.memref_squeeze %dma_wait3A_679 : memref<1x32x896xf32, #tpu.memory_space<vmem>> -> memref<32x896xf32, #tpu.memory_space<vmem>>
    %dma_wait3A_681 = arith.constant 0 : i32
    %dma_wait3A_682 = tpu.memref_slice %arg4[%add3A_674, %dma_wait3A_681] : memref<16384x896xf32, #tpu.memory_space<hbm>> -> memref<32x896xf32, #tpu.memory_space<hbm>>
    %dma_wait3A_683 = tpu.memref_slice %arg8[%dma_wait3A_676] : memref<4x!tpu.dma_semaphore, #tpu.memory_space<semaphore_mem>> -> memref<1x!tpu.dma_semaphore, #tpu.memory_space<semaphore_mem>>
    %dma_wait3A_684 = tpu.memref_squeeze %dma_wait3A_683 : memref<1x!tpu.dma_semaphore, #tpu.memory_space<semaphore_mem>> -> memref<!tpu.dma_semaphore, #tpu.memory_space<semaphore_mem>>
    %dma_wait3A_685 = arith.constant 0 : i32
    %dma_wait3A_686 = tpu.memref_slice %arg4[%add3A_674, %dma_wait3A_685] : memref<16384x896xf32, #tpu.memory_space<hbm>> -> memref<32x896xf32, #tpu.memory_space<hbm>>
    %dma_wait3A_687 = arith.constant 0 : i32
    %dma_wait3A_688 = arith.constant 0 : i32
    %dma_wait3A_689 = tpu.memref_slice %arg6[%dma_wait3A_675, %dma_wait3A_687, %dma_wait3A_688] : memref<4x32x896xf32, #tpu.memory_space<vmem>> -> memref<1x32x896xf32, #tpu.memory_space<vmem>>
    %dma_wait3A_690 = tpu.memref_squeeze %dma_wait3A_689 : memref<1x32x896xf32, #tpu.memory_space<vmem>> -> memref<32x896xf32, #tpu.memory_space<vmem>>
    tpu.wait_dma2 semaphore(%dma_wait3A_684 : memref<!tpu.dma_semaphore, #tpu.memory_space<semaphore_mem>>) src(%dma_wait3A_690 : memref<32x896xf32, #tpu.memory_space<vmem>>) dst(%dma_wait3A_686 : memref<32x896xf32, #tpu.memory_space<hbm>>)
    %dma_start3A_691 = arith.constant 1 : i32
    %dma_start3A_692 = arith.constant 1 : i32
    %dma_start3A_693 = arith.constant 0 : i32
    %dma_start3A_694 = arith.constant 0 : i32
    %dma_start3A_695 = tpu.memref_slice %arg6[%dma_start3A_691, %dma_start3A_693, %dma_start3A_694] : memref<4x32x896xf32, #tpu.memory_space<vmem>> -> memref<1x32x896xf32, #tpu.memory_space<vmem>>
    %dma_start3A_696 = tpu.memref_squeeze %dma_start3A_695 : memref<1x32x896xf32, #tpu.memory_space<vmem>> -> memref<32x896xf32, #tpu.memory_space<vmem>>
    %dma_start3A_697 = arith.constant 416 : i32
    %dma_start3A_698 = tpu.memref_slice %arg5[%dma_start3A_697] : memref<512xi32, #tpu.memory_space<vmem>> -> memref<32xi32, #tpu.memory_space<vmem>>
    %dma_start3A_699 = arith.constant 0 : i32
    %dma_start3A_700 = arith.constant 0 : i32
    %dma_start3A_701 = tpu.memref_slice %arg3[%dma_start3A_699, %dma_start3A_700] : memref<5000x896xf32, #tpu.memory_space<hbm>> -> memref<5000x896xf32, #tpu.memory_space<hbm>>
    %dma_start3A_702 = tpu.memref_slice %arg7[%dma_start3A_692] : memref<4x!tpu.dma_semaphore, #tpu.memory_space<semaphore_mem>> -> memref<1x!tpu.dma_semaphore, #tpu.memory_space<semaphore_mem>>
    %dma_start3A_703 = tpu.memref_squeeze %dma_start3A_702 : memref<1x!tpu.dma_semaphore, #tpu.memory_space<semaphore_mem>> -> memref<!tpu.dma_semaphore, #tpu.memory_space<semaphore_mem>>
    tpu.enqueue_indirect_dma source(%dma_start3A_701 : memref<5000x896xf32, #tpu.memory_space<hbm>>) target(%dma_start3A_696 : memref<32x896xf32, #tpu.memory_space<vmem>>) offsets(%dma_start3A_698 : memref<32xi32, #tpu.memory_space<vmem>>) semaphore(%dma_start3A_703 : memref<!tpu.dma_semaphore, #tpu.memory_space<semaphore_mem>>)
    %dma_wait3A_704 = arith.constant 3 : i32
    %dma_wait3A_705 = arith.constant 3 : i32
    %dma_wait3A_706 = arith.constant 0 : i32
    %dma_wait3A_707 = arith.constant 0 : i32
    %dma_wait3A_708 = tpu.memref_slice %arg6[%dma_wait3A_704, %dma_wait3A_706, %dma_wait3A_707] : memref<4x32x896xf32, #tpu.memory_space<vmem>> -> memref<1x32x896xf32, #tpu.memory_space<vmem>>
    %dma_wait3A_709 = tpu.memref_squeeze %dma_wait3A_708 : memref<1x32x896xf32, #tpu.memory_space<vmem>> -> memref<32x896xf32, #tpu.memory_space<vmem>>
    %dma_wait3A_710 = arith.constant 352 : i32
    %dma_wait3A_711 = tpu.memref_slice %arg5[%dma_wait3A_710] : memref<512xi32, #tpu.memory_space<vmem>> -> memref<32xi32, #tpu.memory_space<vmem>>
    %dma_wait3A_712 = arith.constant 0 : i32
    %dma_wait3A_713 = arith.constant 0 : i32
    %dma_wait3A_714 = tpu.memref_slice %arg3[%dma_wait3A_712, %dma_wait3A_713] : memref<5000x896xf32, #tpu.memory_space<hbm>> -> memref<5000x896xf32, #tpu.memory_space<hbm>>
    %dma_wait3A_715 = tpu.memref_slice %arg7[%dma_wait3A_705] : memref<4x!tpu.dma_semaphore, #tpu.memory_space<semaphore_mem>> -> memref<1x!tpu.dma_semaphore, #tpu.memory_space<semaphore_mem>>
    %dma_wait3A_716 = tpu.memref_squeeze %dma_wait3A_715 : memref<1x!tpu.dma_semaphore, #tpu.memory_space<semaphore_mem>> -> memref<!tpu.dma_semaphore, #tpu.memory_space<semaphore_mem>>
    tpu.wait_indirect_dma semaphore(%dma_wait3A_716 : memref<!tpu.dma_semaphore, #tpu.memory_space<semaphore_mem>>) src(%dma_wait3A_714 : memref<5000x896xf32, #tpu.memory_space<hbm>>) dst(%dma_wait3A_709 : memref<32x896xf32, #tpu.memory_space<vmem>>)
    %add3A_717 = arith.constant 352 : i32
    %add3A_718 = arith.addi %mul3A_2, %add3A_717 : i32
    %dma_start3A_719 = arith.constant 3 : i32
    %dma_start3A_720 = arith.constant 3 : i32
    %dma_start3A_721 = arith.constant 0 : i32
    %dma_start3A_722 = arith.constant 0 : i32
    %dma_start3A_723 = tpu.memref_slice %arg6[%dma_start3A_719, %dma_start3A_721, %dma_start3A_722] : memref<4x32x896xf32, #tpu.memory_space<vmem>> -> memref<1x32x896xf32, #tpu.memory_space<vmem>>
    %dma_start3A_724 = tpu.memref_squeeze %dma_start3A_723 : memref<1x32x896xf32, #tpu.memory_space<vmem>> -> memref<32x896xf32, #tpu.memory_space<vmem>>
    %dma_start3A_725 = arith.constant 0 : i32
    %dma_start3A_726 = tpu.memref_slice %arg4[%add3A_718, %dma_start3A_725] : memref<16384x896xf32, #tpu.memory_space<hbm>> -> memref<32x896xf32, #tpu.memory_space<hbm>>
    %dma_start3A_727 = tpu.memref_slice %arg8[%dma_start3A_720] : memref<4x!tpu.dma_semaphore, #tpu.memory_space<semaphore_mem>> -> memref<1x!tpu.dma_semaphore, #tpu.memory_space<semaphore_mem>>
    %dma_start3A_728 = tpu.memref_squeeze %dma_start3A_727 : memref<1x!tpu.dma_semaphore, #tpu.memory_space<semaphore_mem>> -> memref<!tpu.dma_semaphore, #tpu.memory_space<semaphore_mem>>
    %dma_start3A_729 = arith.constant 0 : i32
    %dma_start3A_730 = tpu.memref_slice %arg4[%add3A_718, %dma_start3A_729] : memref<16384x896xf32, #tpu.memory_space<hbm>> -> memref<32x896xf32, #tpu.memory_space<hbm>>
    %dma_start3A_731 = arith.constant 0 : i32
    %dma_start3A_732 = arith.constant 0 : i32
    %dma_start3A_733 = tpu.memref_slice %arg6[%dma_start3A_719, %dma_start3A_731, %dma_start3A_732] : memref<4x32x896xf32, #tpu.memory_space<vmem>> -> memref<1x32x896xf32, #tpu.memory_space<vmem>>
    %dma_start3A_734 = tpu.memref_squeeze %dma_start3A_733 : memref<1x32x896xf32, #tpu.memory_space<vmem>> -> memref<32x896xf32, #tpu.memory_space<vmem>>
    tpu.enqueue_dma source(%dma_start3A_734 : memref<32x896xf32, #tpu.memory_space<vmem>>) target(%dma_start3A_730 : memref<32x896xf32, #tpu.memory_space<hbm>>) target_semaphore(%dma_start3A_728 : memref<!tpu.dma_semaphore, #tpu.memory_space<semaphore_mem>>)
    %add3A_735 = arith.constant 320 : i32
    %add3A_736 = arith.addi %mul3A_2, %add3A_735 : i32
    %dma_wait3A_737 = arith.constant 2 : i32
    %dma_wait3A_738 = arith.constant 2 : i32
    %dma_wait3A_739 = arith.constant 0 : i32
    %dma_wait3A_740 = arith.constant 0 : i32
    %dma_wait3A_741 = tpu.memref_slice %arg6[%dma_wait3A_737, %dma_wait3A_739, %dma_wait3A_740] : memref<4x32x896xf32, #tpu.memory_space<vmem>> -> memref<1x32x896xf32, #tpu.memory_space<vmem>>
    %dma_wait3A_742 = tpu.memref_squeeze %dma_wait3A_741 : memref<1x32x896xf32, #tpu.memory_space<vmem>> -> memref<32x896xf32, #tpu.memory_space<vmem>>
    %dma_wait3A_743 = arith.constant 0 : i32
    %dma_wait3A_744 = tpu.memref_slice %arg4[%add3A_736, %dma_wait3A_743] : memref<16384x896xf32, #tpu.memory_space<hbm>> -> memref<32x896xf32, #tpu.memory_space<hbm>>
    %dma_wait3A_745 = tpu.memref_slice %arg8[%dma_wait3A_738] : memref<4x!tpu.dma_semaphore, #tpu.memory_space<semaphore_mem>> -> memref<1x!tpu.dma_semaphore, #tpu.memory_space<semaphore_mem>>
    %dma_wait3A_746 = tpu.memref_squeeze %dma_wait3A_745 : memref<1x!tpu.dma_semaphore, #tpu.memory_space<semaphore_mem>> -> memref<!tpu.dma_semaphore, #tpu.memory_space<semaphore_mem>>
    %dma_wait3A_747 = arith.constant 0 : i32
    %dma_wait3A_748 = tpu.memref_slice %arg4[%add3A_736, %dma_wait3A_747] : memref<16384x896xf32, #tpu.memory_space<hbm>> -> memref<32x896xf32, #tpu.memory_space<hbm>>
    %dma_wait3A_749 = arith.constant 0 : i32
    %dma_wait3A_750 = arith.constant 0 : i32
    %dma_wait3A_751 = tpu.memref_slice %arg6[%dma_wait3A_737, %dma_wait3A_749, %dma_wait3A_750] : memref<4x32x896xf32, #tpu.memory_space<vmem>> -> memref<1x32x896xf32, #tpu.memory_space<vmem>>
    %dma_wait3A_752 = tpu.memref_squeeze %dma_wait3A_751 : memref<1x32x896xf32, #tpu.memory_space<vmem>> -> memref<32x896xf32, #tpu.memory_space<vmem>>
    tpu.wait_dma2 semaphore(%dma_wait3A_746 : memref<!tpu.dma_semaphore, #tpu.memory_space<semaphore_mem>>) src(%dma_wait3A_752 : memref<32x896xf32, #tpu.memory_space<vmem>>) dst(%dma_wait3A_748 : memref<32x896xf32, #tpu.memory_space<hbm>>)
    %dma_start3A_753 = arith.constant 2 : i32
    %dma_start3A_754 = arith.constant 2 : i32
    %dma_start3A_755 = arith.constant 0 : i32
    %dma_start3A_756 = arith.constant 0 : i32
    %dma_start3A_757 = tpu.memref_slice %arg6[%dma_start3A_753, %dma_start3A_755, %dma_start3A_756] : memref<4x32x896xf32, #tpu.memory_space<vmem>> -> memref<1x32x896xf32, #tpu.memory_space<vmem>>
    %dma_start3A_758 = tpu.memref_squeeze %dma_start3A_757 : memref<1x32x896xf32, #tpu.memory_space<vmem>> -> memref<32x896xf32, #tpu.memory_space<vmem>>
    %dma_start3A_759 = arith.constant 448 : i32
    %dma_start3A_760 = tpu.memref_slice %arg5[%dma_start3A_759] : memref<512xi32, #tpu.memory_space<vmem>> -> memref<32xi32, #tpu.memory_space<vmem>>
    %dma_start3A_761 = arith.constant 0 : i32
    %dma_start3A_762 = arith.constant 0 : i32
    %dma_start3A_763 = tpu.memref_slice %arg3[%dma_start3A_761, %dma_start3A_762] : memref<5000x896xf32, #tpu.memory_space<hbm>> -> memref<5000x896xf32, #tpu.memory_space<hbm>>
    %dma_start3A_764 = tpu.memref_slice %arg7[%dma_start3A_754] : memref<4x!tpu.dma_semaphore, #tpu.memory_space<semaphore_mem>> -> memref<1x!tpu.dma_semaphore, #tpu.memory_space<semaphore_mem>>
    %dma_start3A_765 = tpu.memref_squeeze %dma_start3A_764 : memref<1x!tpu.dma_semaphore, #tpu.memory_space<semaphore_mem>> -> memref<!tpu.dma_semaphore, #tpu.memory_space<semaphore_mem>>
    tpu.enqueue_indirect_dma source(%dma_start3A_763 : memref<5000x896xf32, #tpu.memory_space<hbm>>) target(%dma_start3A_758 : memref<32x896xf32, #tpu.memory_space<vmem>>) offsets(%dma_start3A_760 : memref<32xi32, #tpu.memory_space<vmem>>) semaphore(%dma_start3A_765 : memref<!tpu.dma_semaphore, #tpu.memory_space<semaphore_mem>>)
    %dma_wait3A_766 = arith.constant 0 : i32
    %dma_wait3A_767 = arith.constant 0 : i32
    %dma_wait3A_768 = arith.constant 0 : i32
    %dma_wait3A_769 = arith.constant 0 : i32
    %dma_wait3A_770 = tpu.memref_slice %arg6[%dma_wait3A_766, %dma_wait3A_768, %dma_wait3A_769] : memref<4x32x896xf32, #tpu.memory_space<vmem>> -> memref<1x32x896xf32, #tpu.memory_space<vmem>>
    %dma_wait3A_771 = tpu.memref_squeeze %dma_wait3A_770 : memref<1x32x896xf32, #tpu.memory_space<vmem>> -> memref<32x896xf32, #tpu.memory_space<vmem>>
    %dma_wait3A_772 = arith.constant 384 : i32
    %dma_wait3A_773 = tpu.memref_slice %arg5[%dma_wait3A_772] : memref<512xi32, #tpu.memory_space<vmem>> -> memref<32xi32, #tpu.memory_space<vmem>>
    %dma_wait3A_774 = arith.constant 0 : i32
    %dma_wait3A_775 = arith.constant 0 : i32
    %dma_wait3A_776 = tpu.memref_slice %arg3[%dma_wait3A_774, %dma_wait3A_775] : memref<5000x896xf32, #tpu.memory_space<hbm>> -> memref<5000x896xf32, #tpu.memory_space<hbm>>
    %dma_wait3A_777 = tpu.memref_slice %arg7[%dma_wait3A_767] : memref<4x!tpu.dma_semaphore, #tpu.memory_space<semaphore_mem>> -> memref<1x!tpu.dma_semaphore, #tpu.memory_space<semaphore_mem>>
    %dma_wait3A_778 = tpu.memref_squeeze %dma_wait3A_777 : memref<1x!tpu.dma_semaphore, #tpu.memory_space<semaphore_mem>> -> memref<!tpu.dma_semaphore, #tpu.memory_space<semaphore_mem>>
    tpu.wait_indirect_dma semaphore(%dma_wait3A_778 : memref<!tpu.dma_semaphore, #tpu.memory_space<semaphore_mem>>) src(%dma_wait3A_776 : memref<5000x896xf32, #tpu.memory_space<hbm>>) dst(%dma_wait3A_771 : memref<32x896xf32, #tpu.memory_space<vmem>>)
    %add3A_779 = arith.constant 384 : i32
    %add3A_780 = arith.addi %mul3A_2, %add3A_779 : i32
    %dma_start3A_781 = arith.constant 0 : i32
    %dma_start3A_782 = arith.constant 0 : i32
    %dma_start3A_783 = arith.constant 0 : i32
    %dma_start3A_784 = arith.constant 0 : i32
    %dma_start3A_785 = tpu.memref_slice %arg6[%dma_start3A_781, %dma_start3A_783, %dma_start3A_784] : memref<4x32x896xf32, #tpu.memory_space<vmem>> -> memref<1x32x896xf32, #tpu.memory_space<vmem>>
    %dma_start3A_786 = tpu.memref_squeeze %dma_start3A_785 : memref<1x32x896xf32, #tpu.memory_space<vmem>> -> memref<32x896xf32, #tpu.memory_space<vmem>>
    %dma_start3A_787 = arith.constant 0 : i32
    %dma_start3A_788 = tpu.memref_slice %arg4[%add3A_780, %dma_start3A_787] : memref<16384x896xf32, #tpu.memory_space<hbm>> -> memref<32x896xf32, #tpu.memory_space<hbm>>
    %dma_start3A_789 = tpu.memref_slice %arg8[%dma_start3A_782] : memref<4x!tpu.dma_semaphore, #tpu.memory_space<semaphore_mem>> -> memref<1x!tpu.dma_semaphore, #tpu.memory_space<semaphore_mem>>
    %dma_start3A_790 = tpu.memref_squeeze %dma_start3A_789 : memref<1x!tpu.dma_semaphore, #tpu.memory_space<semaphore_mem>> -> memref<!tpu.dma_semaphore, #tpu.memory_space<semaphore_mem>>
    %dma_start3A_791 = arith.constant 0 : i32
    %dma_start3A_792 = tpu.memref_slice %arg4[%add3A_780, %dma_start3A_791] : memref<16384x896xf32, #tpu.memory_space<hbm>> -> memref<32x896xf32, #tpu.memory_space<hbm>>
    %dma_start3A_793 = arith.constant 0 : i32
    %dma_start3A_794 = arith.constant 0 : i32
    %dma_start3A_795 = tpu.memref_slice %arg6[%dma_start3A_781, %dma_start3A_793, %dma_start3A_794] : memref<4x32x896xf32, #tpu.memory_space<vmem>> -> memref<1x32x896xf32, #tpu.memory_space<vmem>>
    %dma_start3A_796 = tpu.memref_squeeze %dma_start3A_795 : memref<1x32x896xf32, #tpu.memory_space<vmem>> -> memref<32x896xf32, #tpu.memory_space<vmem>>
    tpu.enqueue_dma source(%dma_start3A_796 : memref<32x896xf32, #tpu.memory_space<vmem>>) target(%dma_start3A_792 : memref<32x896xf32, #tpu.memory_space<hbm>>) target_semaphore(%dma_start3A_790 : memref<!tpu.dma_semaphore, #tpu.memory_space<semaphore_mem>>)
    %add3A_797 = arith.constant 352 : i32
    %add3A_798 = arith.addi %mul3A_2, %add3A_797 : i32
    %dma_wait3A_799 = arith.constant 3 : i32
    %dma_wait3A_800 = arith.constant 3 : i32
    %dma_wait3A_801 = arith.constant 0 : i32
    %dma_wait3A_802 = arith.constant 0 : i32
    %dma_wait3A_803 = tpu.memref_slice %arg6[%dma_wait3A_799, %dma_wait3A_801, %dma_wait3A_802] : memref<4x32x896xf32, #tpu.memory_space<vmem>> -> memref<1x32x896xf32, #tpu.memory_space<vmem>>
    %dma_wait3A_804 = tpu.memref_squeeze %dma_wait3A_803 : memref<1x32x896xf32, #tpu.memory_space<vmem>> -> memref<32x896xf32, #tpu.memory_space<vmem>>
    %dma_wait3A_805 = arith.constant 0 : i32
    %dma_wait3A_806 = tpu.memref_slice %arg4[%add3A_798, %dma_wait3A_805] : memref<16384x896xf32, #tpu.memory_space<hbm>> -> memref<32x896xf32, #tpu.memory_space<hbm>>
    %dma_wait3A_807 = tpu.memref_slice %arg8[%dma_wait3A_800] : memref<4x!tpu.dma_semaphore, #tpu.memory_space<semaphore_mem>> -> memref<1x!tpu.dma_semaphore, #tpu.memory_space<semaphore_mem>>
    %dma_wait3A_808 = tpu.memref_squeeze %dma_wait3A_807 : memref<1x!tpu.dma_semaphore, #tpu.memory_space<semaphore_mem>> -> memref<!tpu.dma_semaphore, #tpu.memory_space<semaphore_mem>>
    %dma_wait3A_809 = arith.constant 0 : i32
    %dma_wait3A_810 = tpu.memref_slice %arg4[%add3A_798, %dma_wait3A_809] : memref<16384x896xf32, #tpu.memory_space<hbm>> -> memref<32x896xf32, #tpu.memory_space<hbm>>
    %dma_wait3A_811 = arith.constant 0 : i32
    %dma_wait3A_812 = arith.constant 0 : i32
    %dma_wait3A_813 = tpu.memref_slice %arg6[%dma_wait3A_799, %dma_wait3A_811, %dma_wait3A_812] : memref<4x32x896xf32, #tpu.memory_space<vmem>> -> memref<1x32x896xf32, #tpu.memory_space<vmem>>
    %dma_wait3A_814 = tpu.memref_squeeze %dma_wait3A_813 : memref<1x32x896xf32, #tpu.memory_space<vmem>> -> memref<32x896xf32, #tpu.memory_space<vmem>>
    tpu.wait_dma2 semaphore(%dma_wait3A_808 : memref<!tpu.dma_semaphore, #tpu.memory_space<semaphore_mem>>) src(%dma_wait3A_814 : memref<32x896xf32, #tpu.memory_space<vmem>>) dst(%dma_wait3A_810 : memref<32x896xf32, #tpu.memory_space<hbm>>)
    %dma_start3A_815 = arith.constant 3 : i32
    %dma_start3A_816 = arith.constant 3 : i32
    %dma_start3A_817 = arith.constant 0 : i32
    %dma_start3A_818 = arith.constant 0 : i32
    %dma_start3A_819 = tpu.memref_slice %arg6[%dma_start3A_815, %dma_start3A_817, %dma_start3A_818] : memref<4x32x896xf32, #tpu.memory_space<vmem>> -> memref<1x32x896xf32, #tpu.memory_space<vmem>>
    %dma_start3A_820 = tpu.memref_squeeze %dma_start3A_819 : memref<1x32x896xf32, #tpu.memory_space<vmem>> -> memref<32x896xf32, #tpu.memory_space<vmem>>
    %dma_start3A_821 = arith.constant 480 : i32
    %dma_start3A_822 = tpu.memref_slice %arg5[%dma_start3A_821] : memref<512xi32, #tpu.memory_space<vmem>> -> memref<32xi32, #tpu.memory_space<vmem>>
    %dma_start3A_823 = arith.constant 0 : i32
    %dma_start3A_824 = arith.constant 0 : i32
    %dma_start3A_825 = tpu.memref_slice %arg3[%dma_start3A_823, %dma_start3A_824] : memref<5000x896xf32, #tpu.memory_space<hbm>> -> memref<5000x896xf32, #tpu.memory_space<hbm>>
    %dma_start3A_826 = tpu.memref_slice %arg7[%dma_start3A_816] : memref<4x!tpu.dma_semaphore, #tpu.memory_space<semaphore_mem>> -> memref<1x!tpu.dma_semaphore, #tpu.memory_space<semaphore_mem>>
    %dma_start3A_827 = tpu.memref_squeeze %dma_start3A_826 : memref<1x!tpu.dma_semaphore, #tpu.memory_space<semaphore_mem>> -> memref<!tpu.dma_semaphore, #tpu.memory_space<semaphore_mem>>
    tpu.enqueue_indirect_dma source(%dma_start3A_825 : memref<5000x896xf32, #tpu.memory_space<hbm>>) target(%dma_start3A_820 : memref<32x896xf32, #tpu.memory_space<vmem>>) offsets(%dma_start3A_822 : memref<32xi32, #tpu.memory_space<vmem>>) semaphore(%dma_start3A_827 : memref<!tpu.dma_semaphore, #tpu.memory_space<semaphore_mem>>)
    %dma_wait3A_828 = arith.constant 1 : i32
    %dma_wait3A_829 = arith.constant 1 : i32
    %dma_wait3A_830 = arith.constant 0 : i32
    %dma_wait3A_831 = arith.constant 0 : i32
    %dma_wait3A_832 = tpu.memref_slice %arg6[%dma_wait3A_828, %dma_wait3A_830, %dma_wait3A_831] : memref<4x32x896xf32, #tpu.memory_space<vmem>> -> memref<1x32x896xf32, #tpu.memory_space<vmem>>
    %dma_wait3A_833 = tpu.memref_squeeze %dma_wait3A_832 : memref<1x32x896xf32, #tpu.memory_space<vmem>> -> memref<32x896xf32, #tpu.memory_space<vmem>>
    %dma_wait3A_834 = arith.constant 416 : i32
    %dma_wait3A_835 = tpu.memref_slice %arg5[%dma_wait3A_834] : memref<512xi32, #tpu.memory_space<vmem>> -> memref<32xi32, #tpu.memory_space<vmem>>
    %dma_wait3A_836 = arith.constant 0 : i32
    %dma_wait3A_837 = arith.constant 0 : i32
    %dma_wait3A_838 = tpu.memref_slice %arg3[%dma_wait3A_836, %dma_wait3A_837] : memref<5000x896xf32, #tpu.memory_space<hbm>> -> memref<5000x896xf32, #tpu.memory_space<hbm>>
    %dma_wait3A_839 = tpu.memref_slice %arg7[%dma_wait3A_829] : memref<4x!tpu.dma_semaphore, #tpu.memory_space<semaphore_mem>> -> memref<1x!tpu.dma_semaphore, #tpu.memory_space<semaphore_mem>>
    %dma_wait3A_840 = tpu.memref_squeeze %dma_wait3A_839 : memref<1x!tpu.dma_semaphore, #tpu.memory_space<semaphore_mem>> -> memref<!tpu.dma_semaphore, #tpu.memory_space<semaphore_mem>>
    tpu.wait_indirect_dma semaphore(%dma_wait3A_840 : memref<!tpu.dma_semaphore, #tpu.memory_space<semaphore_mem>>) src(%dma_wait3A_838 : memref<5000x896xf32, #tpu.memory_space<hbm>>) dst(%dma_wait3A_833 : memref<32x896xf32, #tpu.memory_space<vmem>>)
    %add3A_841 = arith.constant 416 : i32
    %add3A_842 = arith.addi %mul3A_2, %add3A_841 : i32
    %dma_start3A_843 = arith.constant 1 : i32
    %dma_start3A_844 = arith.constant 1 : i32
    %dma_start3A_845 = arith.constant 0 : i32
    %dma_start3A_846 = arith.constant 0 : i32
    %dma_start3A_847 = tpu.memref_slice %arg6[%dma_start3A_843, %dma_start3A_845, %dma_start3A_846] : memref<4x32x896xf32, #tpu.memory_space<vmem>> -> memref<1x32x896xf32, #tpu.memory_space<vmem>>
    %dma_start3A_848 = tpu.memref_squeeze %dma_start3A_847 : memref<1x32x896xf32, #tpu.memory_space<vmem>> -> memref<32x896xf32, #tpu.memory_space<vmem>>
    %dma_start3A_849 = arith.constant 0 : i32
    %dma_start3A_850 = tpu.memref_slice %arg4[%add3A_842, %dma_start3A_849] : memref<16384x896xf32, #tpu.memory_space<hbm>> -> memref<32x896xf32, #tpu.memory_space<hbm>>
    %dma_start3A_851 = tpu.memref_slice %arg8[%dma_start3A_844] : memref<4x!tpu.dma_semaphore, #tpu.memory_space<semaphore_mem>> -> memref<1x!tpu.dma_semaphore, #tpu.memory_space<semaphore_mem>>
    %dma_start3A_852 = tpu.memref_squeeze %dma_start3A_851 : memref<1x!tpu.dma_semaphore, #tpu.memory_space<semaphore_mem>> -> memref<!tpu.dma_semaphore, #tpu.memory_space<semaphore_mem>>
    %dma_start3A_853 = arith.constant 0 : i32
    %dma_start3A_854 = tpu.memref_slice %arg4[%add3A_842, %dma_start3A_853] : memref<16384x896xf32, #tpu.memory_space<hbm>> -> memref<32x896xf32, #tpu.memory_space<hbm>>
    %dma_start3A_855 = arith.constant 0 : i32
    %dma_start3A_856 = arith.constant 0 : i32
    %dma_start3A_857 = tpu.memref_slice %arg6[%dma_start3A_843, %dma_start3A_855, %dma_start3A_856] : memref<4x32x896xf32, #tpu.memory_space<vmem>> -> memref<1x32x896xf32, #tpu.memory_space<vmem>>
    %dma_start3A_858 = tpu.memref_squeeze %dma_start3A_857 : memref<1x32x896xf32, #tpu.memory_space<vmem>> -> memref<32x896xf32, #tpu.memory_space<vmem>>
    tpu.enqueue_dma source(%dma_start3A_858 : memref<32x896xf32, #tpu.memory_space<vmem>>) target(%dma_start3A_854 : memref<32x896xf32, #tpu.memory_space<hbm>>) target_semaphore(%dma_start3A_852 : memref<!tpu.dma_semaphore, #tpu.memory_space<semaphore_mem>>)
    %add3A_859 = arith.constant 384 : i32
    %add3A_860 = arith.addi %mul3A_2, %add3A_859 : i32
    %dma_wait3A_861 = arith.constant 0 : i32
    %dma_wait3A_862 = arith.constant 0 : i32
    %dma_wait3A_863 = arith.constant 0 : i32
    %dma_wait3A_864 = arith.constant 0 : i32
    %dma_wait3A_865 = tpu.memref_slice %arg6[%dma_wait3A_861, %dma_wait3A_863, %dma_wait3A_864] : memref<4x32x896xf32, #tpu.memory_space<vmem>> -> memref<1x32x896xf32, #tpu.memory_space<vmem>>
    %dma_wait3A_866 = tpu.memref_squeeze %dma_wait3A_865 : memref<1x32x896xf32, #tpu.memory_space<vmem>> -> memref<32x896xf32, #tpu.memory_space<vmem>>
    %dma_wait3A_867 = arith.constant 0 : i32
    %dma_wait3A_868 = tpu.memref_slice %arg4[%add3A_860, %dma_wait3A_867] : memref<16384x896xf32, #tpu.memory_space<hbm>> -> memref<32x896xf32, #tpu.memory_space<hbm>>
    %dma_wait3A_869 = tpu.memref_slice %arg8[%dma_wait3A_862] : memref<4x!tpu.dma_semaphore, #tpu.memory_space<semaphore_mem>> -> memref<1x!tpu.dma_semaphore, #tpu.memory_space<semaphore_mem>>
    %dma_wait3A_870 = tpu.memref_squeeze %dma_wait3A_869 : memref<1x!tpu.dma_semaphore, #tpu.memory_space<semaphore_mem>> -> memref<!tpu.dma_semaphore, #tpu.memory_space<semaphore_mem>>
    %dma_wait3A_871 = arith.constant 0 : i32
    %dma_wait3A_872 = tpu.memref_slice %arg4[%add3A_860, %dma_wait3A_871] : memref<16384x896xf32, #tpu.memory_space<hbm>> -> memref<32x896xf32, #tpu.memory_space<hbm>>
    %dma_wait3A_873 = arith.constant 0 : i32
    %dma_wait3A_874 = arith.constant 0 : i32
    %dma_wait3A_875 = tpu.memref_slice %arg6[%dma_wait3A_861, %dma_wait3A_873, %dma_wait3A_874] : memref<4x32x896xf32, #tpu.memory_space<vmem>> -> memref<1x32x896xf32, #tpu.memory_space<vmem>>
    %dma_wait3A_876 = tpu.memref_squeeze %dma_wait3A_875 : memref<1x32x896xf32, #tpu.memory_space<vmem>> -> memref<32x896xf32, #tpu.memory_space<vmem>>
    tpu.wait_dma2 semaphore(%dma_wait3A_870 : memref<!tpu.dma_semaphore, #tpu.memory_space<semaphore_mem>>) src(%dma_wait3A_876 : memref<32x896xf32, #tpu.memory_space<vmem>>) dst(%dma_wait3A_872 : memref<32x896xf32, #tpu.memory_space<hbm>>)
    %dma_wait3A_877 = arith.constant 2 : i32
    %dma_wait3A_878 = arith.constant 2 : i32
    %dma_wait3A_879 = arith.constant 0 : i32
    %dma_wait3A_880 = arith.constant 0 : i32
    %dma_wait3A_881 = tpu.memref_slice %arg6[%dma_wait3A_877, %dma_wait3A_879, %dma_wait3A_880] : memref<4x32x896xf32, #tpu.memory_space<vmem>> -> memref<1x32x896xf32, #tpu.memory_space<vmem>>
    %dma_wait3A_882 = tpu.memref_squeeze %dma_wait3A_881 : memref<1x32x896xf32, #tpu.memory_space<vmem>> -> memref<32x896xf32, #tpu.memory_space<vmem>>
    %dma_wait3A_883 = arith.constant 448 : i32
    %dma_wait3A_884 = tpu.memref_slice %arg5[%dma_wait3A_883] : memref<512xi32, #tpu.memory_space<vmem>> -> memref<32xi32, #tpu.memory_space<vmem>>
    %dma_wait3A_885 = arith.constant 0 : i32
    %dma_wait3A_886 = arith.constant 0 : i32
    %dma_wait3A_887 = tpu.memref_slice %arg3[%dma_wait3A_885, %dma_wait3A_886] : memref<5000x896xf32, #tpu.memory_space<hbm>> -> memref<5000x896xf32, #tpu.memory_space<hbm>>
    %dma_wait3A_888 = tpu.memref_slice %arg7[%dma_wait3A_878] : memref<4x!tpu.dma_semaphore, #tpu.memory_space<semaphore_mem>> -> memref<1x!tpu.dma_semaphore, #tpu.memory_space<semaphore_mem>>
    %dma_wait3A_889 = tpu.memref_squeeze %dma_wait3A_888 : memref<1x!tpu.dma_semaphore, #tpu.memory_space<semaphore_mem>> -> memref<!tpu.dma_semaphore, #tpu.memory_space<semaphore_mem>>
    tpu.wait_indirect_dma semaphore(%dma_wait3A_889 : memref<!tpu.dma_semaphore, #tpu.memory_space<semaphore_mem>>) src(%dma_wait3A_887 : memref<5000x896xf32, #tpu.memory_space<hbm>>) dst(%dma_wait3A_882 : memref<32x896xf32, #tpu.memory_space<vmem>>)
    %add3A_890 = arith.constant 448 : i32
    %add3A_891 = arith.addi %mul3A_2, %add3A_890 : i32
    %dma_start3A_892 = arith.constant 2 : i32
    %dma_start3A_893 = arith.constant 2 : i32
    %dma_start3A_894 = arith.constant 0 : i32
    %dma_start3A_895 = arith.constant 0 : i32
    %dma_start3A_896 = tpu.memref_slice %arg6[%dma_start3A_892, %dma_start3A_894, %dma_start3A_895] : memref<4x32x896xf32, #tpu.memory_space<vmem>> -> memref<1x32x896xf32, #tpu.memory_space<vmem>>
    %dma_start3A_897 = tpu.memref_squeeze %dma_start3A_896 : memref<1x32x896xf32, #tpu.memory_space<vmem>> -> memref<32x896xf32, #tpu.memory_space<vmem>>
    %dma_start3A_898 = arith.constant 0 : i32
    %dma_start3A_899 = tpu.memref_slice %arg4[%add3A_891, %dma_start3A_898] : memref<16384x896xf32, #tpu.memory_space<hbm>> -> memref<32x896xf32, #tpu.memory_space<hbm>>
    %dma_start3A_900 = tpu.memref_slice %arg8[%dma_start3A_893] : memref<4x!tpu.dma_semaphore, #tpu.memory_space<semaphore_mem>> -> memref<1x!tpu.dma_semaphore, #tpu.memory_space<semaphore_mem>>
    %dma_start3A_901 = tpu.memref_squeeze %dma_start3A_900 : memref<1x!tpu.dma_semaphore, #tpu.memory_space<semaphore_mem>> -> memref<!tpu.dma_semaphore, #tpu.memory_space<semaphore_mem>>
    %dma_start3A_902 = arith.constant 0 : i32
    %dma_start3A_903 = tpu.memref_slice %arg4[%add3A_891, %dma_start3A_902] : memref<16384x896xf32, #tpu.memory_space<hbm>> -> memref<32x896xf32, #tpu.memory_space<hbm>>
    %dma_start3A_904 = arith.constant 0 : i32
    %dma_start3A_905 = arith.constant 0 : i32
    %dma_start3A_906 = tpu.memref_slice %arg6[%dma_start3A_892, %dma_start3A_904, %dma_start3A_905] : memref<4x32x896xf32, #tpu.memory_space<vmem>> -> memref<1x32x896xf32, #tpu.memory_space<vmem>>
    %dma_start3A_907 = tpu.memref_squeeze %dma_start3A_906 : memref<1x32x896xf32, #tpu.memory_space<vmem>> -> memref<32x896xf32, #tpu.memory_space<vmem>>
    tpu.enqueue_dma source(%dma_start3A_907 : memref<32x896xf32, #tpu.memory_space<vmem>>) target(%dma_start3A_903 : memref<32x896xf32, #tpu.memory_space<hbm>>) target_semaphore(%dma_start3A_901 : memref<!tpu.dma_semaphore, #tpu.memory_space<semaphore_mem>>)
    %add3A_908 = arith.constant 416 : i32
    %add3A_909 = arith.addi %mul3A_2, %add3A_908 : i32
    %dma_wait3A_910 = arith.constant 1 : i32
    %dma_wait3A_911 = arith.constant 1 : i32
    %dma_wait3A_912 = arith.constant 0 : i32
    %dma_wait3A_913 = arith.constant 0 : i32
    %dma_wait3A_914 = tpu.memref_slice %arg6[%dma_wait3A_910, %dma_wait3A_912, %dma_wait3A_913] : memref<4x32x896xf32, #tpu.memory_space<vmem>> -> memref<1x32x896xf32, #tpu.memory_space<vmem>>
    %dma_wait3A_915 = tpu.memref_squeeze %dma_wait3A_914 : memref<1x32x896xf32, #tpu.memory_space<vmem>> -> memref<32x896xf32, #tpu.memory_space<vmem>>
    %dma_wait3A_916 = arith.constant 0 : i32
    %dma_wait3A_917 = tpu.memref_slice %arg4[%add3A_909, %dma_wait3A_916] : memref<16384x896xf32, #tpu.memory_space<hbm>> -> memref<32x896xf32, #tpu.memory_space<hbm>>
    %dma_wait3A_918 = tpu.memref_slice %arg8[%dma_wait3A_911] : memref<4x!tpu.dma_semaphore, #tpu.memory_space<semaphore_mem>> -> memref<1x!tpu.dma_semaphore, #tpu.memory_space<semaphore_mem>>
    %dma_wait3A_919 = tpu.memref_squeeze %dma_wait3A_918 : memref<1x!tpu.dma_semaphore, #tpu.memory_space<semaphore_mem>> -> memref<!tpu.dma_semaphore, #tpu.memory_space<semaphore_mem>>
    %dma_wait3A_920 = arith.constant 0 : i32
    %dma_wait3A_921 = tpu.memref_slice %arg4[%add3A_909, %dma_wait3A_920] : memref<16384x896xf32, #tpu.memory_space<hbm>> -> memref<32x896xf32, #tpu.memory_space<hbm>>
    %dma_wait3A_922 = arith.constant 0 : i32
    %dma_wait3A_923 = arith.constant 0 : i32
    %dma_wait3A_924 = tpu.memref_slice %arg6[%dma_wait3A_910, %dma_wait3A_922, %dma_wait3A_923] : memref<4x32x896xf32, #tpu.memory_space<vmem>> -> memref<1x32x896xf32, #tpu.memory_space<vmem>>
    %dma_wait3A_925 = tpu.memref_squeeze %dma_wait3A_924 : memref<1x32x896xf32, #tpu.memory_space<vmem>> -> memref<32x896xf32, #tpu.memory_space<vmem>>
    tpu.wait_dma2 semaphore(%dma_wait3A_919 : memref<!tpu.dma_semaphore, #tpu.memory_space<semaphore_mem>>) src(%dma_wait3A_925 : memref<32x896xf32, #tpu.memory_space<vmem>>) dst(%dma_wait3A_921 : memref<32x896xf32, #tpu.memory_space<hbm>>)
    %dma_wait3A_926 = arith.constant 3 : i32
    %dma_wait3A_927 = arith.constant 3 : i32
    %dma_wait3A_928 = arith.constant 0 : i32
    %dma_wait3A_929 = arith.constant 0 : i32
    %dma_wait3A_930 = tpu.memref_slice %arg6[%dma_wait3A_926, %dma_wait3A_928, %dma_wait3A_929] : memref<4x32x896xf32, #tpu.memory_space<vmem>> -> memref<1x32x896xf32, #tpu.memory_space<vmem>>
    %dma_wait3A_931 = tpu.memref_squeeze %dma_wait3A_930 : memref<1x32x896xf32, #tpu.memory_space<vmem>> -> memref<32x896xf32, #tpu.memory_space<vmem>>
    %dma_wait3A_932 = arith.constant 480 : i32
    %dma_wait3A_933 = tpu.memref_slice %arg5[%dma_wait3A_932] : memref<512xi32, #tpu.memory_space<vmem>> -> memref<32xi32, #tpu.memory_space<vmem>>
    %dma_wait3A_934 = arith.constant 0 : i32
    %dma_wait3A_935 = arith.constant 0 : i32
    %dma_wait3A_936 = tpu.memref_slice %arg3[%dma_wait3A_934, %dma_wait3A_935] : memref<5000x896xf32, #tpu.memory_space<hbm>> -> memref<5000x896xf32, #tpu.memory_space<hbm>>
    %dma_wait3A_937 = tpu.memref_slice %arg7[%dma_wait3A_927] : memref<4x!tpu.dma_semaphore, #tpu.memory_space<semaphore_mem>> -> memref<1x!tpu.dma_semaphore, #tpu.memory_space<semaphore_mem>>
    %dma_wait3A_938 = tpu.memref_squeeze %dma_wait3A_937 : memref<1x!tpu.dma_semaphore, #tpu.memory_space<semaphore_mem>> -> memref<!tpu.dma_semaphore, #tpu.memory_space<semaphore_mem>>
    tpu.wait_indirect_dma semaphore(%dma_wait3A_938 : memref<!tpu.dma_semaphore, #tpu.memory_space<semaphore_mem>>) src(%dma_wait3A_936 : memref<5000x896xf32, #tpu.memory_space<hbm>>) dst(%dma_wait3A_931 : memref<32x896xf32, #tpu.memory_space<vmem>>)
    %add3A_939 = arith.constant 480 : i32
    %add3A_940 = arith.addi %mul3A_2, %add3A_939 : i32
    %dma_start3A_941 = arith.constant 3 : i32
    %dma_start3A_942 = arith.constant 3 : i32
    %dma_start3A_943 = arith.constant 0 : i32
    %dma_start3A_944 = arith.constant 0 : i32
    %dma_start3A_945 = tpu.memref_slice %arg6[%dma_start3A_941, %dma_start3A_943, %dma_start3A_944] : memref<4x32x896xf32, #tpu.memory_space<vmem>> -> memref<1x32x896xf32, #tpu.memory_space<vmem>>
    %dma_start3A_946 = tpu.memref_squeeze %dma_start3A_945 : memref<1x32x896xf32, #tpu.memory_space<vmem>> -> memref<32x896xf32, #tpu.memory_space<vmem>>
    %dma_start3A_947 = arith.constant 0 : i32
    %dma_start3A_948 = tpu.memref_slice %arg4[%add3A_940, %dma_start3A_947] : memref<16384x896xf32, #tpu.memory_space<hbm>> -> memref<32x896xf32, #tpu.memory_space<hbm>>
    %dma_start3A_949 = tpu.memref_slice %arg8[%dma_start3A_942] : memref<4x!tpu.dma_semaphore, #tpu.memory_space<semaphore_mem>> -> memref<1x!tpu.dma_semaphore, #tpu.memory_space<semaphore_mem>>
    %dma_start3A_950 = tpu.memref_squeeze %dma_start3A_949 : memref<1x!tpu.dma_semaphore, #tpu.memory_space<semaphore_mem>> -> memref<!tpu.dma_semaphore, #tpu.memory_space<semaphore_mem>>
    %dma_start3A_951 = arith.constant 0 : i32
    %dma_start3A_952 = tpu.memref_slice %arg4[%add3A_940, %dma_start3A_951] : memref<16384x896xf32, #tpu.memory_space<hbm>> -> memref<32x896xf32, #tpu.memory_space<hbm>>
    %dma_start3A_953 = arith.constant 0 : i32
    %dma_start3A_954 = arith.constant 0 : i32
    %dma_start3A_955 = tpu.memref_slice %arg6[%dma_start3A_941, %dma_start3A_953, %dma_start3A_954] : memref<4x32x896xf32, #tpu.memory_space<vmem>> -> memref<1x32x896xf32, #tpu.memory_space<vmem>>
    %dma_start3A_956 = tpu.memref_squeeze %dma_start3A_955 : memref<1x32x896xf32, #tpu.memory_space<vmem>> -> memref<32x896xf32, #tpu.memory_space<vmem>>
    tpu.enqueue_dma source(%dma_start3A_956 : memref<32x896xf32, #tpu.memory_space<vmem>>) target(%dma_start3A_952 : memref<32x896xf32, #tpu.memory_space<hbm>>) target_semaphore(%dma_start3A_950 : memref<!tpu.dma_semaphore, #tpu.memory_space<semaphore_mem>>)
    %add3A_957 = arith.constant 448 : i32
    %add3A_958 = arith.addi %mul3A_2, %add3A_957 : i32
    %dma_wait3A_959 = arith.constant 2 : i32
    %dma_wait3A_960 = arith.constant 2 : i32
    %dma_wait3A_961 = arith.constant 0 : i32
    %dma_wait3A_962 = arith.constant 0 : i32
    %dma_wait3A_963 = tpu.memref_slice %arg6[%dma_wait3A_959, %dma_wait3A_961, %dma_wait3A_962] : memref<4x32x896xf32, #tpu.memory_space<vmem>> -> memref<1x32x896xf32, #tpu.memory_space<vmem>>
    %dma_wait3A_964 = tpu.memref_squeeze %dma_wait3A_963 : memref<1x32x896xf32, #tpu.memory_space<vmem>> -> memref<32x896xf32, #tpu.memory_space<vmem>>
    %dma_wait3A_965 = arith.constant 0 : i32
    %dma_wait3A_966 = tpu.memref_slice %arg4[%add3A_958, %dma_wait3A_965] : memref<16384x896xf32, #tpu.memory_space<hbm>> -> memref<32x896xf32, #tpu.memory_space<hbm>>
    %dma_wait3A_967 = tpu.memref_slice %arg8[%dma_wait3A_960] : memref<4x!tpu.dma_semaphore, #tpu.memory_space<semaphore_mem>> -> memref<1x!tpu.dma_semaphore, #tpu.memory_space<semaphore_mem>>
    %dma_wait3A_968 = tpu.memref_squeeze %dma_wait3A_967 : memref<1x!tpu.dma_semaphore, #tpu.memory_space<semaphore_mem>> -> memref<!tpu.dma_semaphore, #tpu.memory_space<semaphore_mem>>
    %dma_wait3A_969 = arith.constant 0 : i32
    %dma_wait3A_970 = tpu.memref_slice %arg4[%add3A_958, %dma_wait3A_969] : memref<16384x896xf32, #tpu.memory_space<hbm>> -> memref<32x896xf32, #tpu.memory_space<hbm>>
    %dma_wait3A_971 = arith.constant 0 : i32
    %dma_wait3A_972 = arith.constant 0 : i32
    %dma_wait3A_973 = tpu.memref_slice %arg6[%dma_wait3A_959, %dma_wait3A_971, %dma_wait3A_972] : memref<4x32x896xf32, #tpu.memory_space<vmem>> -> memref<1x32x896xf32, #tpu.memory_space<vmem>>
    %dma_wait3A_974 = tpu.memref_squeeze %dma_wait3A_973 : memref<1x32x896xf32, #tpu.memory_space<vmem>> -> memref<32x896xf32, #tpu.memory_space<vmem>>
    tpu.wait_dma2 semaphore(%dma_wait3A_968 : memref<!tpu.dma_semaphore, #tpu.memory_space<semaphore_mem>>) src(%dma_wait3A_974 : memref<32x896xf32, #tpu.memory_space<vmem>>) dst(%dma_wait3A_970 : memref<32x896xf32, #tpu.memory_space<hbm>>)
    %add3A_975 = arith.constant 480 : i32
    %add3A_976 = arith.addi %mul3A_2, %add3A_975 : i32
    %dma_wait3A_977 = arith.constant 3 : i32
    %dma_wait3A_978 = arith.constant 3 : i32
    %dma_wait3A_979 = arith.constant 0 : i32
    %dma_wait3A_980 = arith.constant 0 : i32
    %dma_wait3A_981 = tpu.memref_slice %arg6[%dma_wait3A_977, %dma_wait3A_979, %dma_wait3A_980] : memref<4x32x896xf32, #tpu.memory_space<vmem>> -> memref<1x32x896xf32, #tpu.memory_space<vmem>>
    %dma_wait3A_982 = tpu.memref_squeeze %dma_wait3A_981 : memref<1x32x896xf32, #tpu.memory_space<vmem>> -> memref<32x896xf32, #tpu.memory_space<vmem>>
    %dma_wait3A_983 = arith.constant 0 : i32
    %dma_wait3A_984 = tpu.memref_slice %arg4[%add3A_976, %dma_wait3A_983] : memref<16384x896xf32, #tpu.memory_space<hbm>> -> memref<32x896xf32, #tpu.memory_space<hbm>>
    %dma_wait3A_985 = tpu.memref_slice %arg8[%dma_wait3A_978] : memref<4x!tpu.dma_semaphore, #tpu.memory_space<semaphore_mem>> -> memref<1x!tpu.dma_semaphore, #tpu.memory_space<semaphore_mem>>
    %dma_wait3A_986 = tpu.memref_squeeze %dma_wait3A_985 : memref<1x!tpu.dma_semaphore, #tpu.memory_space<semaphore_mem>> -> memref<!tpu.dma_semaphore, #tpu.memory_space<semaphore_mem>>
    %dma_wait3A_987 = arith.constant 0 : i32
    %dma_wait3A_988 = tpu.memref_slice %arg4[%add3A_976, %dma_wait3A_987] : memref<16384x896xf32, #tpu.memory_space<hbm>> -> memref<32x896xf32, #tpu.memory_space<hbm>>
    %dma_wait3A_989 = arith.constant 0 : i32
    %dma_wait3A_990 = arith.constant 0 : i32
    %dma_wait3A_991 = tpu.memref_slice %arg6[%dma_wait3A_977, %dma_wait3A_989, %dma_wait3A_990] : memref<4x32x896xf32, #tpu.memory_space<vmem>> -> memref<1x32x896xf32, #tpu.memory_space<vmem>>
    %dma_wait3A_992 = tpu.memref_squeeze %dma_wait3A_991 : memref<1x32x896xf32, #tpu.memory_space<vmem>> -> memref<32x896xf32, #tpu.memory_space<vmem>>
    tpu.wait_dma2 semaphore(%dma_wait3A_986 : memref<!tpu.dma_semaphore, #tpu.memory_space<semaphore_mem>>) src(%dma_wait3A_992 : memref<32x896xf32, #tpu.memory_space<vmem>>) dst(%dma_wait3A_988 : memref<32x896xf32, #tpu.memory_space<hbm>>)
    return
  }
}

module attributes {stable_mosaic.version = 14 : i64} {
  func.func @_tr_body(%arg0: i32, %arg1: i32, %arg2: memref<8192x256xf32, #tpu.memory_space<vmem>>, %arg3: memref<256x8192xf32, #tpu.memory_space<vmem>>) attributes {dimension_semantics = [#tpu.dimension_semantics<arbitrary>, #tpu.dimension_semantics<arbitrary>], iteration_bounds = array<i64: 2, 4>, scalar_prefetch = 0 : i64, scratch_operands = 0 : i64, tpu.core_type = #tpu.core_type<tc>, window_params = [{transform_indices = @transform_0, window_bounds = array<i64: 8192, 256>}, {transform_indices = @transform_1, window_bounds = array<i64: 256, 8192>}]} {
    %get3A = arith.constant 0 : index
    %get3A_0 = arith.constant 0 : index
    %get3A_1 = vector.load %arg2[%get3A, %get3A_0] : memref<8192x256xf32, #tpu.memory_space<vmem>>, vector<8192x256xf32>
    %transpose3A = tpu.transpose %get3A_1, [1, 0] : vector<8192x256xf32> -> vector<256x8192xf32>
    %swap3A = arith.constant 0 : index
    %swap3A_2 = arith.constant 0 : index
    %swap3A_3 = vector.load %arg3[%swap3A, %swap3A_2] : memref<256x8192xf32, #tpu.memory_space<vmem>>, vector<256x8192xf32>
    tpu.vector_store %arg3[%swap3A, %swap3A_2], %transpose3A {strides = array<i32>} : memref<256x8192xf32, #tpu.memory_space<vmem>>, vector<256x8192xf32>,
    return
  }
  func.func @transform_0(%arg0: i32, %arg1: i32) -> (i32, i32) {
    %c0_i32 = arith.constant 0 : i32
    return %arg0, %arg1 : i32, i32
  }
  func.func @transform_1(%arg0: i32, %arg1: i32) -> (i32, i32) {
    %c0_i32 = arith.constant 0 : i32
    return %arg1, %arg0 : i32, i32
  }
}

module attributes {stable_mosaic.version = 14 : i64} {
  func.func @_tr_body(%arg0: i32, %arg1: memref<128x5000xf32, #tpu.memory_space<vmem>>, %arg2: memref<5000x128xf32, #tpu.memory_space<vmem>>) attributes {dimension_semantics = [#tpu.dimension_semantics<arbitrary>], iteration_bounds = array<i64: 7>, scalar_prefetch = 0 : i64, scratch_operands = 0 : i64, tpu.core_type = #tpu.core_type<tc>, window_params = [{transform_indices = @transform_0, window_bounds = array<i64: 128, 5000>}, {transform_indices = @transform_1, window_bounds = array<i64: 5000, 128>}]} {
    %get3A = arith.constant 0 : index
    %get3A_0 = arith.constant 0 : index
    %get3A_1 = vector.load %arg1[%get3A, %get3A_0] : memref<128x5000xf32, #tpu.memory_space<vmem>>, vector<128x5000xf32>
    %transpose3A = tpu.transpose %get3A_1, [1, 0] : vector<128x5000xf32> -> vector<5000x128xf32>
    %swap3A = arith.constant 0 : index
    %swap3A_2 = arith.constant 0 : index
    %swap3A_3 = vector.load %arg2[%swap3A, %swap3A_2] : memref<5000x128xf32, #tpu.memory_space<vmem>>, vector<5000x128xf32>
    tpu.vector_store %arg2[%swap3A, %swap3A_2], %transpose3A {strides = array<i32>} : memref<5000x128xf32, #tpu.memory_space<vmem>>, vector<5000x128xf32>,
    return
  }
  func.func @transform_0(%arg0: i32) -> (i32, i32) {
    %c0_i32 = arith.constant 0 : i32
    %c0_i32_0 = arith.constant 0 : i32
    return %arg0, %c0_i32 : i32, i32
  }
  func.func @transform_1(%arg0: i32) -> (i32, i32) {
    %c0_i32 = arith.constant 0 : i32
    %c0_i32_0 = arith.constant 0 : i32
    return %c0_i32, %arg0 : i32, i32
  }
}

</mosaic_0001>

<sc_bundles>
// kernel: kernel.5.cloned.1.call-start
scs
__scs_entry_jumppad:
0x0: {  	(pc) =	sbr.rel $0x88, $3  }
0x1: {  	(tag) =	ssettag $0x0;
	lr =	simm.s32 $0x1  }
0x2: {  	[smem:$0x3F9F] =	sst lr;
	_ =	strace $0xD0000000  }
0x3: {  	_ = 	snop  }
0x4: {  	_ = 	snop  }
0x5: {  	_ = 	snop  }
0x6: {  	_ = 	snop  }
0x7: {  	_ = 	snop  }
__scs_overlays_trampoline_lowered:
0x8: {  	[smem:$0x3FAE] =	sst s0  }
0x9: {  	[smem:$0x3FAF] =	sst s1  }
0xa: {  	[smem:$0x3FB0] =	sst s2  }
0xb: {  	[smem:$0x3FB1] =	sst s3  }
0xc: {  	[smem:$0x3FB2] =	sst s4  }
0xd: {  	[smem:$0x3FB3] =	sst s5  }
0xe: {  	[smem:$0x3FB4] =	sst s6  }
0xf: {  	[smem:$0x3FB5] =	sst s7  }
0x10: {  	[smem:$0x3FB6] =	sst s8  }
0x11: {  	[smem:$0x3FB7] =	sst s9;
	s0 =	simm.s32 @!p0 $0x0  }
0x12: {  	s1 =	sld [smem:$0x3F9D];
	s0 =	simm.s32 @p0 $0x1  }
0x13: {  	[smem:$0x3FB8] =	sst s0;
	s0 =	simm.s32 @!p1 $0x0  }
0x14: {  	s2 =	sld [smem:$0x3F9C];
	s0 =	simm.s32 @p1 $0x1  }
0x15: {  	[smem:$0x3FB9] =	sst s0;
	s0 =	simm.s32 @!p2 $0x0  }
0x16: {  	s3 =	sld [smem:$0x3FDB];
	s0 =	simm.s32 @p2 $0x1  }
0x17: {  	s4 =	simm.s32 $0x1BF5;
	[smem:$0x3FBB] =	sst s0  }
0x18: {  	s0 =	sld [smem:$0x3F9E];
	_ =	swait.ge [sflag:s4], $0x0  }
0x19: {  	s7 =	sld [smem:$0x3F9F]  }
0x1a: {  	s8 =	sadd.s32 $0xFFFFE003, lr  }
0x1b: {  	s9 =	sadd.s32 $0xFFFFFEF7, lr;
	s5 =	simm.s32 $0xFFFFFFFF;
	p2 =	slt.u32 s8, $0xFFFFF086  }
0x1c: {  	p1 =	slt.u32 s9, $0xF7A;
	s5 =	simm.s32 @!p2 $0x0  }
0x1d: {  	s5 =	simm.s32 @p1 $0x1;
	p0 =	seq.s32 s7, s2  }
0x1e: {  	s7 =	smul.u32 @!p0 $0xF7A, s2;
	p2 =	seq.s32 @!p0 s5, $0x0  }
0x1f: {  	s9 =	smul.u32 $0xF7A, s1;
	s8 =	simm.s32 @!p0 $0x1BF5;
	p2 =	por !p2, p0  }
0x20: {  	[sflag:s8] =	ssyncset.s32 @!p0 $0xFFFFF086;
	s6 =	sadd.s32 @!p0 s3, s7;
	s7 =	simm.s32 @!p0 $0x108  }
0x21: {  	s3 =	sadd.s32 s3, s9;
	s6 =	sadd.s32 @!p0 $0x88, s6;
	s7 =	simm.s32 @p2 $0x1082  }
0x22: {  	[simem:s7], [sflag:s8] =	dma.local @!p0 [hbm:s6], $0xF7A  }
0x23: {  	s9 =	sor.u32 $0xD0000000, s2;
	s6 =	simm.s32 $0x108;
	_ =	swait.ge @!p0 [sflag:s8], $0x0  }
0x24: {  	s3 =	sadd.s32 $0x88, s3;
	s6 =	simm.s32 @!p1 $0x1082;
	[sflag:s4] =	ssyncset.s32 $0xFFFFF086  }
0x25: {  	[simem:s6], [sflag:s4] =	dma.local [hbm:s3], $0xF7A  }
0x26: {  	[smem:$0x3F9F] =	sst s1;
	(tag) =	ssettag s2;
	_ =	strace s9  }
0x27: {  	s1 =	sld [smem:$0x3FAF]  }
0x28: {  	s2 =	sld [smem:$0x3FB0]  }
0x29: {  	s4 =	sld [smem:$0x3FB2]  }
0x2a: {  	p0 =	seq.s32 s5, $0x0;
	s5 =	sld [smem:$0x3FB3]  }
0x2b: {  	s6 =	sld [smem:$0x3FB4]  }
0x2c: {  	s7 =	sld [smem:$0x3FB5]  }
0x2d: {  	s3 =	simm.s32 $0x108;
	s8 =	sld [smem:$0x3FB6]  }
0x2e: {  	s3 =	simm.s32 @!p0 $0x1082;
	s9 =	sld [smem:$0x3FB7]  }
0x2f: {  	lr =	sadd.s32 s0, s3;
	s0 =	sld [smem:$0x3FAE]  }
0x30: {  	s3 =	sld [smem:$0x3FB1]  }
0x31: {  	[smem:$0x3FBA] =	sst s10  }
0x32: {  	s10 =	sld [smem:$0x3FB8];
	_ =	sdelay $0x3  }
0x33: {  	p0 =	seq.s32 s10, $0x1;
	s10 =	sld [smem:$0x3FBA];
	_ =	sdelay $0x3  }
0x34: {  	[smem:$0x3FBA] =	sst s10  }
0x35: {  	s10 =	sld [smem:$0x3FB9];
	_ =	sdelay $0x3  }
0x36: {  	p1 =	seq.s32 s10, $0x1;
	s10 =	sld [smem:$0x3FBA];
	_ =	sdelay $0x3  }
0x37: {  	[smem:$0x3FBA] =	sst s10  }
0x38: {  	s10 =	sld [smem:$0x3FBB]  }
0x39: {  	_ = 	snop;
	(pc) =	sbr.ind lr, $3  }
0x3a: {  	_ = 	snop  }
0x3b: {  	_ = 	snop  }
0x3c: {  	p2 =	seq.s32 s10, $0x1;
	s10 =	sld [smem:$0x3FBA]  }
0x3d: {  	_ =	shalt  }
0x3e: {  	_ =	shalt  }
0x3f: {  	_ =	shalt  }
0x40: {  	_ =	shalt  }
0x41: {  	_ =	shalt  }
0x42: {  	_ =	shalt  }
0x43: {  	_ =	shalt  }
0x44: {  	_ =	shalt  }
0x45: {  	_ =	shalt  }
0x46: {  	_ =	shalt  }
0x47: {  	_ =	shalt  }
0x48: {  	_ =	shalt  }
0x49: {  	_ =	shalt  }
0x4a: {  	_ =	shalt  }
0x4b: {  	_ =	shalt  }
0x4c: {  	_ =	shalt  }
0x4d: {  	_ =	shalt  }
0x4e: {  	_ =	shalt  }
0x4f: {  	_ =	shalt  }
0x50: {  	_ =	shalt  }
0x51: {  	_ =	shalt  }
0x52: {  	_ =	shalt  }
0x53: {  	_ =	shalt  }
0x54: {  	_ =	shalt  }
0x55: {  	_ =	shalt  }
0x56: {  	_ =	shalt  }
0x57: {  	_ =	shalt  }
0x58: {  	_ =	shalt  }
0x59: {  	_ =	shalt  }
0x5a: {  	_ =	shalt  }
0x5b: {  	_ =	shalt  }
0x5c: {  	_ =	shalt  }
0x5d: {  	_ =	shalt  }
0x5e: {  	_ =	shalt  }
0x5f: {  	_ =	shalt  }
0x60: {  	_ =	shalt  }
0x61: {  	_ =	shalt  }
0x62: {  	_ =	shalt  }
0x63: {  	_ =	shalt  }
0x64: {  	_ =	shalt  }
0x65: {  	_ =	shalt  }
0x66: {  	_ =	shalt  }
0x67: {  	_ =	shalt  }
0x68: {  	_ =	shalt  }
0x69: {  	_ =	shalt  }
0x6a: {  	_ =	shalt  }
0x6b: {  	_ =	shalt  }
0x6c: {  	_ =	shalt  }
0x6d: {  	_ =	shalt  }
0x6e: {  	_ =	shalt  }
0x6f: {  	_ =	shalt  }
0x70: {  	_ =	shalt  }
0x71: {  	_ =	shalt  }
0x72: {  	_ =	shalt  }
0x73: {  	_ =	shalt  }
0x74: {  	_ =	shalt  }
0x75: {  	_ =	shalt  }
0x76: {  	_ =	shalt  }
0x77: {  	_ =	shalt  }
0x78: {  	_ =	shalt  }
0x79: {  	_ =	shalt  }
0x7a: {  	_ =	shalt  }
0x7b: {  	_ =	shalt  }
0x7c: {  	_ =	shalt  }
0x7d: {  	_ =	shalt  }
0x7e: {  	_ =	shalt  }
0x7f: {  	_ =	shalt  }
0x80: {  	_ =	shalt  }
0x81: {  	_ =	shalt  }
0x82: {  	_ =	shalt  }
0x83: {  	_ =	shalt  }
0x84: {  	_ =	shalt  }
0x85: {  	_ =	shalt  }
0x86: {  	_ =	shalt  }
0x87: {  	_ =	shalt  }
.Lfunc_end0:
.L_simem_size_0:
called_computation_lowered:
.L_overlay_start_0:
0x88: {  	s2 =	sld [smem:$0x3FD9]  }
0x89: {  	s3 =	sld [smem:$0x3FFE];
	_ =	sdelay $0x1  }
0x8a: {  	s1 =	srdreg.scid  }
0x8b: {  	s0 =	sand.u32 $0x1, s1  }
0x8c: {  	s17 =	sshll.u32 s0, $0xA;
	s2 =	sadd.s32 s3, s2  }
0x8d: {  	s2 =	sadd.s32 s2, s17  }
0x8e: {  	[smem:$0x3FC6] =	sst s2  }
0x8f: {  	_ = 	snop  }
0x90: {  	s2 =	sld [smem:$0x3FD0];
	(tm) =	ssettm $0x1  }
0x91: {  	s18 =	sld [smem:$0x3FFB];
	_ =	sdelay $0x3  }
0x92: {  	_ =	strace s18  }
0x93: {  	s3 =	sld [smem:$0x3FFC];
	_ =	sdelay $0x3  }
0x94: {  	_ =	strace s3  }
0x95: {  	s3 =	sld [smem:$0x3FFD];
	_ =	sdelay $0x3  }
0x96: {  	_ =	strace s3  }
0x97: {  	_ =	strace $0x8FFFFFFF  }
0x98: {  	s19 =	sld [smem:$0x3FDB];
	_ =	sdelay $0x1  }
0x99: {  	s4 =	simm.s32 $_scs_section_size  }
0x9a: {  	s5 =	simm.s32 $_size__tile_overlayer_lowered;
	s6 =	simm.s32 $_tile_overlayer_lowered  }
0x9b: {  	s22 =	simm.s32 $0x1BFF;
	s21 =	sshll.u32 s6, $0x1;
	s3 =	sadd.s32 s4, s19  }
0x9c: {  	s7 =	simm.s32 $0x0;
	s20 =	sshll.u32 s5, $0x1;
	s5 =	sadd.s32 s21, s3  }
0x9d: {  	[timem:s7], [sflag:s22] =	dma.local [hbm:s5], s20  }
0x9e: {  	_ =	swait.ge [sflag:s22], s20  }
0x9f: {  	s4 =	ssub.s32 $0x0, s20;
	[sflag:s22] =	ssyncset.done $0x0  }
0xa0: {  	[sflag:s22] =	ssyncadd.s32 s4;
	_ =	sdelay $0x1  }
0xa1: {  	s23 =	simm.s32 $0x1B8B  }
0xa2: {  	_ =	swait.ge [sflag:s23], $0x1  }
0xa3: {  	[sflag:s23] =	ssyncset.done $0x0  }
0xa4: {  	s25 =	simm.s32 $0x1B8E;
	s24 =	sld [smem:$0x3FFE];
	[sflag:s23] =	ssyncadd.s32 $0xFFFFFFFF  }
0xa5: {  	s26 =	simm.s32 $execute0_lowered;
	[smem:$0x3FD2] =	sst s25  }
0xa6: {  	s5 =	sshll.u32 s26, $0x1;
	_ =	strace $0x80000046;
	[dreg:$0x1] =	wrdreg $0xFFFFFFFF  }
0xa7: {  	s28 =	simm.s32 $_size_execute0_lowered;
	s3 =	sadd.s32 s3, s5;
	[dreg:$0x0] =	wrdreg $0x0  }
0xa8: {  	s5 =	sshll.u32 s28, $0x1;
	[dreg:$0x2] =	wrdreg s3  }
0xa9: {  	[dreg:$0x3] =	wrdreg s5  }
0xaa: {  	[dreg:$0x4] =	wrdreg $0xC0  }
0xab: {  	_ =	task [dreg:s7], $0x5FFFF  }
0xac: {  	[dreg:$0x1] =	wrdreg $0xFFFFFFFF  }
0xad: {  	[dreg:$0x0] =	wrdreg $0x60  }
0xae: {  	[dreg:$0x2] =	wrdreg s24  }
0xaf: {  	[dreg:$0x3] =	wrdreg s2  }
0xb0: {  	[dreg:$0x4] =	wrdreg $0x9  }
0xb1: {  	_ =	task.clear_ibuf [dreg:s7], $0x5FFFF;
	_ =	strace $0x90000046  }
0xb2: {  	s29 =	simm.s32 $0x9;
	_ =	strace $0x80000048  }
0xb3: {  	_ =	swait.ge [sflag:s29], $0x1  }
0xb4: {  	[sflag:s29] =	ssyncadd.s32 $0xFFFFFFFF  }
0xb5: {  	_ =	strace $0x90000048  }
0xb6: {  	_ =	sfence  }
0xb7: {  	s30 =	sld [smem:$0x0];
	_ =	sdelay $0x2  }
0xb8: {  	s31 =	sshll.u32 s1, $0xD;
	s1 =	sshrl.u32 s1, $0x2  }
0xb9: {  	s3 =	sand.u32 $0x4000, s31;
	s1 =	sadd.s32 s1, s30  }
0xba: {  	s0 =	sor.u32 s3, s0;
	s1 =	sshll.u32 s1, $0x11  }
0xbb: {  	s0 =	sor.u32 s1, s0  }
0xbc: {  	s0 =	sadd.s32 $0x8F2B, s0  }
0xbd: {  	[sflag:s0] =	ssyncadd.remote.s32 $0x1  }
0xbe: {  	_ =	sfence.sel $0xFFFF  }
0xbf: {  	[dreg:$0x0] =	wrdreg $0xFFFFFFFF;
	(pc) =	sbr.abs _section_cstart, $3  }
0xc0: {  	[dreg:$0x1] =	wrdreg $0xFFFFFFFF  }
0xc1: {  	_ =	task.clear_ibuf [dreg:s7], $0x2FFFF;
	_ =	strace $0x9FFFFFFF  }
0xc2: {  	(tm) =	ssettm $0x7FFFFFFF  }
0xc3: {  	_ =	shalt  }
tec
execute0_lowered:
.L_overlay_start_1:
0x0: {  	(tag) =	ssettag $0x1  }
0x1: {  	s0 =	rddreg [dreg:$0x0]  }
0x2: {  	s2 =	rddreg [dreg:$0x1];
	s5 =	stileid.u32  }
0x3: {  	s1 =	srdreg.scid;
	s3 =	simm.s32 $0x0;
	s29 =	simm.s32 $0x80  }
0x4: {  	s30 =	simm.s32 $0x400;
	s1 =	sand.u32 $0x1, s1;
	s4 =	sshll.u32 s5, $0x1  }
0x5: {  	s5 =	sshll.u32 s5, $0x7;
	[smem:$0x7FF] =	sst s3;
	s4 =	sor.u32 s1, s4  }
0x6: {  	s5 =	sand.u32 $0x600, s5;
	_ =	strace $0x80000047;
	[dreg:$0x13] =	wrdreg s29  }
0x7: {  	[dreg:$0x14] =	wrdreg s30;
	s6 =	sshll.u32 s4, $0x4;
	s7 =	smul.u32 $0xE000, s4  }
0x8: {  	s5 =	sadd.s32 s5, s0;
	s0 =	sadd.s32 $0xE00, s0;
	s6 =	sand.u32 $0x70, s6  }
0x9: {  	s4 =	smul.u32 $0x70000, s4;
	s5 =	sadd.s32 s6, s5;
	s12 =	sadd.s32 s0, s7  }
0xa: {  	s5 =	sadd.s32 $0x600, s5;
	[dreg:$0x15] =	wrdreg s12  }
0xb: {  	s4 =	sshrl.u32 s4, $0x3;
	s13 =	sadd.s32 $0xE00, s12;
	[dreg:$0x3] =	wrdreg s5  }
0xc: {  	s14 =	sadd.s32 $0x1C00, s12;
	s0 =	sadd.s32 s0, s4;
	[dreg:$0x4] =	wrdreg s13  }
0xd: {  	s11 =	simm.s32 $0x1;
	[dreg:$0x5] =	wrdreg s14;
	s4 =	sadd.s32 $0x2A00, s0  }
0xe: {  	s31 =	simm.s32 $0x2;
	s15 =	sadd.s32 $0x3800, s0;
	[dreg:$0x6] =	wrdreg s4  }
0xf: {  	s9 =	simm.s32 $0x4;
	s16 =	sadd.s32 $0x4600, s0;
	[dreg:$0x7] =	wrdreg s15  }
0x10: {  	s28 =	simm.s32 $0x7200;
	s17 =	sadd.s32 $0x5400, s0;
	[dreg:$0x8] =	wrdreg s16  }
0x11: {  	s1 =	ssub.s32 $0x2, s1;
	s18 =	sadd.s32 $0x6200, s0;
	[dreg:$0x9] =	wrdreg s17  }
0x12: {  	s24 =	sshrl.u32 s1, $0x1;
	s19 =	sadd.s32 $0x7000, s0;
	[dreg:$0xa] =	wrdreg s18  }
0x13: {  	s1 =	ssub.s32 s1, s24;
	s20 =	sadd.s32 $0x7E00, s0;
	[dreg:$0xb] =	wrdreg s19  }
0x14: {  	s6 =	sadd.s32 $0x200, s2;
	s21 =	sadd.s32 $0x8C00, s0;
	[dreg:$0xc] =	wrdreg s20  }
0x15: {  	s7 =	sadd.s32 $0x300, s2;
	s22 =	sadd.s32 $0x9A00, s0;
	[dreg:$0xd] =	wrdreg s21  }
0x16: {  	s8 =	smax.u32 s1, $0x1;
	s23 =	sadd.s32 $0xA800, s0;
	[dreg:$0xe] =	wrdreg s22  }
0x17: {  	s1 =	simm.s32 $0x3;
	s25 =	sadd.s32 $0xB600, s0;
	[dreg:$0xf] =	wrdreg s23  }
0x18: {  	s26 =	sadd.s32 $0xC400, s0;
	s5 =	sadd.s32 $0x100, s2;
	[dreg:$0x10] =	wrdreg s25  }
0x19: {  	v2 =	vlaneseq.u32;
	s0 =	sadd.s32 $0xD200, s0;
	s13 =	simm.s32 $0x7;
	[dreg:$0x11] =	wrdreg s26  }
0x1a: {  	vm0 =	vmmov $0xffff;
	vm1 =	vmmov $0xff;
	v1 =	vshrl.u32 v2, $0x3;
	s14 =	simm.s32 $0x8;
	[dreg:$0x12] =	wrdreg s0;
	s0 =	simm.s32 $0x5  }
0x1b: {  	v0 =	vand.u32 $0x7, v2;
	v2 =	vor.u32 $0x8, v2;
	v1 =	vmul.u32 $0x8, v1;
	s4 =	simm.s32 $0x6;
	s26 =	simm.s32 $0x200;
	s25 =	simm.s32 $0xE200  }
.LBB2_1:
0x1c: {  	s15 =	rddreg [dreg:$0x3]  }
0x1d: {  	s16 =	rddreg [dreg:$0x13]  }
0x1e: {  	s17 =	rddreg [dreg:$0x14];
	s21 =	simm.s32 $0x9  }
0x1f: {  	[tilespmem:s3], [sflag:$0x9] =	stream.strided.gather [hbm4b:s15+s16], $0x200, s17, s16, $0x38;
	[tilespmem:$0x1C200] =	vst v63  }
0x20: {  	_ =	swait.ge [sflag:s21], $0x200  }
0x21: {  	[sflag:s21] =	ssyncset.done $0x0  }
0x22: {  	[sflag:s21] =	ssyncadd.s32 $0xFFFFFE00  }
0x23: {  	v3 =	vld [tilespmem:$0x0];
	_ =	sdelay $0x4  }
0x24: {  	v4 =	vshrl.u32 v3, $0x3  }
0x25: {  	v4 =	vmul.u32 $0x38, v4  }
0x26: {  	v3 =	vand.u32 $0x7, v3  }
0x27: {  	v3 =	vor.u32 v3, v4  }
0x28: {  	v4 =	vperm.xlane v3, v0;
	_ =	sdelay $0x1  }
0x29: {  	v4 =	vadd.s32 v1, v4;
	_ =	sdelay $0x4  }
0x2a: {  	[tilespmem:s26], [sflag:$0x1] =	stream.indirect_vreg.gather [hbm4b:s2+s3], $0x80, v4, vm0, $0xb8;
	[tilespmem:$0x1C200] =	vst v63  }
0x2b: {  	s10 =	simm.s32 $0xA00;
	v3 =	vperm.xlane v3, v2  }
0x2c: {  	[tilespmem:s10], [sflag:$0x1] =	stream.indirect_vreg.gather [hbm4b:s5+s3], $0x80, v4, vm0, $0xb8;
	[tilespmem:$0x1C200] =	vst v63  }
0x2d: {  	s22 =	simm.s32 $0x1200;
	v3 =	vadd.s32 v1, v3  }
0x2e: {  	[tilespmem:s22], [sflag:$0x1] =	stream.indirect_vreg.gather [hbm4b:s6+s3], $0x80, v4, vm0, $0xb8;
	[tilespmem:$0x1C200] =	vst v63  }
0x2f: {  	s23 =	simm.s32 $0x1A00  }
0x30: {  	[tilespmem:s23], [sflag:$0x1] =	stream.indirect_vreg.gather [hbm4b:s7+s3], $0x80, v4, vm1, $0xb8;
	[tilespmem:$0x1C200] =	vst v63  }
0x31: {  	s24 =	simm.s32 $0x1E00  }
0x32: {  	[tilespmem:s24], [sflag:$0x1] =	stream.indirect_vreg.gather [hbm4b:s2+s3], $0x80, v3, vm0, $0xb8;
	[tilespmem:$0x1C200] =	vst v63  }
0x33: {  	s29 =	simm.s32 $0x2600  }
0x34: {  	[tilespmem:s29], [sflag:$0x1] =	stream.indirect_vreg.gather [hbm4b:s5+s3], $0x80, v3, vm0, $0xb8;
	[tilespmem:$0x1C200] =	vst v63  }
0x35: {  	s30 =	simm.s32 $0x2E00  }
0x36: {  	[tilespmem:s30], [sflag:$0x1] =	stream.indirect_vreg.gather [hbm4b:s6+s3], $0x80, v3, vm0, $0xb8;
	[tilespmem:$0x1C200] =	vst v63  }
0x37: {  	s15 =	simm.s32 $0x3600  }
0x38: {  	[tilespmem:s15], [sflag:$0x1] =	stream.indirect_vreg.gather [hbm4b:s7+s3], $0x80, v3, vm1, $0xb8;
	[tilespmem:$0x1C200] =	vst v63  }
0x39: {  	v3 =	vld [tilespmem:$0x10];
	_ =	sdelay $0x4  }
0x3a: {  	v33 =	vshrl.u32 v3, $0x3  }
0x3b: {  	v4 =	vmul.u32 $0x38, v33  }
0x3c: {  	v3 =	vand.u32 $0x7, v3  }
0x3d: {  	v3 =	vor.u32 v3, v4  }
0x3e: {  	v4 =	vperm.xlane v3, v0;
	_ =	sdelay $0x1  }
0x3f: {  	v4 =	vadd.s32 v1, v4;
	_ =	sdelay $0x3  }
0x40: {  	s16 =	simm.s32 $0x3A00  }
0x41: {  	[tilespmem:s16], [sflag:$0x1] =	stream.indirect_vreg.gather [hbm4b:s2+s3], $0x80, v4, vm0, $0xb8;
	[tilespmem:$0x1C200] =	vst v63  }
0x42: {  	s17 =	simm.s32 $0x4200;
	v3 =	vperm.xlane v3, v2  }
0x43: {  	[tilespmem:s17], [sflag:$0x1] =	stream.indirect_vreg.gather [hbm4b:s5+s3], $0x80, v4, vm0, $0xb8;
	[tilespmem:$0x1C200] =	vst v63  }
0x44: {  	s18 =	simm.s32 $0x4A00;
	v3 =	vadd.s32 v1, v3  }
0x45: {  	[tilespmem:s18], [sflag:$0x1] =	stream.indirect_vreg.gather [hbm4b:s6+s3], $0x80, v4, vm0, $0xb8;
	[tilespmem:$0x1C200] =	vst v63  }
0x46: {  	s19 =	simm.s32 $0x5200  }
0x47: {  	[tilespmem:s19], [sflag:$0x1] =	stream.indirect_vreg.gather [hbm4b:s7+s3], $0x80, v4, vm1, $0xb8;
	[tilespmem:$0x1C200] =	vst v63  }
0x48: {  	s23 =	simm.s32 $0x5600  }
0x49: {  	[tilespmem:s23], [sflag:$0x1] =	stream.indirect_vreg.gather [hbm4b:s2+s3], $0x80, v3, vm0, $0xb8;
	[tilespmem:$0x1C200] =	vst v63  }
0x4a: {  	s24 =	simm.s32 $0x5E00  }
0x4b: {  	[tilespmem:s24], [sflag:$0x1] =	stream.indirect_vreg.gather [hbm4b:s5+s3], $0x80, v3, vm0, $0xb8;
	[tilespmem:$0x1C200] =	vst v63  }
0x4c: {  	s29 =	simm.s32 $0x6600  }
0x4d: {  	[tilespmem:s29], [sflag:$0x1] =	stream.indirect_vreg.gather [hbm4b:s6+s3], $0x80, v3, vm0, $0xb8;
	[tilespmem:$0x1C200] =	vst v63  }
0x4e: {  	s30 =	simm.s32 $0x6E00  }
0x4f: {  	[tilespmem:s30], [sflag:$0x1] =	stream.indirect_vreg.gather [hbm4b:s7+s3], $0x80, v3, vm1, $0xb8;
	[tilespmem:$0x1C200] =	vst v63  }
0x50: {  	v3 =	vld [tilespmem:$0x20];
	_ =	sdelay $0x4  }
0x51: {  	v34 =	vshrl.u32 v3, $0x3  }
0x52: {  	v4 =	vmul.u32 $0x38, v34  }
0x53: {  	v3 =	vand.u32 $0x7, v3  }
0x54: {  	v3 =	vor.u32 v3, v4  }
0x55: {  	v4 =	vperm.xlane v3, v0;
	_ =	sdelay $0x1  }
0x56: {  	v4 =	vadd.s32 v1, v4;
	_ =	sdelay $0x4  }
0x57: {  	[tilespmem:s28], [sflag:$0x2] =	stream.indirect_vreg.gather [hbm4b:s2+s3], $0x80, v4, vm0, $0xb8;
	[tilespmem:$0x1C200] =	vst v63  }
0x58: {  	s10 =	simm.s32 $0x7A00;
	v3 =	vperm.xlane v3, v2  }
0x59: {  	[tilespmem:s10], [sflag:$0x2] =	stream.indirect_vreg.gather [hbm4b:s5+s3], $0x80, v4, vm0, $0xb8;
	[tilespmem:$0x1C200] =	vst v63  }
0x5a: {  	s16 =	simm.s32 $0x8200;
	v3 =	vadd.s32 v1, v3  }
0x5b: {  	[tilespmem:s16], [sflag:$0x2] =	stream.indirect_vreg.gather [hbm4b:s6+s3], $0x80, v4, vm0, $0xb8;
	[tilespmem:$0x1C200] =	vst v63  }
0x5c: {  	s17 =	simm.s32 $0x8A00  }
0x5d: {  	[tilespmem:s17], [sflag:$0x2] =	stream.indirect_vreg.gather [hbm4b:s7+s3], $0x80, v4, vm1, $0xb8;
	[tilespmem:$0x1C200] =	vst v63  }
0x5e: {  	s18 =	simm.s32 $0x8E00  }
0x5f: {  	[tilespmem:s18], [sflag:$0x2] =	stream.indirect_vreg.gather [hbm4b:s2+s3], $0x80, v3, vm0, $0xb8;
	[tilespmem:$0x1C200] =	vst v63  }
0x60: {  	s19 =	simm.s32 $0x9600  }
0x61: {  	[tilespmem:s19], [sflag:$0x2] =	stream.indirect_vreg.gather [hbm4b:s5+s3], $0x80, v3, vm0, $0xb8;
	[tilespmem:$0x1C200] =	vst v63  }
0x62: {  	s23 =	simm.s32 $0x9E00  }
0x63: {  	[tilespmem:s23], [sflag:$0x2] =	stream.indirect_vreg.gather [hbm4b:s6+s3], $0x80, v3, vm0, $0xb8;
	[tilespmem:$0x1C200] =	vst v63  }
0x64: {  	s24 =	simm.s32 $0xA600  }
0x65: {  	[tilespmem:s24], [sflag:$0x2] =	stream.indirect_vreg.gather [hbm4b:s7+s3], $0x80, v3, vm1, $0xb8;
	[tilespmem:$0x1C200] =	vst v63  }
0x66: {  	v3 =	vld [tilespmem:$0x30];
	_ =	sdelay $0x4  }
0x67: {  	v35 =	vshrl.u32 v3, $0x3  }
0x68: {  	v4 =	vmul.u32 $0x38, v35  }
0x69: {  	v3 =	vand.u32 $0x7, v3  }
0x6a: {  	v3 =	vor.u32 v3, v4  }
0x6b: {  	v4 =	vperm.xlane v3, v0;
	_ =	sdelay $0x1  }
0x6c: {  	v4 =	vadd.s32 v1, v4;
	_ =	sdelay $0x3  }
0x6d: {  	s10 =	simm.s32 $0xAA00  }
0x6e: {  	[tilespmem:s10], [sflag:$0x2] =	stream.indirect_vreg.gather [hbm4b:s2+s3], $0x80, v4, vm0, $0xb8;
	[tilespmem:$0x1C200] =	vst v63  }
0x6f: {  	s16 =	simm.s32 $0xB200;
	v3 =	vperm.xlane v3, v2  }
0x70: {  	[tilespmem:s16], [sflag:$0x2] =	stream.indirect_vreg.gather [hbm4b:s5+s3], $0x80, v4, vm0, $0xb8;
	[tilespmem:$0x1C200] =	vst v63  }
0x71: {  	s17 =	simm.s32 $0xBA00;
	v3 =	vadd.s32 v1, v3  }
0x72: {  	[tilespmem:s17], [sflag:$0x2] =	stream.indirect_vreg.gather [hbm4b:s6+s3], $0x80, v4, vm0, $0xb8;
	[tilespmem:$0x1C200] =	vst v63  }
0x73: {  	s18 =	simm.s32 $0xC200  }
0x74: {  	[tilespmem:s18], [sflag:$0x2] =	stream.indirect_vreg.gather [hbm4b:s7+s3], $0x80, v4, vm1, $0xb8;
	[tilespmem:$0x1C200] =	vst v63  }
0x75: {  	s19 =	simm.s32 $0xC600  }
0x76: {  	[tilespmem:s19], [sflag:$0x2] =	stream.indirect_vreg.gather [hbm4b:s2+s3], $0x80, v3, vm0, $0xb8;
	[tilespmem:$0x1C200] =	vst v63  }
0x77: {  	s23 =	simm.s32 $0xCE00  }
0x78: {  	[tilespmem:s23], [sflag:$0x2] =	stream.indirect_vreg.gather [hbm4b:s5+s3], $0x80, v3, vm0, $0xb8;
	[tilespmem:$0x1C200] =	vst v63  }
0x79: {  	s24 =	simm.s32 $0xD600  }
0x7a: {  	[tilespmem:s24], [sflag:$0x2] =	stream.indirect_vreg.gather [hbm4b:s6+s3], $0x80, v3, vm0, $0xb8;
	[tilespmem:$0x1C200] =	vst v63  }
0x7b: {  	s10 =	simm.s32 $0xDE00  }
0x7c: {  	[tilespmem:s10], [sflag:$0x2] =	stream.indirect_vreg.gather [hbm4b:s7+s3], $0x80, v3, vm1, $0xb8;
	[tilespmem:$0x1C200] =	vst v63  }
0x7d: {  	v3 =	vld [tilespmem:$0x40];
	_ =	sdelay $0x4  }
0x7e: {  	v36 =	vshrl.u32 v3, $0x3  }
0x7f: {  	v4 =	vmul.u32 $0x38, v36  }
0x80: {  	v3 =	vand.u32 $0x7, v3  }
0x81: {  	v3 =	vor.u32 v3, v4  }
0x82: {  	v4 =	vperm.xlane v3, v0;
	_ =	sdelay $0x1  }
0x83: {  	v4 =	vadd.s32 v1, v4;
	_ =	sdelay $0x4  }
0x84: {  	[tilespmem:s25], [sflag:$0x3] =	stream.indirect_vreg.gather [hbm4b:s2+s3], $0x80, v4, vm0, $0xb8;
	[tilespmem:$0x1C200] =	vst v63  }
0x85: {  	s16 =	simm.s32 $0xEA00;
	v3 =	vperm.xlane v3, v2  }
0x86: {  	[tilespmem:s16], [sflag:$0x3] =	stream.indirect_vreg.gather [hbm4b:s5+s3], $0x80, v4, vm0, $0xb8;
	[tilespmem:$0x1C200] =	vst v63  }
0x87: {  	s17 =	simm.s32 $0xF200;
	v3 =	vadd.s32 v1, v3  }
0x88: {  	[tilespmem:s17], [sflag:$0x3] =	stream.indirect_vreg.gather [hbm4b:s6+s3], $0x80, v4, vm0, $0xb8;
	[tilespmem:$0x1C200] =	vst v63  }
0x89: {  	s18 =	simm.s32 $0xFA00  }
0x8a: {  	[tilespmem:s18], [sflag:$0x3] =	stream.indirect_vreg.gather [hbm4b:s7+s3], $0x80, v4, vm1, $0xb8;
	[tilespmem:$0x1C200] =	vst v63  }
0x8b: {  	s19 =	simm.s32 $0xFE00  }
0x8c: {  	[tilespmem:s19], [sflag:$0x3] =	stream.indirect_vreg.gather [hbm4b:s2+s3], $0x80, v3, vm0, $0xb8;
	[tilespmem:$0x1C200] =	vst v63  }
0x8d: {  	s23 =	simm.s32 $0x10600  }
0x8e: {  	[tilespmem:s23], [sflag:$0x3] =	stream.indirect_vreg.gather [hbm4b:s5+s3], $0x80, v3, vm0, $0xb8;
	[tilespmem:$0x1C200] =	vst v63  }
0x8f: {  	s24 =	simm.s32 $0x10E00  }
0x90: {  	[tilespmem:s24], [sflag:$0x3] =	stream.indirect_vreg.gather [hbm4b:s6+s3], $0x80, v3, vm0, $0xb8;
	[tilespmem:$0x1C200] =	vst v63  }
0x91: {  	s10 =	simm.s32 $0x11600  }
0x92: {  	[tilespmem:s10], [sflag:$0x3] =	stream.indirect_vreg.gather [hbm4b:s7+s3], $0x80, v3, vm1, $0xb8;
	[tilespmem:$0x1C200] =	vst v63  }
0x93: {  	v3 =	vld [tilespmem:$0x50];
	_ =	sdelay $0x4  }
0x94: {  	v37 =	vshrl.u32 v3, $0x3  }
0x95: {  	v4 =	vmul.u32 $0x38, v37  }
0x96: {  	v3 =	vand.u32 $0x7, v3  }
0x97: {  	v3 =	vor.u32 v3, v4  }
0x98: {  	v4 =	vperm.xlane v3, v0;
	_ =	sdelay $0x1  }
0x99: {  	v4 =	vadd.s32 v1, v4;
	_ =	sdelay $0x3  }
0x9a: {  	s16 =	simm.s32 $0x11A00  }
0x9b: {  	[tilespmem:s16], [sflag:$0x3] =	stream.indirect_vreg.gather [hbm4b:s2+s3], $0x80, v4, vm0, $0xb8;
	[tilespmem:$0x1C200] =	vst v63  }
0x9c: {  	s17 =	simm.s32 $0x12200;
	v3 =	vperm.xlane v3, v2  }
0x9d: {  	[tilespmem:s17], [sflag:$0x3] =	stream.indirect_vreg.gather [hbm4b:s5+s3], $0x80, v4, vm0, $0xb8;
	[tilespmem:$0x1C200] =	vst v63  }
0x9e: {  	s18 =	simm.s32 $0x12A00;
	v3 =	vadd.s32 v1, v3  }
0x9f: {  	[tilespmem:s18], [sflag:$0x3] =	stream.indirect_vreg.gather [hbm4b:s6+s3], $0x80, v4, vm0, $0xb8;
	[tilespmem:$0x1C200] =	vst v63  }
0xa0: {  	s19 =	simm.s32 $0x13200  }
0xa1: {  	[tilespmem:s19], [sflag:$0x3] =	stream.indirect_vreg.gather [hbm4b:s7+s3], $0x80, v4, vm1, $0xb8;
	[tilespmem:$0x1C200] =	vst v63  }
0xa2: {  	s23 =	simm.s32 $0x13600  }
0xa3: {  	[tilespmem:s23], [sflag:$0x3] =	stream.indirect_vreg.gather [hbm4b:s2+s3], $0x80, v3, vm0, $0xb8;
	[tilespmem:$0x1C200] =	vst v63  }
0xa4: {  	s24 =	simm.s32 $0x13E00  }
0xa5: {  	[tilespmem:s24], [sflag:$0x3] =	stream.indirect_vreg.gather [hbm4b:s5+s3], $0x80, v3, vm0, $0xb8;
	[tilespmem:$0x1C200] =	vst v63  }
0xa6: {  	s10 =	simm.s32 $0x14600  }
0xa7: {  	[tilespmem:s10], [sflag:$0x3] =	stream.indirect_vreg.gather [hbm4b:s6+s3], $0x80, v3, vm0, $0xb8;
	[tilespmem:$0x1C200] =	vst v63  }
0xa8: {  	s16 =	simm.s32 $0x14E00  }
0xa9: {  	[tilespmem:s16], [sflag:$0x3] =	stream.indirect_vreg.gather [hbm4b:s7+s3], $0x80, v3, vm1, $0xb8;
	[tilespmem:$0x1C200] =	vst v63  }
0xaa: {  	_ =	swait.ge [sflag:s11], $0x7000  }
0xab: {  	[sflag:s11] =	ssyncset.done $0x0  }
0xac: {  	s17 =	rddreg [dreg:$0x15];
	[sflag:s11] =	ssyncadd.s32 $0xFFFF9000  }
0xad: {  	[hbm4b:s17+s3] =	stream.linear.scatter [tilespmem:s26], [sflag:$0x5], $0x7000, $0x38;
	[tilespmem:$0x1C200] =	vst v63  }
0xae: {  	v3 =	vld [tilespmem:$0x60];
	_ =	sdelay $0x4  }
0xaf: {  	v38 =	vshrl.u32 v3, $0x3  }
0xb0: {  	v4 =	vmul.u32 $0x38, v38  }
0xb1: {  	v3 =	vand.u32 $0x7, v3  }
0xb2: {  	v3 =	vor.u32 v3, v4  }
0xb3: {  	v4 =	vperm.xlane v3, v0;
	_ =	sdelay $0x1  }
0xb4: {  	v4 =	vadd.s32 v1, v4;
	_ =	sdelay $0x3  }
0xb5: {  	s10 =	simm.s32 $0x15200  }
0xb6: {  	[tilespmem:s10], [sflag:$0x4] =	stream.indirect_vreg.gather [hbm4b:s2+s3], $0x80, v4, vm0, $0xb8;
	[tilespmem:$0x1C200] =	vst v63  }
0xb7: {  	s18 =	simm.s32 $0x15A00;
	v3 =	vperm.xlane v3, v2  }
0xb8: {  	[tilespmem:s18], [sflag:$0x4] =	stream.indirect_vreg.gather [hbm4b:s5+s3], $0x80, v4, vm0, $0xb8;
	[tilespmem:$0x1C200] =	vst v63  }
0xb9: {  	s19 =	simm.s32 $0x16200;
	v3 =	vadd.s32 v1, v3  }
0xba: {  	[tilespmem:s19], [sflag:$0x4] =	stream.indirect_vreg.gather [hbm4b:s6+s3], $0x80, v4, vm0, $0xb8;
	[tilespmem:$0x1C200] =	vst v63  }
0xbb: {  	s23 =	simm.s32 $0x16A00  }
0xbc: {  	[tilespmem:s23], [sflag:$0x4] =	stream.indirect_vreg.gather [hbm4b:s7+s3], $0x80, v4, vm1, $0xb8;
	[tilespmem:$0x1C200] =	vst v63  }
0xbd: {  	s24 =	simm.s32 $0x16E00  }
0xbe: {  	[tilespmem:s24], [sflag:$0x4] =	stream.indirect_vreg.gather [hbm4b:s2+s3], $0x80, v3, vm0, $0xb8;
	[tilespmem:$0x1C200] =	vst v63  }
0xbf: {  	s16 =	simm.s32 $0x17600  }
0xc0: {  	[tilespmem:s16], [sflag:$0x4] =	stream.indirect_vreg.gather [hbm4b:s5+s3], $0x80, v3, vm0, $0xb8;
	[tilespmem:$0x1C200] =	vst v63  }
0xc1: {  	s17 =	simm.s32 $0x17E00  }
0xc2: {  	[tilespmem:s17], [sflag:$0x4] =	stream.indirect_vreg.gather [hbm4b:s6+s3], $0x80, v3, vm0, $0xb8;
	[tilespmem:$0x1C200] =	vst v63  }
0xc3: {  	s18 =	simm.s32 $0x18600  }
0xc4: {  	[tilespmem:s18], [sflag:$0x4] =	stream.indirect_vreg.gather [hbm4b:s7+s3], $0x80, v3, vm1, $0xb8;
	[tilespmem:$0x1C200] =	vst v63  }
0xc5: {  	v3 =	vld [tilespmem:$0x70];
	_ =	sdelay $0x4  }
0xc6: {  	v39 =	vshrl.u32 v3, $0x3  }
0xc7: {  	v4 =	vmul.u32 $0x38, v39  }
0xc8: {  	v3 =	vand.u32 $0x7, v3  }
0xc9: {  	v3 =	vor.u32 v3, v4  }
0xca: {  	v4 =	vperm.xlane v3, v0;
	_ =	sdelay $0x1  }
0xcb: {  	v4 =	vadd.s32 v1, v4;
	_ =	sdelay $0x3  }
0xcc: {  	s19 =	simm.s32 $0x18A00  }
0xcd: {  	[tilespmem:s19], [sflag:$0x4] =	stream.indirect_vreg.gather [hbm4b:s2+s3], $0x80, v4, vm0, $0xb8;
	[tilespmem:$0x1C200] =	vst v63  }
0xce: {  	s23 =	simm.s32 $0x19200;
	v3 =	vperm.xlane v3, v2  }
0xcf: {  	[tilespmem:s23], [sflag:$0x4] =	stream.indirect_vreg.gather [hbm4b:s5+s3], $0x80, v4, vm0, $0xb8;
	[tilespmem:$0x1C200] =	vst v63  }
0xd0: {  	s24 =	simm.s32 $0x19A00;
	v3 =	vadd.s32 v1, v3  }
0xd1: {  	[tilespmem:s24], [sflag:$0x4] =	stream.indirect_vreg.gather [hbm4b:s6+s3], $0x80, v4, vm0, $0xb8;
	[tilespmem:$0x1C200] =	vst v63  }
0xd2: {  	s16 =	simm.s32 $0x1A200  }
0xd3: {  	[tilespmem:s16], [sflag:$0x4] =	stream.indirect_vreg.gather [hbm4b:s7+s3], $0x80, v4, vm1, $0xb8;
	[tilespmem:$0x1C200] =	vst v63  }
0xd4: {  	s17 =	simm.s32 $0x1A600  }
0xd5: {  	[tilespmem:s17], [sflag:$0x4] =	stream.indirect_vreg.gather [hbm4b:s2+s3], $0x80, v3, vm0, $0xb8;
	[tilespmem:$0x1C200] =	vst v63  }
0xd6: {  	s18 =	simm.s32 $0x1AE00  }
0xd7: {  	[tilespmem:s18], [sflag:$0x4] =	stream.indirect_vreg.gather [hbm4b:s5+s3], $0x80, v3, vm0, $0xb8;
	[tilespmem:$0x1C200] =	vst v63  }
0xd8: {  	s19 =	simm.s32 $0x1B600  }
0xd9: {  	[tilespmem:s19], [sflag:$0x4] =	stream.indirect_vreg.gather [hbm4b:s6+s3], $0x80, v3, vm0, $0xb8;
	[tilespmem:$0x1C200] =	vst v63  }
0xda: {  	s23 =	simm.s32 $0x1BE00  }
0xdb: {  	[tilespmem:s23], [sflag:$0x4] =	stream.indirect_vreg.gather [hbm4b:s7+s3], $0x80, v3, vm1, $0xb8;
	[tilespmem:$0x1C200] =	vst v63  }
0xdc: {  	_ =	swait.ge [sflag:s31], $0x7000  }
0xdd: {  	[sflag:s31] =	ssyncset.done $0x0  }
0xde: {  	s24 =	rddreg [dreg:$0x4];
	[sflag:s31] =	ssyncadd.s32 $0xFFFF9000  }
0xdf: {  	[hbm4b:s24+s3] =	stream.linear.scatter [tilespmem:s28], [sflag:$0x6], $0x7000, $0x38;
	[tilespmem:$0x1C200] =	vst v63  }
0xe0: {  	_ =	swait.ge [sflag:s0], $0x7000  }
0xe1: {  	[sflag:s0] =	ssyncset.done $0x0  }
0xe2: {  	[sflag:s0] =	ssyncadd.s32 $0xFFFF9000  }
0xe3: {  	v3 =	vld [tilespmem:$0x80];
	_ =	sdelay $0x4  }
0xe4: {  	v40 =	vshrl.u32 v3, $0x3  }
0xe5: {  	v4 =	vmul.u32 $0x38, v40  }
0xe6: {  	v3 =	vand.u32 $0x7, v3  }
0xe7: {  	v3 =	vor.u32 v3, v4  }
0xe8: {  	v4 =	vperm.xlane v3, v0;
	_ =	sdelay $0x1  }
0xe9: {  	v4 =	vadd.s32 v1, v4;
	_ =	sdelay $0x4  }
0xea: {  	[tilespmem:s26], [sflag:$0x1] =	stream.indirect_vreg.gather [hbm4b:s2+s3], $0x80, v4, vm0, $0xb8;
	[tilespmem:$0x1C200] =	vst v63  }
0xeb: {  	s12 =	simm.s32 $0xA00;
	v3 =	vperm.xlane v3, v2  }
0xec: {  	[tilespmem:s12], [sflag:$0x1] =	stream.indirect_vreg.gather [hbm4b:s5+s3], $0x80, v4, vm0, $0xb8;
	[tilespmem:$0x1C200] =	vst v63  }
0xed: {  	v3 =	vadd.s32 v1, v3;
	s12 =	simm.s32 $0x1200  }
0xee: {  	[tilespmem:s12], [sflag:$0x1] =	stream.indirect_vreg.gather [hbm4b:s6+s3], $0x80, v4, vm0, $0xb8;
	[tilespmem:$0x1C200] =	vst v63  }
0xef: {  	s16 =	simm.s32 $0x1A00  }
0xf0: {  	[tilespmem:s16], [sflag:$0x1] =	stream.indirect_vreg.gather [hbm4b:s7+s3], $0x80, v4, vm1, $0xb8;
	[tilespmem:$0x1C200] =	vst v63  }
0xf1: {  	s17 =	simm.s32 $0x1E00  }
0xf2: {  	[tilespmem:s17], [sflag:$0x1] =	stream.indirect_vreg.gather [hbm4b:s2+s3], $0x80, v3, vm0, $0xb8;
	[tilespmem:$0x1C200] =	vst v63  }
0xf3: {  	s18 =	simm.s32 $0x2600  }
0xf4: {  	[tilespmem:s18], [sflag:$0x1] =	stream.indirect_vreg.gather [hbm4b:s5+s3], $0x80, v3, vm0, $0xb8;
	[tilespmem:$0x1C200] =	vst v63  }
0xf5: {  	s19 =	simm.s32 $0x2E00  }
0xf6: {  	[tilespmem:s19], [sflag:$0x1] =	stream.indirect_vreg.gather [hbm4b:s6+s3], $0x80, v3, vm0, $0xb8;
	[tilespmem:$0x1C200] =	vst v63  }
0xf7: {  	s20 =	simm.s32 $0x3600  }
0xf8: {  	[tilespmem:s20], [sflag:$0x1] =	stream.indirect_vreg.gather [hbm4b:s7+s3], $0x80, v3, vm1, $0xb8;
	[tilespmem:$0x1C200] =	vst v63  }
0xf9: {  	v3 =	vld [tilespmem:$0x90];
	_ =	sdelay $0x4  }
0xfa: {  	v41 =	vshrl.u32 v3, $0x3  }
0xfb: {  	v4 =	vmul.u32 $0x38, v41  }
0xfc: {  	v3 =	vand.u32 $0x7, v3  }
0xfd: {  	v3 =	vor.u32 v3, v4  }
0xfe: {  	v4 =	vperm.xlane v3, v0;
	_ =	sdelay $0x1  }
0xff: {  	v4 =	vadd.s32 v1, v4;
	_ =	sdelay $0x3  }
0x100: {  	s21 =	simm.s32 $0x3A00  }
0x101: {  	[tilespmem:s21], [sflag:$0x1] =	stream.indirect_vreg.gather [hbm4b:s2+s3], $0x80, v4, vm0, $0xb8;
	[tilespmem:$0x1C200] =	vst v63  }
0x102: {  	s22 =	simm.s32 $0x4200;
	v3 =	vperm.xlane v3, v2  }
0x103: {  	[tilespmem:s22], [sflag:$0x1] =	stream.indirect_vreg.gather [hbm4b:s5+s3], $0x80, v4, vm0, $0xb8;
	[tilespmem:$0x1C200] =	vst v63  }
0x104: {  	s20 =	simm.s32 $0x4A00;
	v3 =	vadd.s32 v1, v3  }
0x105: {  	[tilespmem:s20], [sflag:$0x1] =	stream.indirect_vreg.gather [hbm4b:s6+s3], $0x80, v4, vm0, $0xb8;
	[tilespmem:$0x1C200] =	vst v63  }
0x106: {  	s21 =	simm.s32 $0x5200  }
0x107: {  	[tilespmem:s21], [sflag:$0x1] =	stream.indirect_vreg.gather [hbm4b:s7+s3], $0x80, v4, vm1, $0xb8;
	[tilespmem:$0x1C200] =	vst v63  }
0x108: {  	s22 =	simm.s32 $0x5600  }
0x109: {  	[tilespmem:s22], [sflag:$0x1] =	stream.indirect_vreg.gather [hbm4b:s2+s3], $0x80, v3, vm0, $0xb8;
	[tilespmem:$0x1C200] =	vst v63  }
0x10a: {  	s23 =	simm.s32 $0x5E00  }
0x10b: {  	[tilespmem:s23], [sflag:$0x1] =	stream.indirect_vreg.gather [hbm4b:s5+s3], $0x80, v3, vm0, $0xb8;
	[tilespmem:$0x1C200] =	vst v63  }
0x10c: {  	s24 =	simm.s32 $0x6600  }
0x10d: {  	[tilespmem:s24], [sflag:$0x1] =	stream.indirect_vreg.gather [hbm4b:s6+s3], $0x80, v3, vm0, $0xb8;
	[tilespmem:$0x1C200] =	vst v63  }
0x10e: {  	s29 =	simm.s32 $0x6E00  }
0x10f: {  	[tilespmem:s29], [sflag:$0x1] =	stream.indirect_vreg.gather [hbm4b:s7+s3], $0x80, v3, vm1, $0xb8;
	[tilespmem:$0x1C200] =	vst v63  }
0x110: {  	_ =	swait.ge [sflag:s1], $0x7000  }
0x111: {  	[sflag:s1] =	ssyncset.done $0x0  }
0x112: {  	s29 =	rddreg [dreg:$0x5];
	[sflag:s1] =	ssyncadd.s32 $0xFFFF9000  }
0x113: {  	[hbm4b:s29+s3] =	stream.linear.scatter [tilespmem:s25], [sflag:$0x7], $0x7000, $0x38;
	[tilespmem:$0x1C200] =	vst v63  }
0x114: {  	_ =	swait.ge [sflag:s4], $0x7000  }
0x115: {  	[sflag:s4] =	ssyncset.done $0x0  }
0x116: {  	[sflag:s4] =	ssyncadd.s32 $0xFFFF9000  }
0x117: {  	v3 =	vld [tilespmem:$0xA0];
	_ =	sdelay $0x4  }
0x118: {  	v42 =	vshrl.u32 v3, $0x3  }
0x119: {  	v4 =	vmul.u32 $0x38, v42  }
0x11a: {  	v3 =	vand.u32 $0x7, v3  }
0x11b: {  	v3 =	vor.u32 v3, v4  }
0x11c: {  	v4 =	vperm.xlane v3, v0;
	_ =	sdelay $0x1  }
0x11d: {  	v4 =	vadd.s32 v1, v4;
	_ =	sdelay $0x4  }
0x11e: {  	[tilespmem:s28], [sflag:$0x2] =	stream.indirect_vreg.gather [hbm4b:s2+s3], $0x80, v4, vm0, $0xb8;
	[tilespmem:$0x1C200] =	vst v63  }
0x11f: {  	s30 =	simm.s32 $0x7A00;
	v3 =	vperm.xlane v3, v2  }
0x120: {  	[tilespmem:s30], [sflag:$0x2] =	stream.indirect_vreg.gather [hbm4b:s5+s3], $0x80, v4, vm0, $0xb8;
	[tilespmem:$0x1C200] =	vst v63  }
0x121: {  	s29 =	simm.s32 $0x8200;
	v3 =	vadd.s32 v1, v3  }
0x122: {  	[tilespmem:s29], [sflag:$0x2] =	stream.indirect_vreg.gather [hbm4b:s6+s3], $0x80, v4, vm0, $0xb8;
	[tilespmem:$0x1C200] =	vst v63  }
0x123: {  	s30 =	simm.s32 $0x8A00  }
0x124: {  	[tilespmem:s30], [sflag:$0x2] =	stream.indirect_vreg.gather [hbm4b:s7+s3], $0x80, v4, vm1, $0xb8;
	[tilespmem:$0x1C200] =	vst v63  }
0x125: {  	s29 =	simm.s32 $0x8E00  }
0x126: {  	[tilespmem:s29], [sflag:$0x2] =	stream.indirect_vreg.gather [hbm4b:s2+s3], $0x80, v3, vm0, $0xb8;
	[tilespmem:$0x1C200] =	vst v63  }
0x127: {  	s30 =	simm.s32 $0x9600  }
0x128: {  	[tilespmem:s30], [sflag:$0x2] =	stream.indirect_vreg.gather [hbm4b:s5+s3], $0x80, v3, vm0, $0xb8;
	[tilespmem:$0x1C200] =	vst v63  }
0x129: {  	s29 =	simm.s32 $0x9E00  }
0x12a: {  	[tilespmem:s29], [sflag:$0x2] =	stream.indirect_vreg.gather [hbm4b:s6+s3], $0x80, v3, vm0, $0xb8;
	[tilespmem:$0x1C200] =	vst v63  }
0x12b: {  	s30 =	simm.s32 $0xA600  }
0x12c: {  	[tilespmem:s30], [sflag:$0x2] =	stream.indirect_vreg.gather [hbm4b:s7+s3], $0x80, v3, vm1, $0xb8;
	[tilespmem:$0x1C200] =	vst v63  }
0x12d: {  	v3 =	vld [tilespmem:$0xB0];
	_ =	sdelay $0x4  }
0x12e: {  	v43 =	vshrl.u32 v3, $0x3  }
0x12f: {  	v4 =	vmul.u32 $0x38, v43  }
0x130: {  	v3 =	vand.u32 $0x7, v3  }
0x131: {  	v3 =	vor.u32 v3, v4  }
0x132: {  	v4 =	vperm.xlane v3, v0;
	_ =	sdelay $0x1  }
0x133: {  	v4 =	vadd.s32 v1, v4;
	_ =	sdelay $0x3  }
0x134: {  	s29 =	simm.s32 $0xAA00  }
0x135: {  	[tilespmem:s29], [sflag:$0x2] =	stream.indirect_vreg.gather [hbm4b:s2+s3], $0x80, v4, vm0, $0xb8;
	[tilespmem:$0x1C200] =	vst v63  }
0x136: {  	s30 =	simm.s32 $0xB200;
	v3 =	vperm.xlane v3, v2  }
0x137: {  	[tilespmem:s30], [sflag:$0x2] =	stream.indirect_vreg.gather [hbm4b:s5+s3], $0x80, v4, vm0, $0xb8;
	[tilespmem:$0x1C200] =	vst v63  }
0x138: {  	v3 =	vadd.s32 v1, v3;
	s29 =	simm.s32 $0xBA00  }
0x139: {  	[tilespmem:s29], [sflag:$0x2] =	stream.indirect_vreg.gather [hbm4b:s6+s3], $0x80, v4, vm0, $0xb8;
	[tilespmem:$0x1C200] =	vst v63  }
0x13a: {  	s30 =	simm.s32 $0xC200  }
0x13b: {  	[tilespmem:s30], [sflag:$0x2] =	stream.indirect_vreg.gather [hbm4b:s7+s3], $0x80, v4, vm1, $0xb8;
	[tilespmem:$0x1C200] =	vst v63  }
0x13c: {  	s29 =	simm.s32 $0xC600  }
0x13d: {  	[tilespmem:s29], [sflag:$0x2] =	stream.indirect_vreg.gather [hbm4b:s2+s3], $0x80, v3, vm0, $0xb8;
	[tilespmem:$0x1C200] =	vst v63  }
0x13e: {  	s30 =	simm.s32 $0xCE00  }
0x13f: {  	[tilespmem:s30], [sflag:$0x2] =	stream.indirect_vreg.gather [hbm4b:s5+s3], $0x80, v3, vm0, $0xb8;
	[tilespmem:$0x1C200] =	vst v63  }
0x140: {  	s29 =	simm.s32 $0xD600  }
0x141: {  	[tilespmem:s29], [sflag:$0x2] =	stream.indirect_vreg.gather [hbm4b:s6+s3], $0x80, v3, vm0, $0xb8;
	[tilespmem:$0x1C200] =	vst v63  }
0x142: {  	s30 =	simm.s32 $0xDE00  }
0x143: {  	[tilespmem:s30], [sflag:$0x2] =	stream.indirect_vreg.gather [hbm4b:s7+s3], $0x80, v3, vm1, $0xb8;
	[tilespmem:$0x1C200] =	vst v63  }
0x144: {  	_ =	swait.ge [sflag:s9], $0x7000  }
0x145: {  	[sflag:s9] =	ssyncset.done $0x0  }
0x146: {  	s29 =	rddreg [dreg:$0x6];
	[sflag:s9] =	ssyncadd.s32 $0xFFFF9000  }
0x147: {  	[hbm4b:s29+s3] =	stream.linear.scatter [tilespmem:s10], [sflag:$0x8], $0x7000, $0x38;
	[tilespmem:$0x1C200] =	vst v63  }
0x148: {  	_ =	swait.ge [sflag:s13], $0x7000  }
0x149: {  	[sflag:s13] =	ssyncset.done $0x0  }
0x14a: {  	[sflag:s13] =	ssyncadd.s32 $0xFFFF9000  }
0x14b: {  	v3 =	vld [tilespmem:$0xC0];
	_ =	sdelay $0x4  }
0x14c: {  	v44 =	vshrl.u32 v3, $0x3  }
0x14d: {  	v4 =	vmul.u32 $0x38, v44  }
0x14e: {  	v3 =	vand.u32 $0x7, v3  }
0x14f: {  	v3 =	vor.u32 v3, v4  }
0x150: {  	v4 =	vperm.xlane v3, v0;
	_ =	sdelay $0x1  }
0x151: {  	v4 =	vadd.s32 v1, v4;
	_ =	sdelay $0x4  }
0x152: {  	[tilespmem:s25], [sflag:$0x3] =	stream.indirect_vreg.gather [hbm4b:s2+s3], $0x80, v4, vm0, $0xb8;
	[tilespmem:$0x1C200] =	vst v63  }
0x153: {  	s30 =	simm.s32 $0xEA00;
	v3 =	vperm.xlane v3, v2  }
0x154: {  	[tilespmem:s30], [sflag:$0x3] =	stream.indirect_vreg.gather [hbm4b:s5+s3], $0x80, v4, vm0, $0xb8;
	[tilespmem:$0x1C200] =	vst v63  }
0x155: {  	s29 =	simm.s32 $0xF200;
	v3 =	vadd.s32 v1, v3  }
0x156: {  	[tilespmem:s29], [sflag:$0x3] =	stream.indirect_vreg.gather [hbm4b:s6+s3], $0x80, v4, vm0, $0xb8;
	[tilespmem:$0x1C200] =	vst v63  }
0x157: {  	s30 =	simm.s32 $0xFA00  }
0x158: {  	[tilespmem:s30], [sflag:$0x3] =	stream.indirect_vreg.gather [hbm4b:s7+s3], $0x80, v4, vm1, $0xb8;
	[tilespmem:$0x1C200] =	vst v63  }
0x159: {  	s29 =	simm.s32 $0xFE00  }
0x15a: {  	[tilespmem:s29], [sflag:$0x3] =	stream.indirect_vreg.gather [hbm4b:s2+s3], $0x80, v3, vm0, $0xb8;
	[tilespmem:$0x1C200] =	vst v63  }
0x15b: {  	s30 =	simm.s32 $0x10600  }
0x15c: {  	[tilespmem:s30], [sflag:$0x3] =	stream.indirect_vreg.gather [hbm4b:s5+s3], $0x80, v3, vm0, $0xb8;
	[tilespmem:$0x1C200] =	vst v63  }
0x15d: {  	s29 =	simm.s32 $0x10E00  }
0x15e: {  	[tilespmem:s29], [sflag:$0x3] =	stream.indirect_vreg.gather [hbm4b:s6+s3], $0x80, v3, vm0, $0xb8;
	[tilespmem:$0x1C200] =	vst v63  }
0x15f: {  	s30 =	simm.s32 $0x11600  }
0x160: {  	[tilespmem:s30], [sflag:$0x3] =	stream.indirect_vreg.gather [hbm4b:s7+s3], $0x80, v3, vm1, $0xb8;
	[tilespmem:$0x1C200] =	vst v63  }
0x161: {  	v3 =	vld [tilespmem:$0xD0];
	_ =	sdelay $0x4  }
0x162: {  	v45 =	vshrl.u32 v3, $0x3  }
0x163: {  	v4 =	vmul.u32 $0x38, v45  }
0x164: {  	v3 =	vand.u32 $0x7, v3  }
0x165: {  	v3 =	vor.u32 v3, v4  }
0x166: {  	v4 =	vperm.xlane v3, v0;
	_ =	sdelay $0x1  }
0x167: {  	v4 =	vadd.s32 v1, v4;
	_ =	sdelay $0x3  }
0x168: {  	s29 =	simm.s32 $0x11A00  }
0x169: {  	[tilespmem:s29], [sflag:$0x3] =	stream.indirect_vreg.gather [hbm4b:s2+s3], $0x80, v4, vm0, $0xb8;
	[tilespmem:$0x1C200] =	vst v63  }
0x16a: {  	s30 =	simm.s32 $0x12200;
	v3 =	vperm.xlane v3, v2  }
0x16b: {  	[tilespmem:s30], [sflag:$0x3] =	stream.indirect_vreg.gather [hbm4b:s5+s3], $0x80, v4, vm0, $0xb8;
	[tilespmem:$0x1C200] =	vst v63  }
0x16c: {  	v3 =	vadd.s32 v1, v3;
	s29 =	simm.s32 $0x12A00  }
0x16d: {  	[tilespmem:s29], [sflag:$0x3] =	stream.indirect_vreg.gather [hbm4b:s6+s3], $0x80, v4, vm0, $0xb8;
	[tilespmem:$0x1C200] =	vst v63  }
0x16e: {  	s30 =	simm.s32 $0x13200  }
0x16f: {  	[tilespmem:s30], [sflag:$0x3] =	stream.indirect_vreg.gather [hbm4b:s7+s3], $0x80, v4, vm1, $0xb8;
	[tilespmem:$0x1C200] =	vst v63  }
0x170: {  	s29 =	simm.s32 $0x13600  }
0x171: {  	[tilespmem:s29], [sflag:$0x3] =	stream.indirect_vreg.gather [hbm4b:s2+s3], $0x80, v3, vm0, $0xb8;
	[tilespmem:$0x1C200] =	vst v63  }
0x172: {  	s30 =	simm.s32 $0x13E00  }
0x173: {  	[tilespmem:s30], [sflag:$0x3] =	stream.indirect_vreg.gather [hbm4b:s5+s3], $0x80, v3, vm0, $0xb8;
	[tilespmem:$0x1C200] =	vst v63  }
0x174: {  	s29 =	simm.s32 $0x14600  }
0x175: {  	[tilespmem:s29], [sflag:$0x3] =	stream.indirect_vreg.gather [hbm4b:s6+s3], $0x80, v3, vm0, $0xb8;
	[tilespmem:$0x1C200] =	vst v63  }
0x176: {  	s30 =	simm.s32 $0x14E00  }
0x177: {  	[tilespmem:s30], [sflag:$0x3] =	stream.indirect_vreg.gather [hbm4b:s7+s3], $0x80, v3, vm1, $0xb8;
	[tilespmem:$0x1C200] =	vst v63  }
0x178: {  	_ =	swait.ge [sflag:s11], $0x7000  }
0x179: {  	[sflag:s11] =	ssyncset.done $0x0  }
0x17a: {  	s29 =	rddreg [dreg:$0x7];
	[sflag:s11] =	ssyncadd.s32 $0xFFFF9000  }
0x17b: {  	[hbm4b:s29+s3] =	stream.linear.scatter [tilespmem:s26], [sflag:$0x5], $0x7000, $0x38;
	[tilespmem:$0x1C200] =	vst v63  }
0x17c: {  	_ =	swait.ge [sflag:s14], $0x7000  }
0x17d: {  	[sflag:s14] =	ssyncset.done $0x0  }
0x17e: {  	[sflag:s14] =	ssyncadd.s32 $0xFFFF9000  }
0x17f: {  	v3 =	vld [tilespmem:$0xE0];
	_ =	sdelay $0x4  }
0x180: {  	v46 =	vshrl.u32 v3, $0x3  }
0x181: {  	v4 =	vmul.u32 $0x38, v46  }
0x182: {  	v3 =	vand.u32 $0x7, v3  }
0x183: {  	v3 =	vor.u32 v3, v4  }
0x184: {  	v4 =	vperm.xlane v3, v0;
	_ =	sdelay $0x1  }
0x185: {  	v4 =	vadd.s32 v1, v4;
	_ =	sdelay $0x4  }
0x186: {  	[tilespmem:s10], [sflag:$0x4] =	stream.indirect_vreg.gather [hbm4b:s2+s3], $0x80, v4, vm0, $0xb8;
	[tilespmem:$0x1C200] =	vst v63  }
0x187: {  	s30 =	simm.s32 $0x15A00;
	v3 =	vperm.xlane v3, v2  }
0x188: {  	[tilespmem:s30], [sflag:$0x4] =	stream.indirect_vreg.gather [hbm4b:s5+s3], $0x80, v4, vm0, $0xb8;
	[tilespmem:$0x1C200] =	vst v63  }
0x189: {  	s29 =	simm.s32 $0x16200;
	v3 =	vadd.s32 v1, v3  }
0x18a: {  	[tilespmem:s29], [sflag:$0x4] =	stream.indirect_vreg.gather [hbm4b:s6+s3], $0x80, v4, vm0, $0xb8;
	[tilespmem:$0x1C200] =	vst v63  }
0x18b: {  	s30 =	simm.s32 $0x16A00  }
0x18c: {  	[tilespmem:s30], [sflag:$0x4] =	stream.indirect_vreg.gather [hbm4b:s7+s3], $0x80, v4, vm1, $0xb8;
	[tilespmem:$0x1C200] =	vst v63  }
0x18d: {  	s15 =	simm.s32 $0x16E00  }
0x18e: {  	[tilespmem:s15], [sflag:$0x4] =	stream.indirect_vreg.gather [hbm4b:s2+s3], $0x80, v3, vm0, $0xb8;
	[tilespmem:$0x1C200] =	vst v63  }
0x18f: {  	s15 =	simm.s32 $0x17600  }
0x190: {  	[tilespmem:s15], [sflag:$0x4] =	stream.indirect_vreg.gather [hbm4b:s5+s3], $0x80, v3, vm0, $0xb8;
	[tilespmem:$0x1C200] =	vst v63  }
0x191: {  	s15 =	simm.s32 $0x17E00  }
0x192: {  	[tilespmem:s15], [sflag:$0x4] =	stream.indirect_vreg.gather [hbm4b:s6+s3], $0x80, v3, vm0, $0xb8;
	[tilespmem:$0x1C200] =	vst v63  }
0x193: {  	s15 =	simm.s32 $0x18600  }
0x194: {  	[tilespmem:s15], [sflag:$0x4] =	stream.indirect_vreg.gather [hbm4b:s7+s3], $0x80, v3, vm1, $0xb8;
	[tilespmem:$0x1C200] =	vst v63  }
0x195: {  	v3 =	vld [tilespmem:$0xF0];
	_ =	sdelay $0x4  }
0x196: {  	v47 =	vshrl.u32 v3, $0x3  }
0x197: {  	v4 =	vmul.u32 $0x38, v47  }
0x198: {  	v3 =	vand.u32 $0x7, v3  }
0x199: {  	v3 =	vor.u32 v3, v4  }
0x19a: {  	v4 =	vperm.xlane v3, v0;
	_ =	sdelay $0x1  }
0x19b: {  	v4 =	vadd.s32 v1, v4;
	_ =	sdelay $0x3  }
0x19c: {  	s15 =	simm.s32 $0x18A00  }
0x19d: {  	[tilespmem:s15], [sflag:$0x4] =	stream.indirect_vreg.gather [hbm4b:s2+s3], $0x80, v4, vm0, $0xb8;
	[tilespmem:$0x1C200] =	vst v63  }
0x19e: {  	v3 =	vperm.xlane v3, v2;
	s15 =	simm.s32 $0x19200  }
0x19f: {  	[tilespmem:s15], [sflag:$0x4] =	stream.indirect_vreg.gather [hbm4b:s5+s3], $0x80, v4, vm0, $0xb8;
	[tilespmem:$0x1C200] =	vst v63  }
0x1a0: {  	v3 =	vadd.s32 v1, v3;
	s15 =	simm.s32 $0x19A00  }
0x1a1: {  	[tilespmem:s15], [sflag:$0x4] =	stream.indirect_vreg.gather [hbm4b:s6+s3], $0x80, v4, vm0, $0xb8;
	[tilespmem:$0x1C200] =	vst v63  }
0x1a2: {  	s15 =	simm.s32 $0x1A200  }
0x1a3: {  	[tilespmem:s15], [sflag:$0x4] =	stream.indirect_vreg.gather [hbm4b:s7+s3], $0x80, v4, vm1, $0xb8;
	[tilespmem:$0x1C200] =	vst v63  }
0x1a4: {  	s15 =	simm.s32 $0x1A600  }
0x1a5: {  	[tilespmem:s15], [sflag:$0x4] =	stream.indirect_vreg.gather [hbm4b:s2+s3], $0x80, v3, vm0, $0xb8;
	[tilespmem:$0x1C200] =	vst v63  }
0x1a6: {  	s15 =	simm.s32 $0x1AE00  }
0x1a7: {  	[tilespmem:s15], [sflag:$0x4] =	stream.indirect_vreg.gather [hbm4b:s5+s3], $0x80, v3, vm0, $0xb8;
	[tilespmem:$0x1C200] =	vst v63  }
0x1a8: {  	s15 =	simm.s32 $0x1B600  }
0x1a9: {  	[tilespmem:s15], [sflag:$0x4] =	stream.indirect_vreg.gather [hbm4b:s6+s3], $0x80, v3, vm0, $0xb8;
	[tilespmem:$0x1C200] =	vst v63  }
0x1aa: {  	s15 =	simm.s32 $0x1BE00  }
0x1ab: {  	[tilespmem:s15], [sflag:$0x4] =	stream.indirect_vreg.gather [hbm4b:s7+s3], $0x80, v3, vm1, $0xb8;
	[tilespmem:$0x1C200] =	vst v63  }
0x1ac: {  	_ =	swait.ge [sflag:s31], $0x7000  }
0x1ad: {  	[sflag:s31] =	ssyncset.done $0x0  }
0x1ae: {  	s15 =	rddreg [dreg:$0x8];
	[sflag:s31] =	ssyncadd.s32 $0xFFFF9000  }
0x1af: {  	[hbm4b:s15+s3] =	stream.linear.scatter [tilespmem:s28], [sflag:$0x6], $0x7000, $0x38;
	[tilespmem:$0x1C200] =	vst v63  }
0x1b0: {  	_ =	swait.ge [sflag:s0], $0x7000  }
0x1b1: {  	[sflag:s0] =	ssyncset.done $0x0  }
0x1b2: {  	[sflag:s0] =	ssyncadd.s32 $0xFFFF9000  }
0x1b3: {  	v3 =	vld [tilespmem:$0x100];
	_ =	sdelay $0x4  }
0x1b4: {  	v48 =	vshrl.u32 v3, $0x3  }
0x1b5: {  	v4 =	vmul.u32 $0x38, v48  }
0x1b6: {  	v3 =	vand.u32 $0x7, v3  }
0x1b7: {  	v3 =	vor.u32 v3, v4  }
0x1b8: {  	v4 =	vperm.xlane v3, v0;
	_ =	sdelay $0x1  }
0x1b9: {  	v4 =	vadd.s32 v1, v4;
	_ =	sdelay $0x4  }
0x1ba: {  	[tilespmem:s26], [sflag:$0x1] =	stream.indirect_vreg.gather [hbm4b:s2+s3], $0x80, v4, vm0, $0xb8;
	[tilespmem:$0x1C200] =	vst v63  }
0x1bb: {  	s15 =	simm.s32 $0xA00;
	v3 =	vperm.xlane v3, v2  }
0x1bc: {  	[tilespmem:s15], [sflag:$0x1] =	stream.indirect_vreg.gather [hbm4b:s5+s3], $0x80, v4, vm0, $0xb8;
	[tilespmem:$0x1C200] =	vst v63  }
0x1bd: {  	v3 =	vadd.s32 v1, v3  }
0x1be: {  	[tilespmem:s12], [sflag:$0x1] =	stream.indirect_vreg.gather [hbm4b:s6+s3], $0x80, v4, vm0, $0xb8;
	[tilespmem:$0x1C200] =	vst v63  }
0x1bf: {  	_ = 	snop  }
0x1c0: {  	[tilespmem:s16], [sflag:$0x1] =	stream.indirect_vreg.gather [hbm4b:s7+s3], $0x80, v4, vm1, $0xb8;
	[tilespmem:$0x1C200] =	vst v63  }
0x1c1: {  	_ = 	snop  }
0x1c2: {  	[tilespmem:s17], [sflag:$0x1] =	stream.indirect_vreg.gather [hbm4b:s2+s3], $0x80, v3, vm0, $0xb8;
	[tilespmem:$0x1C200] =	vst v63  }
0x1c3: {  	_ = 	snop  }
0x1c4: {  	[tilespmem:s18], [sflag:$0x1] =	stream.indirect_vreg.gather [hbm4b:s5+s3], $0x80, v3, vm0, $0xb8;
	[tilespmem:$0x1C200] =	vst v63  }
0x1c5: {  	_ = 	snop  }
0x1c6: {  	[tilespmem:s19], [sflag:$0x1] =	stream.indirect_vreg.gather [hbm4b:s6+s3], $0x80, v3, vm0, $0xb8;
	[tilespmem:$0x1C200] =	vst v63  }
0x1c7: {  	s15 =	simm.s32 $0x3600  }
0x1c8: {  	[tilespmem:s15], [sflag:$0x1] =	stream.indirect_vreg.gather [hbm4b:s7+s3], $0x80, v3, vm1, $0xb8;
	[tilespmem:$0x1C200] =	vst v63  }
0x1c9: {  	v3 =	vld [tilespmem:$0x110];
	_ =	sdelay $0x4  }
0x1ca: {  	v49 =	vshrl.u32 v3, $0x3  }
0x1cb: {  	v4 =	vmul.u32 $0x38, v49  }
0x1cc: {  	v3 =	vand.u32 $0x7, v3  }
0x1cd: {  	v3 =	vor.u32 v3, v4  }
0x1ce: {  	v4 =	vperm.xlane v3, v0;
	_ =	sdelay $0x1  }
0x1cf: {  	v4 =	vadd.s32 v1, v4;
	_ =	sdelay $0x3  }
0x1d0: {  	s15 =	simm.s32 $0x3A00  }
0x1d1: {  	[tilespmem:s15], [sflag:$0x1] =	stream.indirect_vreg.gather [hbm4b:s2+s3], $0x80, v4, vm0, $0xb8;
	[tilespmem:$0x1C200] =	vst v63  }
0x1d2: {  	v3 =	vperm.xlane v3, v2;
	s15 =	simm.s32 $0x4200  }
0x1d3: {  	[tilespmem:s15], [sflag:$0x1] =	stream.indirect_vreg.gather [hbm4b:s5+s3], $0x80, v4, vm0, $0xb8;
	[tilespmem:$0x1C200] =	vst v63  }
0x1d4: {  	v3 =	vadd.s32 v1, v3  }
0x1d5: {  	[tilespmem:s20], [sflag:$0x1] =	stream.indirect_vreg.gather [hbm4b:s6+s3], $0x80, v4, vm0, $0xb8;
	[tilespmem:$0x1C200] =	vst v63  }
0x1d6: {  	_ = 	snop  }
0x1d7: {  	[tilespmem:s21], [sflag:$0x1] =	stream.indirect_vreg.gather [hbm4b:s7+s3], $0x80, v4, vm1, $0xb8;
	[tilespmem:$0x1C200] =	vst v63  }
0x1d8: {  	_ = 	snop  }
0x1d9: {  	[tilespmem:s22], [sflag:$0x1] =	stream.indirect_vreg.gather [hbm4b:s2+s3], $0x80, v3, vm0, $0xb8;
	[tilespmem:$0x1C200] =	vst v63  }
0x1da: {  	_ = 	snop  }
0x1db: {  	[tilespmem:s23], [sflag:$0x1] =	stream.indirect_vreg.gather [hbm4b:s5+s3], $0x80, v3, vm0, $0xb8;
	[tilespmem:$0x1C200] =	vst v63  }
0x1dc: {  	_ = 	snop  }
0x1dd: {  	[tilespmem:s24], [sflag:$0x1] =	stream.indirect_vreg.gather [hbm4b:s6+s3], $0x80, v3, vm0, $0xb8;
	[tilespmem:$0x1C200] =	vst v63  }
0x1de: {  	s15 =	simm.s32 $0x6E00  }
0x1df: {  	[tilespmem:s15], [sflag:$0x1] =	stream.indirect_vreg.gather [hbm4b:s7+s3], $0x80, v3, vm1, $0xb8;
	[tilespmem:$0x1C200] =	vst v63  }
0x1e0: {  	_ =	swait.ge [sflag:s1], $0x7000  }
0x1e1: {  	[sflag:s1] =	ssyncset.done $0x0  }
0x1e2: {  	s15 =	rddreg [dreg:$0x9];
	[sflag:s1] =	ssyncadd.s32 $0xFFFF9000  }
0x1e3: {  	[hbm4b:s15+s3] =	stream.linear.scatter [tilespmem:s25], [sflag:$0x7], $0x7000, $0x38;
	[tilespmem:$0x1C200] =	vst v63  }
0x1e4: {  	_ =	swait.ge [sflag:s4], $0x7000  }
0x1e5: {  	[sflag:s4] =	ssyncset.done $0x0  }
0x1e6: {  	[sflag:s4] =	ssyncadd.s32 $0xFFFF9000  }
0x1e7: {  	v3 =	vld [tilespmem:$0x120];
	_ =	sdelay $0x4  }
0x1e8: {  	v50 =	vshrl.u32 v3, $0x3  }
0x1e9: {  	v4 =	vmul.u32 $0x38, v50  }
0x1ea: {  	v3 =	vand.u32 $0x7, v3  }
0x1eb: {  	v3 =	vor.u32 v3, v4  }
0x1ec: {  	v4 =	vperm.xlane v3, v0;
	_ =	sdelay $0x1  }
0x1ed: {  	v4 =	vadd.s32 v1, v4;
	_ =	sdelay $0x4  }
0x1ee: {  	[tilespmem:s28], [sflag:$0x2] =	stream.indirect_vreg.gather [hbm4b:s2+s3], $0x80, v4, vm0, $0xb8;
	[tilespmem:$0x1C200] =	vst v63  }
0x1ef: {  	s15 =	simm.s32 $0x7A00;
	v3 =	vperm.xlane v3, v2  }
0x1f0: {  	[tilespmem:s15], [sflag:$0x2] =	stream.indirect_vreg.gather [hbm4b:s5+s3], $0x80, v4, vm0, $0xb8;
	[tilespmem:$0x1C200] =	vst v63  }
0x1f1: {  	v3 =	vadd.s32 v1, v3;
	s15 =	simm.s32 $0x8200  }
0x1f2: {  	[tilespmem:s15], [sflag:$0x2] =	stream.indirect_vreg.gather [hbm4b:s6+s3], $0x80, v4, vm0, $0xb8;
	[tilespmem:$0x1C200] =	vst v63  }
0x1f3: {  	s15 =	simm.s32 $0x8A00  }
0x1f4: {  	[tilespmem:s15], [sflag:$0x2] =	stream.indirect_vreg.gather [hbm4b:s7+s3], $0x80, v4, vm1, $0xb8;
	[tilespmem:$0x1C200] =	vst v63  }
0x1f5: {  	s15 =	simm.s32 $0x8E00  }
0x1f6: {  	[tilespmem:s15], [sflag:$0x2] =	stream.indirect_vreg.gather [hbm4b:s2+s3], $0x80, v3, vm0, $0xb8;
	[tilespmem:$0x1C200] =	vst v63  }
0x1f7: {  	s15 =	simm.s32 $0x9600  }
0x1f8: {  	[tilespmem:s15], [sflag:$0x2] =	stream.indirect_vreg.gather [hbm4b:s5+s3], $0x80, v3, vm0, $0xb8;
	[tilespmem:$0x1C200] =	vst v63  }
0x1f9: {  	s15 =	simm.s32 $0x9E00  }
0x1fa: {  	[tilespmem:s15], [sflag:$0x2] =	stream.indirect_vreg.gather [hbm4b:s6+s3], $0x80, v3, vm0, $0xb8;
	[tilespmem:$0x1C200] =	vst v63  }
0x1fb: {  	s15 =	simm.s32 $0xA600  }
0x1fc: {  	[tilespmem:s15], [sflag:$0x2] =	stream.indirect_vreg.gather [hbm4b:s7+s3], $0x80, v3, vm1, $0xb8;
	[tilespmem:$0x1C200] =	vst v63  }
0x1fd: {  	v3 =	vld [tilespmem:$0x130];
	_ =	sdelay $0x4  }
0x1fe: {  	v51 =	vshrl.u32 v3, $0x3  }
0x1ff: {  	v4 =	vmul.u32 $0x38, v51  }
0x200: {  	v3 =	vand.u32 $0x7, v3  }
0x201: {  	v3 =	vor.u32 v3, v4  }
0x202: {  	v4 =	vperm.xlane v3, v0;
	_ =	sdelay $0x1  }
0x203: {  	v4 =	vadd.s32 v1, v4;
	_ =	sdelay $0x3  }
0x204: {  	s15 =	simm.s32 $0xAA00  }
0x205: {  	[tilespmem:s15], [sflag:$0x2] =	stream.indirect_vreg.gather [hbm4b:s2+s3], $0x80, v4, vm0, $0xb8;
	[tilespmem:$0x1C200] =	vst v63  }
0x206: {  	v3 =	vperm.xlane v3, v2;
	s15 =	simm.s32 $0xB200  }
0x207: {  	[tilespmem:s15], [sflag:$0x2] =	stream.indirect_vreg.gather [hbm4b:s5+s3], $0x80, v4, vm0, $0xb8;
	[tilespmem:$0x1C200] =	vst v63  }
0x208: {  	v3 =	vadd.s32 v1, v3;
	s15 =	simm.s32 $0xBA00  }
0x209: {  	[tilespmem:s15], [sflag:$0x2] =	stream.indirect_vreg.gather [hbm4b:s6+s3], $0x80, v4, vm0, $0xb8;
	[tilespmem:$0x1C200] =	vst v63  }
0x20a: {  	s15 =	simm.s32 $0xC200  }
0x20b: {  	[tilespmem:s15], [sflag:$0x2] =	stream.indirect_vreg.gather [hbm4b:s7+s3], $0x80, v4, vm1, $0xb8;
	[tilespmem:$0x1C200] =	vst v63  }
0x20c: {  	s15 =	simm.s32 $0xC600  }
0x20d: {  	[tilespmem:s15], [sflag:$0x2] =	stream.indirect_vreg.gather [hbm4b:s2+s3], $0x80, v3, vm0, $0xb8;
	[tilespmem:$0x1C200] =	vst v63  }
0x20e: {  	s15 =	simm.s32 $0xCE00  }
0x20f: {  	[tilespmem:s15], [sflag:$0x2] =	stream.indirect_vreg.gather [hbm4b:s5+s3], $0x80, v3, vm0, $0xb8;
	[tilespmem:$0x1C200] =	vst v63  }
0x210: {  	s15 =	simm.s32 $0xD600  }
0x211: {  	[tilespmem:s15], [sflag:$0x2] =	stream.indirect_vreg.gather [hbm4b:s6+s3], $0x80, v3, vm0, $0xb8;
	[tilespmem:$0x1C200] =	vst v63  }
0x212: {  	s15 =	simm.s32 $0xDE00  }
0x213: {  	[tilespmem:s15], [sflag:$0x2] =	stream.indirect_vreg.gather [hbm4b:s7+s3], $0x80, v3, vm1, $0xb8;
	[tilespmem:$0x1C200] =	vst v63  }
0x214: {  	_ =	swait.ge [sflag:s9], $0x7000  }
0x215: {  	[sflag:s9] =	ssyncset.done $0x0  }
0x216: {  	s15 =	rddreg [dreg:$0xa];
	[sflag:s9] =	ssyncadd.s32 $0xFFFF9000  }
0x217: {  	[hbm4b:s15+s3] =	stream.linear.scatter [tilespmem:s10], [sflag:$0x8], $0x7000, $0x38;
	[tilespmem:$0x1C200] =	vst v63  }
0x218: {  	_ =	swait.ge [sflag:s13], $0x7000  }
0x219: {  	[sflag:s13] =	ssyncset.done $0x0  }
0x21a: {  	[sflag:s13] =	ssyncadd.s32 $0xFFFF9000  }
0x21b: {  	v3 =	vld [tilespmem:$0x140];
	_ =	sdelay $0x4  }
0x21c: {  	v52 =	vshrl.u32 v3, $0x3  }
0x21d: {  	v4 =	vmul.u32 $0x38, v52  }
0x21e: {  	v3 =	vand.u32 $0x7, v3  }
0x21f: {  	v3 =	vor.u32 v3, v4  }
0x220: {  	v4 =	vperm.xlane v3, v0;
	_ =	sdelay $0x1  }
0x221: {  	v4 =	vadd.s32 v1, v4;
	_ =	sdelay $0x4  }
0x222: {  	[tilespmem:s25], [sflag:$0x3] =	stream.indirect_vreg.gather [hbm4b:s2+s3], $0x80, v4, vm0, $0xb8;
	[tilespmem:$0x1C200] =	vst v63  }
0x223: {  	s15 =	simm.s32 $0xEA00;
	v3 =	vperm.xlane v3, v2  }
0x224: {  	[tilespmem:s15], [sflag:$0x3] =	stream.indirect_vreg.gather [hbm4b:s5+s3], $0x80, v4, vm0, $0xb8;
	[tilespmem:$0x1C200] =	vst v63  }
0x225: {  	v3 =	vadd.s32 v1, v3;
	s15 =	simm.s32 $0xF200  }
0x226: {  	[tilespmem:s15], [sflag:$0x3] =	stream.indirect_vreg.gather [hbm4b:s6+s3], $0x80, v4, vm0, $0xb8;
	[tilespmem:$0x1C200] =	vst v63  }
0x227: {  	s15 =	simm.s32 $0xFA00  }
0x228: {  	[tilespmem:s15], [sflag:$0x3] =	stream.indirect_vreg.gather [hbm4b:s7+s3], $0x80, v4, vm1, $0xb8;
	[tilespmem:$0x1C200] =	vst v63  }
0x229: {  	s15 =	simm.s32 $0xFE00  }
0x22a: {  	[tilespmem:s15], [sflag:$0x3] =	stream.indirect_vreg.gather [hbm4b:s2+s3], $0x80, v3, vm0, $0xb8;
	[tilespmem:$0x1C200] =	vst v63  }
0x22b: {  	s15 =	simm.s32 $0x10600  }
0x22c: {  	[tilespmem:s15], [sflag:$0x3] =	stream.indirect_vreg.gather [hbm4b:s5+s3], $0x80, v3, vm0, $0xb8;
	[tilespmem:$0x1C200] =	vst v63  }
0x22d: {  	s15 =	simm.s32 $0x10E00  }
0x22e: {  	[tilespmem:s15], [sflag:$0x3] =	stream.indirect_vreg.gather [hbm4b:s6+s3], $0x80, v3, vm0, $0xb8;
	[tilespmem:$0x1C200] =	vst v63  }
0x22f: {  	s15 =	simm.s32 $0x11600  }
0x230: {  	[tilespmem:s15], [sflag:$0x3] =	stream.indirect_vreg.gather [hbm4b:s7+s3], $0x80, v3, vm1, $0xb8;
	[tilespmem:$0x1C200] =	vst v63  }
0x231: {  	v3 =	vld [tilespmem:$0x150];
	_ =	sdelay $0x4  }
0x232: {  	v53 =	vshrl.u32 v3, $0x3  }
0x233: {  	v4 =	vmul.u32 $0x38, v53  }
0x234: {  	v3 =	vand.u32 $0x7, v3  }
0x235: {  	v3 =	vor.u32 v3, v4  }
0x236: {  	v4 =	vperm.xlane v3, v0;
	_ =	sdelay $0x1  }
0x237: {  	v4 =	vadd.s32 v1, v4;
	_ =	sdelay $0x3  }
0x238: {  	s15 =	simm.s32 $0x11A00  }
0x239: {  	[tilespmem:s15], [sflag:$0x3] =	stream.indirect_vreg.gather [hbm4b:s2+s3], $0x80, v4, vm0, $0xb8;
	[tilespmem:$0x1C200] =	vst v63  }
0x23a: {  	v3 =	vperm.xlane v3, v2;
	s15 =	simm.s32 $0x12200  }
0x23b: {  	[tilespmem:s15], [sflag:$0x3] =	stream.indirect_vreg.gather [hbm4b:s5+s3], $0x80, v4, vm0, $0xb8;
	[tilespmem:$0x1C200] =	vst v63  }
0x23c: {  	v3 =	vadd.s32 v1, v3;
	s15 =	simm.s32 $0x12A00  }
0x23d: {  	[tilespmem:s15], [sflag:$0x3] =	stream.indirect_vreg.gather [hbm4b:s6+s3], $0x80, v4, vm0, $0xb8;
	[tilespmem:$0x1C200] =	vst v63  }
0x23e: {  	s15 =	simm.s32 $0x13200  }
0x23f: {  	[tilespmem:s15], [sflag:$0x3] =	stream.indirect_vreg.gather [hbm4b:s7+s3], $0x80, v4, vm1, $0xb8;
	[tilespmem:$0x1C200] =	vst v63  }
0x240: {  	s15 =	simm.s32 $0x13600  }
0x241: {  	[tilespmem:s15], [sflag:$0x3] =	stream.indirect_vreg.gather [hbm4b:s2+s3], $0x80, v3, vm0, $0xb8;
	[tilespmem:$0x1C200] =	vst v63  }
0x242: {  	s15 =	simm.s32 $0x13E00  }
0x243: {  	[tilespmem:s15], [sflag:$0x3] =	stream.indirect_vreg.gather [hbm4b:s5+s3], $0x80, v3, vm0, $0xb8;
	[tilespmem:$0x1C200] =	vst v63  }
0x244: {  	s15 =	simm.s32 $0x14600  }
0x245: {  	[tilespmem:s15], [sflag:$0x3] =	stream.indirect_vreg.gather [hbm4b:s6+s3], $0x80, v3, vm0, $0xb8;
	[tilespmem:$0x1C200] =	vst v63  }
0x246: {  	s15 =	simm.s32 $0x14E00  }
0x247: {  	[tilespmem:s15], [sflag:$0x3] =	stream.indirect_vreg.gather [hbm4b:s7+s3], $0x80, v3, vm1, $0xb8;
	[tilespmem:$0x1C200] =	vst v63  }
0x248: {  	_ =	swait.ge [sflag:s11], $0x7000  }
0x249: {  	[sflag:s11] =	ssyncset.done $0x0  }
0x24a: {  	s15 =	rddreg [dreg:$0xb];
	[sflag:s11] =	ssyncadd.s32 $0xFFFF9000  }
0x24b: {  	[hbm4b:s15+s3] =	stream.linear.scatter [tilespmem:s26], [sflag:$0x5], $0x7000, $0x38;
	[tilespmem:$0x1C200] =	vst v63  }
0x24c: {  	_ =	swait.ge [sflag:s14], $0x7000  }
0x24d: {  	[sflag:s14] =	ssyncset.done $0x0  }
0x24e: {  	[sflag:s14] =	ssyncadd.s32 $0xFFFF9000  }
0x24f: {  	v3 =	vld [tilespmem:$0x160];
	_ =	sdelay $0x4  }
0x250: {  	v54 =	vshrl.u32 v3, $0x3  }
0x251: {  	v4 =	vmul.u32 $0x38, v54  }
0x252: {  	v3 =	vand.u32 $0x7, v3  }
0x253: {  	v3 =	vor.u32 v3, v4  }
0x254: {  	v4 =	vperm.xlane v3, v0;
	_ =	sdelay $0x1  }
0x255: {  	v4 =	vadd.s32 v1, v4;
	_ =	sdelay $0x4  }
0x256: {  	[tilespmem:s10], [sflag:$0x4] =	stream.indirect_vreg.gather [hbm4b:s2+s3], $0x80, v4, vm0, $0xb8;
	[tilespmem:$0x1C200] =	vst v63  }
0x257: {  	s15 =	simm.s32 $0x15A00;
	v3 =	vperm.xlane v3, v2  }
0x258: {  	[tilespmem:s15], [sflag:$0x4] =	stream.indirect_vreg.gather [hbm4b:s5+s3], $0x80, v4, vm0, $0xb8;
	[tilespmem:$0x1C200] =	vst v63  }
0x259: {  	s29 =	simm.s32 $0x16200;
	v3 =	vadd.s32 v1, v3  }
0x25a: {  	[tilespmem:s29], [sflag:$0x4] =	stream.indirect_vreg.gather [hbm4b:s6+s3], $0x80, v4, vm0, $0xb8;
	[tilespmem:$0x1C200] =	vst v63  }
0x25b: {  	s30 =	simm.s32 $0x16A00  }
0x25c: {  	[tilespmem:s30], [sflag:$0x4] =	stream.indirect_vreg.gather [hbm4b:s7+s3], $0x80, v4, vm1, $0xb8;
	[tilespmem:$0x1C200] =	vst v63  }
0x25d: {  	s15 =	simm.s32 $0x16E00  }
0x25e: {  	[tilespmem:s15], [sflag:$0x4] =	stream.indirect_vreg.gather [hbm4b:s2+s3], $0x80, v3, vm0, $0xb8;
	[tilespmem:$0x1C200] =	vst v63  }
0x25f: {  	s15 =	simm.s32 $0x17600  }
0x260: {  	[tilespmem:s15], [sflag:$0x4] =	stream.indirect_vreg.gather [hbm4b:s5+s3], $0x80, v3, vm0, $0xb8;
	[tilespmem:$0x1C200] =	vst v63  }
0x261: {  	s15 =	simm.s32 $0x17E00  }
0x262: {  	[tilespmem:s15], [sflag:$0x4] =	stream.indirect_vreg.gather [hbm4b:s6+s3], $0x80, v3, vm0, $0xb8;
	[tilespmem:$0x1C200] =	vst v63  }
0x263: {  	s15 =	simm.s32 $0x18600  }
0x264: {  	[tilespmem:s15], [sflag:$0x4] =	stream.indirect_vreg.gather [hbm4b:s7+s3], $0x80, v3, vm1, $0xb8;
	[tilespmem:$0x1C200] =	vst v63  }
0x265: {  	v3 =	vld [tilespmem:$0x170];
	_ =	sdelay $0x4  }
0x266: {  	v55 =	vshrl.u32 v3, $0x3  }
0x267: {  	v4 =	vmul.u32 $0x38, v55  }
0x268: {  	v3 =	vand.u32 $0x7, v3  }
0x269: {  	v3 =	vor.u32 v3, v4  }
0x26a: {  	v4 =	vperm.xlane v3, v0;
	_ =	sdelay $0x1  }
0x26b: {  	v4 =	vadd.s32 v1, v4;
	_ =	sdelay $0x3  }
0x26c: {  	s15 =	simm.s32 $0x18A00  }
0x26d: {  	[tilespmem:s15], [sflag:$0x4] =	stream.indirect_vreg.gather [hbm4b:s2+s3], $0x80, v4, vm0, $0xb8;
	[tilespmem:$0x1C200] =	vst v63  }
0x26e: {  	v3 =	vperm.xlane v3, v2;
	s15 =	simm.s32 $0x19200  }
0x26f: {  	[tilespmem:s15], [sflag:$0x4] =	stream.indirect_vreg.gather [hbm4b:s5+s3], $0x80, v4, vm0, $0xb8;
	[tilespmem:$0x1C200] =	vst v63  }
0x270: {  	v3 =	vadd.s32 v1, v3;
	s15 =	simm.s32 $0x19A00  }
0x271: {  	[tilespmem:s15], [sflag:$0x4] =	stream.indirect_vreg.gather [hbm4b:s6+s3], $0x80, v4, vm0, $0xb8;
	[tilespmem:$0x1C200] =	vst v63  }
0x272: {  	s15 =	simm.s32 $0x1A200  }
0x273: {  	[tilespmem:s15], [sflag:$0x4] =	stream.indirect_vreg.gather [hbm4b:s7+s3], $0x80, v4, vm1, $0xb8;
	[tilespmem:$0x1C200] =	vst v63  }
0x274: {  	s15 =	simm.s32 $0x1A600  }
0x275: {  	[tilespmem:s15], [sflag:$0x4] =	stream.indirect_vreg.gather [hbm4b:s2+s3], $0x80, v3, vm0, $0xb8;
	[tilespmem:$0x1C200] =	vst v63  }
0x276: {  	s15 =	simm.s32 $0x1AE00  }
0x277: {  	[tilespmem:s15], [sflag:$0x4] =	stream.indirect_vreg.gather [hbm4b:s5+s3], $0x80, v3, vm0, $0xb8;
	[tilespmem:$0x1C200] =	vst v63  }
0x278: {  	s15 =	simm.s32 $0x1B600  }
0x279: {  	[tilespmem:s15], [sflag:$0x4] =	stream.indirect_vreg.gather [hbm4b:s6+s3], $0x80, v3, vm0, $0xb8;
	[tilespmem:$0x1C200] =	vst v63  }
0x27a: {  	s15 =	simm.s32 $0x1BE00  }
0x27b: {  	[tilespmem:s15], [sflag:$0x4] =	stream.indirect_vreg.gather [hbm4b:s7+s3], $0x80, v3, vm1, $0xb8;
	[tilespmem:$0x1C200] =	vst v63  }
0x27c: {  	_ =	swait.ge [sflag:s31], $0x7000  }
0x27d: {  	[sflag:s31] =	ssyncset.done $0x0  }
0x27e: {  	s15 =	rddreg [dreg:$0xc];
	[sflag:s31] =	ssyncadd.s32 $0xFFFF9000  }
0x27f: {  	[hbm4b:s15+s3] =	stream.linear.scatter [tilespmem:s28], [sflag:$0x6], $0x7000, $0x38;
	[tilespmem:$0x1C200] =	vst v63  }
0x280: {  	_ =	swait.ge [sflag:s0], $0x7000  }
0x281: {  	[sflag:s0] =	ssyncset.done $0x0  }
0x282: {  	[sflag:s0] =	ssyncadd.s32 $0xFFFF9000  }
0x283: {  	v3 =	vld [tilespmem:$0x180];
	_ =	sdelay $0x4  }
0x284: {  	v56 =	vshrl.u32 v3, $0x3  }
0x285: {  	v4 =	vmul.u32 $0x38, v56  }
0x286: {  	v3 =	vand.u32 $0x7, v3  }
0x287: {  	v3 =	vor.u32 v3, v4  }
0x288: {  	v4 =	vperm.xlane v3, v0;
	_ =	sdelay $0x1  }
0x289: {  	v4 =	vadd.s32 v1, v4;
	_ =	sdelay $0x4  }
0x28a: {  	[tilespmem:s26], [sflag:$0x1] =	stream.indirect_vreg.gather [hbm4b:s2+s3], $0x80, v4, vm0, $0xb8;
	[tilespmem:$0x1C200] =	vst v63  }
0x28b: {  	s15 =	simm.s32 $0xA00;
	v3 =	vperm.xlane v3, v2  }
0x28c: {  	[tilespmem:s15], [sflag:$0x1] =	stream.indirect_vreg.gather [hbm4b:s5+s3], $0x80, v4, vm0, $0xb8;
	[tilespmem:$0x1C200] =	vst v63  }
0x28d: {  	s12 =	simm.s32 $0x1200;
	v3 =	vadd.s32 v1, v3  }
0x28e: {  	[tilespmem:s12], [sflag:$0x1] =	stream.indirect_vreg.gather [hbm4b:s6+s3], $0x80, v4, vm0, $0xb8;
	[tilespmem:$0x1C200] =	vst v63  }
0x28f: {  	s16 =	simm.s32 $0x1A00  }
0x290: {  	[tilespmem:s16], [sflag:$0x1] =	stream.indirect_vreg.gather [hbm4b:s7+s3], $0x80, v4, vm1, $0xb8;
	[tilespmem:$0x1C200] =	vst v63  }
0x291: {  	s17 =	simm.s32 $0x1E00  }
0x292: {  	[tilespmem:s17], [sflag:$0x1] =	stream.indirect_vreg.gather [hbm4b:s2+s3], $0x80, v3, vm0, $0xb8;
	[tilespmem:$0x1C200] =	vst v63  }
0x293: {  	s18 =	simm.s32 $0x2600  }
0x294: {  	[tilespmem:s18], [sflag:$0x1] =	stream.indirect_vreg.gather [hbm4b:s5+s3], $0x80, v3, vm0, $0xb8;
	[tilespmem:$0x1C200] =	vst v63  }
0x295: {  	s19 =	simm.s32 $0x2E00  }
0x296: {  	[tilespmem:s19], [sflag:$0x1] =	stream.indirect_vreg.gather [hbm4b:s6+s3], $0x80, v3, vm0, $0xb8;
	[tilespmem:$0x1C200] =	vst v63  }
0x297: {  	s16 =	simm.s32 $0x3600  }
0x298: {  	[tilespmem:s16], [sflag:$0x1] =	stream.indirect_vreg.gather [hbm4b:s7+s3], $0x80, v3, vm1, $0xb8;
	[tilespmem:$0x1C200] =	vst v63  }
0x299: {  	v3 =	vld [tilespmem:$0x190];
	_ =	sdelay $0x4  }
0x29a: {  	v57 =	vshrl.u32 v3, $0x3  }
0x29b: {  	v4 =	vmul.u32 $0x38, v57  }
0x29c: {  	v3 =	vand.u32 $0x7, v3  }
0x29d: {  	v3 =	vor.u32 v3, v4  }
0x29e: {  	v4 =	vperm.xlane v3, v0;
	_ =	sdelay $0x1  }
0x29f: {  	v4 =	vadd.s32 v1, v4;
	_ =	sdelay $0x3  }
0x2a0: {  	s17 =	simm.s32 $0x3A00  }
0x2a1: {  	[tilespmem:s17], [sflag:$0x1] =	stream.indirect_vreg.gather [hbm4b:s2+s3], $0x80, v4, vm0, $0xb8;
	[tilespmem:$0x1C200] =	vst v63  }
0x2a2: {  	s18 =	simm.s32 $0x4200;
	v3 =	vperm.xlane v3, v2  }
0x2a3: {  	[tilespmem:s18], [sflag:$0x1] =	stream.indirect_vreg.gather [hbm4b:s5+s3], $0x80, v4, vm0, $0xb8;
	[tilespmem:$0x1C200] =	vst v63  }
0x2a4: {  	s20 =	simm.s32 $0x4A00;
	v3 =	vadd.s32 v1, v3  }
0x2a5: {  	[tilespmem:s20], [sflag:$0x1] =	stream.indirect_vreg.gather [hbm4b:s6+s3], $0x80, v4, vm0, $0xb8;
	[tilespmem:$0x1C200] =	vst v63  }
0x2a6: {  	s21 =	simm.s32 $0x5200  }
0x2a7: {  	[tilespmem:s21], [sflag:$0x1] =	stream.indirect_vreg.gather [hbm4b:s7+s3], $0x80, v4, vm1, $0xb8;
	[tilespmem:$0x1C200] =	vst v63  }
0x2a8: {  	s22 =	simm.s32 $0x5600  }
0x2a9: {  	[tilespmem:s22], [sflag:$0x1] =	stream.indirect_vreg.gather [hbm4b:s2+s3], $0x80, v3, vm0, $0xb8;
	[tilespmem:$0x1C200] =	vst v63  }
0x2aa: {  	s23 =	simm.s32 $0x5E00  }
0x2ab: {  	[tilespmem:s23], [sflag:$0x1] =	stream.indirect_vreg.gather [hbm4b:s5+s3], $0x80, v3, vm0, $0xb8;
	[tilespmem:$0x1C200] =	vst v63  }
0x2ac: {  	s24 =	simm.s32 $0x6600  }
0x2ad: {  	[tilespmem:s24], [sflag:$0x1] =	stream.indirect_vreg.gather [hbm4b:s6+s3], $0x80, v3, vm0, $0xb8;
	[tilespmem:$0x1C200] =	vst v63  }
0x2ae: {  	s19 =	simm.s32 $0x6E00  }
0x2af: {  	[tilespmem:s19], [sflag:$0x1] =	stream.indirect_vreg.gather [hbm4b:s7+s3], $0x80, v3, vm1, $0xb8;
	[tilespmem:$0x1C200] =	vst v63  }
0x2b0: {  	_ =	swait.ge [sflag:s1], $0x7000  }
0x2b1: {  	[sflag:s1] =	ssyncset.done $0x0  }
0x2b2: {  	s20 =	rddreg [dreg:$0xd];
	[sflag:s1] =	ssyncadd.s32 $0xFFFF9000  }
0x2b3: {  	[hbm4b:s20+s3] =	stream.linear.scatter [tilespmem:s25], [sflag:$0x7], $0x7000, $0x38;
	[tilespmem:$0x1C200] =	vst v63  }
0x2b4: {  	_ =	swait.ge [sflag:s4], $0x7000  }
0x2b5: {  	[sflag:s4] =	ssyncset.done $0x0  }
0x2b6: {  	[sflag:s4] =	ssyncadd.s32 $0xFFFF9000  }
0x2b7: {  	v3 =	vld [tilespmem:$0x1A0];
	_ =	sdelay $0x4  }
0x2b8: {  	v58 =	vshrl.u32 v3, $0x3  }
0x2b9: {  	v4 =	vmul.u32 $0x38, v58  }
0x2ba: {  	v3 =	vand.u32 $0x7, v3  }
0x2bb: {  	v3 =	vor.u32 v3, v4  }
0x2bc: {  	v4 =	vperm.xlane v3, v0;
	_ =	sdelay $0x1  }
0x2bd: {  	v4 =	vadd.s32 v1, v4;
	_ =	sdelay $0x4  }
0x2be: {  	[tilespmem:s28], [sflag:$0x2] =	stream.indirect_vreg.gather [hbm4b:s2+s3], $0x80, v4, vm0, $0xb8;
	[tilespmem:$0x1C200] =	vst v63  }
0x2bf: {  	s21 =	simm.s32 $0x7A00;
	v3 =	vperm.xlane v3, v2  }
0x2c0: {  	[tilespmem:s21], [sflag:$0x2] =	stream.indirect_vreg.gather [hbm4b:s5+s3], $0x80, v4, vm0, $0xb8;
	[tilespmem:$0x1C200] =	vst v63  }
0x2c1: {  	s22 =	simm.s32 $0x8200;
	v3 =	vadd.s32 v1, v3  }
0x2c2: {  	[tilespmem:s22], [sflag:$0x2] =	stream.indirect_vreg.gather [hbm4b:s6+s3], $0x80, v4, vm0, $0xb8;
	[tilespmem:$0x1C200] =	vst v63  }
0x2c3: {  	s23 =	simm.s32 $0x8A00  }
0x2c4: {  	[tilespmem:s23], [sflag:$0x2] =	stream.indirect_vreg.gather [hbm4b:s7+s3], $0x80, v4, vm1, $0xb8;
	[tilespmem:$0x1C200] =	vst v63  }
0x2c5: {  	s24 =	simm.s32 $0x8E00  }
0x2c6: {  	[tilespmem:s24], [sflag:$0x2] =	stream.indirect_vreg.gather [hbm4b:s2+s3], $0x80, v3, vm0, $0xb8;
	[tilespmem:$0x1C200] =	vst v63  }
0x2c7: {  	s15 =	simm.s32 $0x9600  }
0x2c8: {  	[tilespmem:s15], [sflag:$0x2] =	stream.indirect_vreg.gather [hbm4b:s5+s3], $0x80, v3, vm0, $0xb8;
	[tilespmem:$0x1C200] =	vst v63  }
0x2c9: {  	s16 =	simm.s32 $0x9E00  }
0x2ca: {  	[tilespmem:s16], [sflag:$0x2] =	stream.indirect_vreg.gather [hbm4b:s6+s3], $0x80, v3, vm0, $0xb8;
	[tilespmem:$0x1C200] =	vst v63  }
0x2cb: {  	s17 =	simm.s32 $0xA600  }
0x2cc: {  	[tilespmem:s17], [sflag:$0x2] =	stream.indirect_vreg.gather [hbm4b:s7+s3], $0x80, v3, vm1, $0xb8;
	[tilespmem:$0x1C200] =	vst v63  }
0x2cd: {  	v3 =	vld [tilespmem:$0x1B0];
	_ =	sdelay $0x4  }
0x2ce: {  	v59 =	vshrl.u32 v3, $0x3  }
0x2cf: {  	v4 =	vmul.u32 $0x38, v59  }
0x2d0: {  	v3 =	vand.u32 $0x7, v3  }
0x2d1: {  	v3 =	vor.u32 v3, v4  }
0x2d2: {  	v4 =	vperm.xlane v3, v0;
	_ =	sdelay $0x1  }
0x2d3: {  	v4 =	vadd.s32 v1, v4;
	_ =	sdelay $0x3  }
0x2d4: {  	s18 =	simm.s32 $0xAA00  }
0x2d5: {  	[tilespmem:s18], [sflag:$0x2] =	stream.indirect_vreg.gather [hbm4b:s2+s3], $0x80, v4, vm0, $0xb8;
	[tilespmem:$0x1C200] =	vst v63  }
0x2d6: {  	s19 =	simm.s32 $0xB200;
	v3 =	vperm.xlane v3, v2  }
0x2d7: {  	[tilespmem:s19], [sflag:$0x2] =	stream.indirect_vreg.gather [hbm4b:s5+s3], $0x80, v4, vm0, $0xb8;
	[tilespmem:$0x1C200] =	vst v63  }
0x2d8: {  	s20 =	simm.s32 $0xBA00;
	v3 =	vadd.s32 v1, v3  }
0x2d9: {  	[tilespmem:s20], [sflag:$0x2] =	stream.indirect_vreg.gather [hbm4b:s6+s3], $0x80, v4, vm0, $0xb8;
	[tilespmem:$0x1C200] =	vst v63  }
0x2da: {  	s21 =	simm.s32 $0xC200  }
0x2db: {  	[tilespmem:s21], [sflag:$0x2] =	stream.indirect_vreg.gather [hbm4b:s7+s3], $0x80, v4, vm1, $0xb8;
	[tilespmem:$0x1C200] =	vst v63  }
0x2dc: {  	s22 =	simm.s32 $0xC600  }
0x2dd: {  	[tilespmem:s22], [sflag:$0x2] =	stream.indirect_vreg.gather [hbm4b:s2+s3], $0x80, v3, vm0, $0xb8;
	[tilespmem:$0x1C200] =	vst v63  }
0x2de: {  	s23 =	simm.s32 $0xCE00  }
0x2df: {  	[tilespmem:s23], [sflag:$0x2] =	stream.indirect_vreg.gather [hbm4b:s5+s3], $0x80, v3, vm0, $0xb8;
	[tilespmem:$0x1C200] =	vst v63  }
0x2e0: {  	s24 =	simm.s32 $0xD600  }
0x2e1: {  	[tilespmem:s24], [sflag:$0x2] =	stream.indirect_vreg.gather [hbm4b:s6+s3], $0x80, v3, vm0, $0xb8;
	[tilespmem:$0x1C200] =	vst v63  }
0x2e2: {  	s15 =	simm.s32 $0xDE00  }
0x2e3: {  	[tilespmem:s15], [sflag:$0x2] =	stream.indirect_vreg.gather [hbm4b:s7+s3], $0x80, v3, vm1, $0xb8;
	[tilespmem:$0x1C200] =	vst v63  }
0x2e4: {  	_ =	swait.ge [sflag:s9], $0x7000  }
0x2e5: {  	[sflag:s9] =	ssyncset.done $0x0  }
0x2e6: {  	s16 =	rddreg [dreg:$0xe];
	[sflag:s9] =	ssyncadd.s32 $0xFFFF9000  }
0x2e7: {  	[hbm4b:s16+s3] =	stream.linear.scatter [tilespmem:s10], [sflag:$0x8], $0x7000, $0x38;
	[tilespmem:$0x1C200] =	vst v63  }
0x2e8: {  	_ =	swait.ge [sflag:s13], $0x7000  }
0x2e9: {  	[sflag:s13] =	ssyncset.done $0x0  }
0x2ea: {  	[sflag:s13] =	ssyncadd.s32 $0xFFFF9000  }
0x2eb: {  	v3 =	vld [tilespmem:$0x1C0];
	_ =	sdelay $0x4  }
0x2ec: {  	v60 =	vshrl.u32 v3, $0x3  }
0x2ed: {  	v4 =	vmul.u32 $0x38, v60  }
0x2ee: {  	v3 =	vand.u32 $0x7, v3  }
0x2ef: {  	v3 =	vor.u32 v3, v4  }
0x2f0: {  	v4 =	vperm.xlane v3, v0;
	_ =	sdelay $0x1  }
0x2f1: {  	v4 =	vadd.s32 v1, v4;
	_ =	sdelay $0x4  }
0x2f2: {  	[tilespmem:s25], [sflag:$0x3] =	stream.indirect_vreg.gather [hbm4b:s2+s3], $0x80, v4, vm0, $0xb8;
	[tilespmem:$0x1C200] =	vst v63  }
0x2f3: {  	s17 =	simm.s32 $0xEA00;
	v3 =	vperm.xlane v3, v2  }
0x2f4: {  	[tilespmem:s17], [sflag:$0x3] =	stream.indirect_vreg.gather [hbm4b:s5+s3], $0x80, v4, vm0, $0xb8;
	[tilespmem:$0x1C200] =	vst v63  }
0x2f5: {  	s18 =	simm.s32 $0xF200;
	v3 =	vadd.s32 v1, v3  }
0x2f6: {  	[tilespmem:s18], [sflag:$0x3] =	stream.indirect_vreg.gather [hbm4b:s6+s3], $0x80, v4, vm0, $0xb8;
	[tilespmem:$0x1C200] =	vst v63  }
0x2f7: {  	s19 =	simm.s32 $0xFA00  }
0x2f8: {  	[tilespmem:s19], [sflag:$0x3] =	stream.indirect_vreg.gather [hbm4b:s7+s3], $0x80, v4, vm1, $0xb8;
	[tilespmem:$0x1C200] =	vst v63  }
0x2f9: {  	s20 =	simm.s32 $0xFE00  }
0x2fa: {  	[tilespmem:s20], [sflag:$0x3] =	stream.indirect_vreg.gather [hbm4b:s2+s3], $0x80, v3, vm0, $0xb8;
	[tilespmem:$0x1C200] =	vst v63  }
0x2fb: {  	s21 =	simm.s32 $0x10600  }
0x2fc: {  	[tilespmem:s21], [sflag:$0x3] =	stream.indirect_vreg.gather [hbm4b:s5+s3], $0x80, v3, vm0, $0xb8;
	[tilespmem:$0x1C200] =	vst v63  }
0x2fd: {  	s22 =	simm.s32 $0x10E00  }
0x2fe: {  	[tilespmem:s22], [sflag:$0x3] =	stream.indirect_vreg.gather [hbm4b:s6+s3], $0x80, v3, vm0, $0xb8;
	[tilespmem:$0x1C200] =	vst v63  }
0x2ff: {  	s23 =	simm.s32 $0x11600  }
0x300: {  	[tilespmem:s23], [sflag:$0x3] =	stream.indirect_vreg.gather [hbm4b:s7+s3], $0x80, v3, vm1, $0xb8;
	[tilespmem:$0x1C200] =	vst v63  }
0x301: {  	v3 =	vld [tilespmem:$0x1D0];
	_ =	sdelay $0x4  }
0x302: {  	v61 =	vshrl.u32 v3, $0x3  }
0x303: {  	v4 =	vmul.u32 $0x38, v61  }
0x304: {  	v3 =	vand.u32 $0x7, v3  }
0x305: {  	v3 =	vor.u32 v3, v4  }
0x306: {  	v4 =	vperm.xlane v3, v0;
	_ =	sdelay $0x1  }
0x307: {  	v4 =	vadd.s32 v1, v4;
	_ =	sdelay $0x3  }
0x308: {  	s24 =	simm.s32 $0x11A00  }
0x309: {  	[tilespmem:s24], [sflag:$0x3] =	stream.indirect_vreg.gather [hbm4b:s2+s3], $0x80, v4, vm0, $0xb8;
	[tilespmem:$0x1C200] =	vst v63  }
0x30a: {  	s15 =	simm.s32 $0x12200;
	v3 =	vperm.xlane v3, v2  }
0x30b: {  	[tilespmem:s15], [sflag:$0x3] =	stream.indirect_vreg.gather [hbm4b:s5+s3], $0x80, v4, vm0, $0xb8;
	[tilespmem:$0x1C200] =	vst v63  }
0x30c: {  	s16 =	simm.s32 $0x12A00;
	v3 =	vadd.s32 v1, v3  }
0x30d: {  	[tilespmem:s16], [sflag:$0x3] =	stream.indirect_vreg.gather [hbm4b:s6+s3], $0x80, v4, vm0, $0xb8;
	[tilespmem:$0x1C200] =	vst v63  }
0x30e: {  	s17 =	simm.s32 $0x13200  }
0x30f: {  	[tilespmem:s17], [sflag:$0x3] =	stream.indirect_vreg.gather [hbm4b:s7+s3], $0x80, v4, vm1, $0xb8;
	[tilespmem:$0x1C200] =	vst v63  }
0x310: {  	s18 =	simm.s32 $0x13600  }
0x311: {  	[tilespmem:s18], [sflag:$0x3] =	stream.indirect_vreg.gather [hbm4b:s2+s3], $0x80, v3, vm0, $0xb8;
	[tilespmem:$0x1C200] =	vst v63  }
0x312: {  	s19 =	simm.s32 $0x13E00  }
0x313: {  	[tilespmem:s19], [sflag:$0x3] =	stream.indirect_vreg.gather [hbm4b:s5+s3], $0x80, v3, vm0, $0xb8;
	[tilespmem:$0x1C200] =	vst v63  }
0x314: {  	s20 =	simm.s32 $0x14600  }
0x315: {  	[tilespmem:s20], [sflag:$0x3] =	stream.indirect_vreg.gather [hbm4b:s6+s3], $0x80, v3, vm0, $0xb8;
	[tilespmem:$0x1C200] =	vst v63  }
0x316: {  	s21 =	simm.s32 $0x14E00  }
0x317: {  	[tilespmem:s21], [sflag:$0x3] =	stream.indirect_vreg.gather [hbm4b:s7+s3], $0x80, v3, vm1, $0xb8;
	[tilespmem:$0x1C200] =	vst v63  }
0x318: {  	_ =	swait.ge [sflag:s11], $0x7000  }
0x319: {  	[sflag:s11] =	ssyncset.done $0x0  }
0x31a: {  	s22 =	rddreg [dreg:$0xf];
	[sflag:s11] =	ssyncadd.s32 $0xFFFF9000  }
0x31b: {  	[hbm4b:s22+s3] =	stream.linear.scatter [tilespmem:s26], [sflag:$0x5], $0x7000, $0x38;
	[tilespmem:$0x1C200] =	vst v63  }
0x31c: {  	_ =	swait.ge [sflag:s14], $0x7000  }
0x31d: {  	[sflag:s14] =	ssyncset.done $0x0  }
0x31e: {  	[sflag:s14] =	ssyncadd.s32 $0xFFFF9000  }
0x31f: {  	v3 =	vld [tilespmem:$0x1E0];
	_ =	sdelay $0x4  }
0x320: {  	v62 =	vshrl.u32 v3, $0x3  }
0x321: {  	v4 =	vmul.u32 $0x38, v62  }
0x322: {  	v3 =	vand.u32 $0x7, v3  }
0x323: {  	v3 =	vor.u32 v3, v4  }
0x324: {  	v4 =	vperm.xlane v3, v0;
	_ =	sdelay $0x1  }
0x325: {  	v4 =	vadd.s32 v1, v4;
	_ =	sdelay $0x4  }
0x326: {  	[tilespmem:s10], [sflag:$0x4] =	stream.indirect_vreg.gather [hbm4b:s2+s3], $0x80, v4, vm0, $0xb8;
	[tilespmem:$0x1C200] =	vst v63  }
0x327: {  	s23 =	simm.s32 $0x15A00;
	v3 =	vperm.xlane v3, v2  }
0x328: {  	[tilespmem:s23], [sflag:$0x4] =	stream.indirect_vreg.gather [hbm4b:s5+s3], $0x80, v4, vm0, $0xb8;
	[tilespmem:$0x1C200] =	vst v63  }
0x329: {  	s29 =	simm.s32 $0x16200;
	v3 =	vadd.s32 v1, v3  }
0x32a: {  	[tilespmem:s29], [sflag:$0x4] =	stream.indirect_vreg.gather [hbm4b:s6+s3], $0x80, v4, vm0, $0xb8;
	[tilespmem:$0x1C200] =	vst v63  }
0x32b: {  	s30 =	simm.s32 $0x16A00  }
0x32c: {  	[tilespmem:s30], [sflag:$0x4] =	stream.indirect_vreg.gather [hbm4b:s7+s3], $0x80, v4, vm1, $0xb8;
	[tilespmem:$0x1C200] =	vst v63  }
0x32d: {  	s24 =	simm.s32 $0x16E00  }
0x32e: {  	[tilespmem:s24], [sflag:$0x4] =	stream.indirect_vreg.gather [hbm4b:s2+s3], $0x80, v3, vm0, $0xb8;
	[tilespmem:$0x1C200] =	vst v63  }
0x32f: {  	s29 =	simm.s32 $0x17600  }
0x330: {  	[tilespmem:s29], [sflag:$0x4] =	stream.indirect_vreg.gather [hbm4b:s5+s3], $0x80, v3, vm0, $0xb8;
	[tilespmem:$0x1C200] =	vst v63  }
0x331: {  	s30 =	simm.s32 $0x17E00  }
0x332: {  	[tilespmem:s30], [sflag:$0x4] =	stream.indirect_vreg.gather [hbm4b:s6+s3], $0x80, v3, vm0, $0xb8;
	[tilespmem:$0x1C200] =	vst v63  }
0x333: {  	s15 =	simm.s32 $0x18600  }
0x334: {  	[tilespmem:s15], [sflag:$0x4] =	stream.indirect_vreg.gather [hbm4b:s7+s3], $0x80, v3, vm1, $0xb8;
	[tilespmem:$0x1C200] =	vst v63  }
0x335: {  	v3 =	vld [tilespmem:$0x1F0];
	_ =	sdelay $0x4  }
0x336: {  	v63 =	vshrl.u32 v3, $0x3  }
0x337: {  	v4 =	vmul.u32 $0x38, v63  }
0x338: {  	v3 =	vand.u32 $0x7, v3  }
0x339: {  	v3 =	vor.u32 v3, v4  }
0x33a: {  	v4 =	vperm.xlane v3, v0;
	_ =	sdelay $0x1  }
0x33b: {  	v4 =	vadd.s32 v1, v4;
	_ =	sdelay $0x3  }
0x33c: {  	s16 =	simm.s32 $0x18A00  }
0x33d: {  	[tilespmem:s16], [sflag:$0x4] =	stream.indirect_vreg.gather [hbm4b:s2+s3], $0x80, v4, vm0, $0xb8;
	[tilespmem:$0x1C200] =	vst v63  }
0x33e: {  	s17 =	simm.s32 $0x19200;
	v3 =	vperm.xlane v3, v2  }
0x33f: {  	[tilespmem:s17], [sflag:$0x4] =	stream.indirect_vreg.gather [hbm4b:s5+s3], $0x80, v4, vm0, $0xb8;
	[tilespmem:$0x1C200] =	vst v63  }
0x340: {  	s18 =	simm.s32 $0x19A00;
	v3 =	vadd.s32 v1, v3  }
0x341: {  	[tilespmem:s18], [sflag:$0x4] =	stream.indirect_vreg.gather [hbm4b:s6+s3], $0x80, v4, vm0, $0xb8;
	[tilespmem:$0x1C200] =	vst v63  }
0x342: {  	s19 =	simm.s32 $0x1A200  }
0x343: {  	[tilespmem:s19], [sflag:$0x4] =	stream.indirect_vreg.gather [hbm4b:s7+s3], $0x80, v4, vm1, $0xb8;
	[tilespmem:$0x1C200] =	vst v63  }
0x344: {  	s20 =	simm.s32 $0x1A600  }
0x345: {  	[tilespmem:s20], [sflag:$0x4] =	stream.indirect_vreg.gather [hbm4b:s2+s3], $0x80, v3, vm0, $0xb8;
	[tilespmem:$0x1C200] =	vst v63  }
0x346: {  	s21 =	simm.s32 $0x1AE00  }
0x347: {  	[tilespmem:s21], [sflag:$0x4] =	stream.indirect_vreg.gather [hbm4b:s5+s3], $0x80, v3, vm0, $0xb8;
	[tilespmem:$0x1C200] =	vst v63  }
0x348: {  	s22 =	simm.s32 $0x1B600  }
0x349: {  	[tilespmem:s22], [sflag:$0x4] =	stream.indirect_vreg.gather [hbm4b:s6+s3], $0x80, v3, vm0, $0xb8;
	[tilespmem:$0x1C200] =	vst v63  }
0x34a: {  	s23 =	simm.s32 $0x1BE00  }
0x34b: {  	[tilespmem:s23], [sflag:$0x4] =	stream.indirect_vreg.gather [hbm4b:s7+s3], $0x80, v3, vm1, $0xb8;
	[tilespmem:$0x1C200] =	vst v63  }
0x34c: {  	_ =	swait.ge [sflag:s31], $0x7000  }
0x34d: {  	[sflag:s31] =	ssyncset.done $0x0  }
0x34e: {  	s24 =	rddreg [dreg:$0x10];
	[sflag:s31] =	ssyncadd.s32 $0xFFFF9000  }
0x34f: {  	[hbm4b:s24+s3] =	stream.linear.scatter [tilespmem:s28], [sflag:$0x6], $0x7000, $0x38;
	[tilespmem:$0x1C200] =	vst v63  }
0x350: {  	_ =	swait.ge [sflag:s0], $0x7000  }
0x351: {  	[sflag:s0] =	ssyncset.done $0x0  }
0x352: {  	[sflag:s0] =	ssyncadd.s32 $0xFFFF9000  }
0x353: {  	_ =	swait.ge [sflag:s1], $0x7000  }
0x354: {  	[sflag:s1] =	ssyncset.done $0x0  }
0x355: {  	s29 =	rddreg [dreg:$0x11];
	[sflag:s1] =	ssyncadd.s32 $0xFFFF9000  }
0x356: {  	[hbm4b:s29+s3] =	stream.linear.scatter [tilespmem:s25], [sflag:$0x7], $0x7000, $0x38;
	[tilespmem:$0x1C200] =	vst v63  }
0x357: {  	_ =	swait.ge [sflag:s4], $0x7000  }
0x358: {  	[sflag:s4] =	ssyncset.done $0x0  }
0x359: {  	[sflag:s4] =	ssyncadd.s32 $0xFFFF9000  }
0x35a: {  	_ =	swait.ge [sflag:s9], $0x7000  }
0x35b: {  	[sflag:s9] =	ssyncset.done $0x0  }
0x35c: {  	s30 =	rddreg [dreg:$0x12];
	[sflag:s9] =	ssyncadd.s32 $0xFFFF9000  }
0x35d: {  	[hbm4b:s30+s3] =	stream.linear.scatter [tilespmem:s10], [sflag:$0x8], $0x7000, $0x38;
	[tilespmem:$0x1C200] =	vst v63  }
0x35e: {  	p0 =	sne.s32 s8, $0x1;
	_ =	swait.ge [sflag:s13], $0x7000  }
.Ltmp0:
0x35f: {  	[sflag:s13] =	ssyncset.done $0x0;
	(pc) =	sbr.rel @p0 .LBB2_1-.Ltmp0, $4  }
0x360: {  	[sflag:s13] =	ssyncadd.s32 $0xFFFF9000  }
0x361: {  	_ =	swait.ge [sflag:s14], $0x7000  }
0x362: {  	[sflag:s14] =	ssyncset.done $0x0  }
0x363: {  	s8 =	sadd.s32 $0xFFFFFFFF, s8;
	[sflag:s14] =	ssyncadd.s32 $0xFFFF9000  }
0x364: {  	_ =	sfence.sel $0x180000  }
0x365: {  	[bflag:$0x0] =	sbarrier.arrive $0xFFFF  }
0x366: {  	_ =	strace $0x90000047  }
0x367: {  	s0 =	stileid.u32;
	[bflag:$0x2] =	sbarrier.arrive $0xFFFF  }
0x368: {  	p0 =	sne.s32 s0, $0x0;
	s0 =	rddreg [dreg:$0x2]  }
0x369: {  	s0 =	sadd.s32 @!p0 $0x100000, s0  }
0x36a: {  	[sflag:s0] =	ssyncadd.tile.s32 @!p0 $0x1;
	_ =	shalt  }
.Lfunc_end2:
_tile_overlayer_lowered:
.L_overlay_start_2:
0x36b: {  	(tag) =	ssettag $0x2  }
0x36c: {  	s0 =	rddreg [dreg:$0x0];
	s2 =	stileid.u32  }
0x36d: {  	s1 =	rddreg [dreg:$0x1];
	p0 =	sne.s32 s2, $0x0  }
0x36e: {  	s3 =	rddreg [dreg:$0x2];
	[bflag:$0x3] =	sbarrier.arrive $0xFFFF;
	s2 =	simm.s32 @!p0 $0x1C09  }
0x36f: {  	[timem:s3], [sflag:s2] =	dma.local @!p0 [hbm:s0], s1  }
0x370: {  	s0 =	simm.s32 @!p0 $0x9  }
0x371: {  	_ =	swait.ge @!p0 [sflag:s0], s1  }
0x372: {  	s1 =	ssub.s32 @!p0 $0x0, s1;
	[sflag:s0] =	ssyncset.done @!p0 $0x0  }
0x373: {  	[sflag:s0] =	ssyncadd.s32 @!p0 s1  }
0x374: {  	[bflag:$0x3] =	sbarrier.arrive $0xFFFF  }
0x375: {  	_ =	shalt  }

</sc_bundles>
